<compile_context>
chip_gen: v7x
topology: tpu7x:2x2x1
jax: 0.10.2.dev20260603
libtpu: 0.0.44.dev20260713+nightly
codegen_flags: <defaults>
</compile_context>

<pallas_src>
import functools

import jax
import jax.numpy as jnp
from jax import lax
from jax.experimental import pallas as pl
from jax.experimental.pallas import tpu as pltpu
from jax.experimental.pallas import tpu_sc as plsc

N = 10000
NP = 10240
G = 4
E = 320000
EP = 327680
DUMMY = 10016
NC, NS = 2, 16
STRIPE = NP // NS
EPW = EP // (NC * NS)
CH = 128
NCH = EPW // CH
RB = 1024
EB = 3200

_f32 = jnp.float32
_HI = lax.Precision.DEFAULT


def _mm(a, b):
    return jnp.dot(a, b, precision=_HI, preferred_element_type=_f32)


def _prelu(t, a):
    return jnp.where(t >= 0, t, a * t)



def _tc1_body(x_ref, b_ref, W0, b0, a0, W1, b1, a1, W2, b2,
              xemb_ref, sums_ref, cnts_ref):
    i = pl.program_id(0)
    t = _prelu(_mm(x_ref[...], W0[...]) + b0[...], a0[0, 0])
    t = _prelu(_mm(t, W1[...]) + b1[...], a1[0, 0])
    e = _mm(t, W2[...]) + b2[...]
    xemb_ref[...] = e
    oh = (b_ref[...] == lax.broadcasted_iota(jnp.int32, (1, G), 1)).astype(_f32)
    s_blk = lax.dot_general(oh, e, (((0,), (0,)), ((), ())), precision=_HI,
                            preferred_element_type=_f32)
    c_blk = lax.dot_general(oh, jnp.ones((RB, 1), _f32),
                            (((0,), (0,)), ((), ())), precision=_HI,
                            preferred_element_type=_f32)

    @pl.when(i == 0)
    def _():
        sums_ref[...] = jnp.zeros_like(sums_ref)
        cnts_ref[...] = jnp.zeros_like(cnts_ref)

    sums_ref[...] += s_blk
    cnts_ref[...] += c_blk


def _tc2_body(sums_ref, cnts_ref, W0, b0, a0, W1, b1, a1, W2, b2, g_ref):
    g = sums_ref[...] / jnp.maximum(cnts_ref[...], 1.0)
    t = _prelu(_mm(g, W0[...]) + b0[...], a0[0, 0])
    t = _prelu(_mm(t, W1[...]) + b1[...], a1[0, 0])
    g_ref[...] = _mm(t, W2[...]) + b2[...]


def _tc3_body(xemb_ref, b_ref, h0_ref, h1_ref, genc_ref, convW_ref,
              h_ref, xw0s_ref, dinv_ref):
    oh = (b_ref[...] == lax.broadcasted_iota(jnp.int32, (1, G), 1)).astype(_f32)
    h = jnp.concatenate([xemb_ref[...], _mm(oh, genc_ref[...])], axis=1)
    dinv = lax.rsqrt(h0_ref[...] + h1_ref[...] + 1.0)
    h_ref[...] = h
    xw0s_ref[...] = _mm(h, convW_ref[...]) * dinv
    dinv_ref[...] = dinv


def _tc4_body(h_ref, xw0s_ref, dinv_ref, p0_ref, p1_ref, cb_ref, W_ref,
              xw1s_ref):
    dinv = dinv_ref[...]
    gcn0 = dinv * (p0_ref[...] + p1_ref[...] + xw0s_ref[...]) + cb_ref[...]
    h1 = h_ref[...] + jnp.maximum(gcn0, 0.0)
    xw1s_ref[...] = _mm(h1, W_ref[...]) * dinv


def _tc5_body(xemb_ref, xw1s_ref, dinv_ref, p0_ref, p1_ref, cb_ref,
              npW0, npa0, npW1, npa1, npW2, epW0a, epW0b, epb0,
              np_ref, A_ref, B_ref):
    dinv = dinv_ref[...]
    final = xemb_ref[...] + dinv * (p0_ref[...] + p1_ref[...] + xw1s_ref[...]) \
        + cb_ref[...]
    t = _prelu(_mm(final, npW0[...]), npa0[0, 0])
    t = _prelu(_mm(t, npW1[...]), npa1[0, 0])
    np_ref[...] = _mm(t, npW2[...])
    A_ref[...] = _mm(final, epW0a[...]) + epb0[...]
    B_ref[...] = _mm(final, epW0b[...])


def _tc6_body(h_ref, W1, b1, a1, W2, b2, out_ref):
    e2 = _prelu(_mm(h_ref[...], W1[...]) + b1[...], a1[0, 0])
    out_ref[...] = _mm(e2, W2[...]) + b2[...]



def _sc_hist_body(dst_hbm, zeros_hbm, ones_hbm, out_hbm, dsts_v, ones_v, acc):
    c = lax.axis_index("c")
    s = lax.axis_index("s")
    stripe = pl.ds(s * STRIPE, STRIPE)
    w = c * NS + s
    pltpu.sync_copy(zeros_hbm.at[stripe], acc.at[stripe])
    pltpu.sync_copy(ones_hbm, ones_v)
    pltpu.sync_copy(dst_hbm.at[pl.ds(w * NCH, NCH)], dsts_v)
    plsc.subcore_barrier()

    def chunk(k, _):
        pltpu.sync_copy(ones_v, acc.at[dsts_v.at[k]], add=True)
        return _

    lax.fori_loop(0, NCH, chunk, None)
    plsc.subcore_barrier()
    pltpu.sync_copy(acc.at[stripe], out_hbm.at[c, stripe])


def _sc_mp_body(table_hbm, src_hbm, dst_hbm, zeros_hbm, out_hbm,
                i0, i1, dsts_v, buf0, buf1, acc,
                semg0, semg1, semi0, semi1):
    c = lax.axis_index("c")
    s = lax.axis_index("s")
    stripe = pl.ds(s * STRIPE, STRIPE)
    w = c * NS + s
    row0 = w * NCH
    pltpu.sync_copy(zeros_hbm.at[stripe], acc.at[stripe])
    pltpu.sync_copy(dst_hbm.at[pl.ds(row0, NCH)], dsts_v)
    plsc.subcore_barrier()

    def wait_g(sem, buf):
        pltpu.make_async_copy(table_hbm.at[i0.at[0]], buf, sem).wait()

    def wait_i(sem, ibuf):
        pltpu.make_async_copy(src_hbm.at[pl.ds(row0, 1)], ibuf, sem).wait()

    pltpu.sync_copy(src_hbm.at[pl.ds(row0, 1)], i0)
    pltpu.async_copy(src_hbm.at[pl.ds(row0 + 1, 1)], i1, semi1)
    pltpu.async_copy(table_hbm.at[i0.at[0]], buf0, semg0)

    def body(i, _):
        k0 = 2 * i
        k1 = k0 + 1
        wait_g(semg0, buf0)
        wait_i(semi1, i1)

        @pl.when(i < NCH // 2 - 1)
        def _():
            pltpu.async_copy(src_hbm.at[pl.ds(row0 + k0 + 2, 1)], i0, semi0)

        pltpu.async_copy(table_hbm.at[i1.at[0]], buf1, semg1)
        pltpu.sync_copy(buf0, acc.at[dsts_v.at[k0]], add=True)
        wait_g(semg1, buf1)

        @pl.when(i < NCH // 2 - 1)
        def _():
            wait_i(semi0, i0)
            pltpu.async_copy(src_hbm.at[pl.ds(row0 + k1 + 2, 1)], i1, semi1)
            pltpu.async_copy(table_hbm.at[i0.at[0]], buf0, semg0)

        pltpu.sync_copy(buf1, acc.at[dsts_v.at[k1]], add=True)
        return _

    lax.fori_loop(0, NCH // 2, body, None)
    plsc.subcore_barrier()
    pltpu.sync_copy(acc.at[stripe], out_hbm.at[c, stripe])


def _sc_edge_body(A_hbm, B_hbm, src_hbm, dst_hbm, a016_hbm, h1e_hbm,
                  srcs_v, dsts_v, a0, b0, a1, b1, av,
                  semg0, semg1, semw0, semw1):
    c = lax.axis_index("c")
    s = lax.axis_index("s")
    w = c * NS + s
    base_w = w * EPW
    pltpu.sync_copy(src_hbm.at[pl.ds(w * NCH, NCH)], srcs_v)
    pltpu.sync_copy(dst_hbm.at[pl.ds(w * NCH, NCH)], dsts_v)
    pltpu.sync_copy(a016_hbm, av)

    def wait_w(sem, buf):
        pltpu.make_async_copy(buf, h1e_hbm.at[pl.ds(base_w, CH)], sem).wait()

    def wait_g(sem, buf):
        pltpu.make_async_copy(A_hbm.at[srcs_v.at[0]], buf, sem).wait()

    def compute(abuf, bbuf):
        aval = av[...]

        def row(r, _):
            for cc in range(4):
                sl = pl.ds(cc * 16, 16)
                t = abuf[r, sl] + bbuf[r, sl]
                abuf[r, sl] = jnp.where(t >= 0, t, aval * t)
            return _

        lax.fori_loop(0, CH, row, None)

    pltpu.async_copy(A_hbm.at[srcs_v.at[0]], a0, semg0)
    pltpu.async_copy(B_hbm.at[dsts_v.at[0]], b0, semg0)

    def body(i, _):
        k0 = 2 * i
        k1 = k0 + 1
        out0 = pl.ds(base_w + k0 * CH, CH)
        out1 = pl.ds(base_w + k1 * CH, CH)
        wait_g(semg0, a0)
        wait_g(semg0, b0)

        @pl.when(i > 0)
        def _():
            wait_w(semw1, a1)

        pltpu.async_copy(A_hbm.at[srcs_v.at[k1]], a1, semg1)
        pltpu.async_copy(B_hbm.at[dsts_v.at[k1]], b1, semg1)
        compute(a0, b0)
        pltpu.async_copy(a0, h1e_hbm.at[out0], semw0)
        wait_g(semg1, a1)
        wait_g(semg1, b1)

        @pl.when(i < NCH // 2 - 1)
        def _():
            wait_w(semw0, a0)
            pltpu.async_copy(A_hbm.at[srcs_v.at[k0 + 2]], a0, semg0)
            pltpu.async_copy(B_hbm.at[dsts_v.at[k0 + 2]], b0, semg0)

        compute(a1, b1)
        pltpu.async_copy(a1, h1e_hbm.at[out1], semw1)
        return _

    lax.fori_loop(0, NCH // 2, body, None)
    wait_w(semw0, a0)
    wait_w(semw1, a1)


@functools.cache
def _sc_mesh():
    return plsc.VectorSubcoreMesh(core_axis_name="c", subcore_axis_name="s",
                                  num_cores=NC, num_subcores=NS)


def _sc_hist(dst_pad, zeros_n, ones_v):
    return pl.kernel(
        _sc_hist_body,
        out_type=jax.ShapeDtypeStruct((NC, NP), _f32),
        mesh=_sc_mesh(),
        compiler_params=pltpu.CompilerParams(use_tc_tiling_on_sc=False),
        scratch_types=[
            pltpu.VMEM((NCH, CH), jnp.int32),
            pltpu.VMEM((CH,), _f32),
            pltpu.VMEM_SHARED((NP,), _f32),
        ],
    )(dst_pad, zeros_n, ones_v)


def _sc_mp(table, src_pad, dst_pad, zeros_nd, d):
    return pl.kernel(
        _sc_mp_body,
        out_type=jax.ShapeDtypeStruct((NC, NP, d), _f32),
        mesh=_sc_mesh(),
        compiler_params=pltpu.CompilerParams(use_tc_tiling_on_sc=False),
        scratch_types=[
            pltpu.VMEM((1, CH), jnp.int32),
            pltpu.VMEM((1, CH), jnp.int32),
            pltpu.VMEM((NCH, CH), jnp.int32),
            pltpu.VMEM((CH, d), _f32),
            pltpu.VMEM((CH, d), _f32),
            pltpu.VMEM_SHARED((NP, d), _f32),
            pltpu.SemaphoreType.DMA,
            pltpu.SemaphoreType.DMA,
            pltpu.SemaphoreType.DMA,
            pltpu.SemaphoreType.DMA,
        ],
    )(table, src_pad, dst_pad, zeros_nd)


def _sc_edge(A, B, src_pad, dst_pad, a016):
    return pl.kernel(
        _sc_edge_body,
        out_type=jax.ShapeDtypeStruct((EP, 64), _f32),
        mesh=_sc_mesh(),
        compiler_params=pltpu.CompilerParams(use_tc_tiling_on_sc=False),
        scratch_types=[
            pltpu.VMEM((NCH, CH), jnp.int32),
            pltpu.VMEM((NCH, CH), jnp.int32),
            pltpu.VMEM((CH, 64), _f32),
            pltpu.VMEM((CH, 64), _f32),
            pltpu.VMEM((CH, 64), _f32),
            pltpu.VMEM((CH, 64), _f32),
            pltpu.VMEM((16,), _f32),
            pltpu.SemaphoreType.DMA,
            pltpu.SemaphoreType.DMA,
            pltpu.SemaphoreType.DMA,
            pltpu.SemaphoreType.DMA,
        ],
    )(A, B, src_pad, dst_pad, a016)



def _nb(shape):
    return pl.BlockSpec((RB,) + shape[1:], lambda i: (i,) + (0,) * (len(shape) - 1))


def _full(shape):
    return pl.BlockSpec(shape, lambda i: (0,) * len(shape))


_SMEM = pl.BlockSpec(memory_space=pltpu.SMEM)


def _tc1(x_pad, batch_pad, W0, b0, a0, W1, b1, a1, W2, b2):
    return pl.pallas_call(
        _tc1_body,
        grid=(NP // RB,),
        in_specs=[
            _nb((NP, 128)), _nb((NP, 1)),
            _full((128, 128)), _full((1, 128)), _SMEM,
            _full((128, 128)), _full((1, 128)), _SMEM,
            _full((128, 64)), _full((1, 64)),
        ],
        out_specs=[_nb((NP, 64)), _full((G, 64)), _full((G, 1))],
        out_shape=[jax.ShapeDtypeStruct((NP, 64), _f32),
                   jax.ShapeDtypeStruct((G, 64), _f32),
                   jax.ShapeDtypeStruct((G, 1), _f32)],
    )(x_pad, batch_pad, W0, b0, a0, W1, b1, a1, W2, b2)


def _tc2(sums, cnts, W0, b0, a0, W1, b1, a1, W2, b2):
    return pl.pallas_call(
        _tc2_body,
        in_specs=[pl.BlockSpec((G, 64)), pl.BlockSpec((G, 1)),
                  pl.BlockSpec((64, 128)), pl.BlockSpec((1, 128)), _SMEM,
                  pl.BlockSpec((128, 128)), pl.BlockSpec((1, 128)), _SMEM,
                  pl.BlockSpec((128, 64)), pl.BlockSpec((1, 64))],
        out_shape=jax.ShapeDtypeStruct((G, 64), _f32),
    )(sums, cnts, W0, b0, a0, W1, b1, a1, W2, b2)


def _tc3(x_emb, batch_pad, h0, h1, g_enc, conv0_W):
    return pl.pallas_call(
        _tc3_body,
        grid=(NP // RB,),
        in_specs=[_nb((NP, 64)), _nb((NP, 1)), _nb((NP, 1)), _nb((NP, 1)),
                  _full((G, 64)), _full((128, 128))],
        out_specs=[_nb((NP, 128)), _nb((NP, 128)), _nb((NP, 1))],
        out_shape=[jax.ShapeDtypeStruct((NP, 128), _f32),
                   jax.ShapeDtypeStruct((NP, 128), _f32),
                   jax.ShapeDtypeStruct((NP, 1), _f32)],
    )(x_emb, batch_pad, h0, h1, g_enc, conv0_W)


def _tc4(h, xw0s, dinv, p0, p1, conv0_b, conv1_W):
    return pl.pallas_call(
        _tc4_body,
        grid=(NP // RB,),
        in_specs=[_nb((NP, 128)), _nb((NP, 128)), _nb((NP, 1)),
                  _nb((NP, 128)), _nb((NP, 128)),
                  _full((1, 128)), _full((128, 64))],
        out_specs=[_nb((NP, 64))],
        out_shape=[jax.ShapeDtypeStruct((NP, 64), _f32)],
    )(h, xw0s, dinv, p0, p1, conv0_b, conv1_W)[0]


def _tc5(x_emb, xw1s, dinv, p0, p1, conv1_b,
         npW0, npa0, npW1, npa1, npW2, epW0a, epW0b, epb0):
    return pl.pallas_call(
        _tc5_body,
        grid=(NP // RB,),
        in_specs=[_nb((NP, 64)), _nb((NP, 64)), _nb((NP, 1)),
                  _nb((NP, 64)), _nb((NP, 64)), _full((1, 64)),
                  _full((64, 64)), _SMEM, _full((64, 64)), _SMEM,
                  _full((64, 8)), _full((64, 64)), _full((64, 64)),
                  _full((1, 64))],
        out_specs=[_nb((NP, 8)), _nb((NP, 64)), _nb((NP, 64))],
        out_shape=[jax.ShapeDtypeStruct((NP, 8), _f32),
                   jax.ShapeDtypeStruct((NP, 64), _f32),
                   jax.ShapeDtypeStruct((NP, 64), _f32)],
    )(x_emb, xw1s, dinv, p0, p1, conv1_b,
      npW0, npa0, npW1, npa1, npW2, epW0a, epW0b, epb0)


def _eb(shape):
    return pl.BlockSpec((EB,) + shape[1:], lambda i: (i,) + (0,) * (len(shape) - 1))


def _tc6(h1e, W1, b1, a1, W2, b2):
    return pl.pallas_call(
        _tc6_body,
        grid=(E // EB,),
        in_specs=[_eb((EP, 64)),
                  _full((64, 64)), _full((1, 64)), _SMEM,
                  _full((64, 4)), _full((1, 4))],
        out_specs=[_eb((E, 4))],
        out_shape=[jax.ShapeDtypeStruct((E, 4), _f32)],
    )(h1e, W1, b1, a1, W2, b2)[0]



def kernel(x, edge_index, batch, emb_W0, emb_b0, emb_a0, emb_W1, emb_b1,
           emb_a1, emb_W2, emb_b2, ge_W0, ge_b0, ge_a0, ge_W1, ge_b1, ge_a1,
           ge_W2, ge_b2, conv0_W, conv0_b, conv1_W, conv1_b, np_W0, np_a0,
           np_W1, np_a1, np_W2, ep_W0, ep_b0, ep_a0, ep_W1, ep_b1, ep_a1,
           ep_W2, ep_b2):
    r1 = lambda v: v.reshape(1, -1)
    s11 = lambda v: v.reshape(1, 1)

    src = edge_index[0].astype(jnp.int32)
    dst = edge_index[1].astype(jnp.int32)
    pidx = jnp.arange(EP - E, dtype=jnp.int32)
    src_fill = pidx % N
    dst_fill = N + (pidx % (NP - N))
    src_pad = jnp.concatenate([src, src_fill]).reshape(EP // CH, CH)
    dst_pad = jnp.concatenate([dst, dst_fill]).reshape(EP // CH, CH)
    x_pad = jnp.concatenate([x, jnp.zeros((NP - N, 128), _f32)])
    batch_pad = jnp.concatenate(
        [batch.astype(jnp.int32), jnp.full((NP - N,), G, jnp.int32)]
    ).reshape(NP, 1)

    zeros_n = jnp.zeros((NP,), _f32)
    ones_v = jnp.ones((CH,), _f32)

    hist = _sc_hist(dst_pad, zeros_n, ones_v)

    x_emb, sums, cnts = _tc1(x_pad, batch_pad,
                             emb_W0, r1(emb_b0), s11(emb_a0),
                             emb_W1, r1(emb_b1), s11(emb_a1),
                             emb_W2, r1(emb_b2))
    g_enc = _tc2(sums, cnts, ge_W0, r1(ge_b0), s11(ge_a0),
                 ge_W1, r1(ge_b1), s11(ge_a1), ge_W2, r1(ge_b2))

    h, xw0s, dinv = _tc3(x_emb, batch_pad,
                         hist[0].reshape(NP, 1), hist[1].reshape(NP, 1),
                         g_enc, conv0_W)

    P0 = _sc_mp(xw0s, src_pad, dst_pad, jnp.zeros((NP, 128), _f32), 128)
    xw1s = _tc4(h, xw0s, dinv, P0[0], P0[1], r1(conv0_b), conv1_W)

    P1 = _sc_mp(xw1s, src_pad, dst_pad, jnp.zeros((NP, 64), _f32), 64)
    node_preds, A, B = _tc5(x_emb, xw1s, dinv, P1[0], P1[1], r1(conv1_b),
                            np_W0, s11(np_a0), np_W1, s11(np_a1), np_W2,
                            ep_W0[:64], ep_W0[64:], r1(ep_b0))

    h1e = _sc_edge(A, B, src_pad, dst_pad,
                   jnp.broadcast_to(ep_a0, (16,)).astype(_f32))
    edge_preds = _tc6(h1e, ep_W1, r1(ep_b1), s11(ep_a1),
                      ep_W2, r1(ep_b2))

    return (node_preds[:N], edge_preds)

# --- scband reference (transcript-rebuilt; emitter-appended) ---
"""Pipeline reference for scband-simple-gnn-66116726555132 (READ-ONLY COPY).

The authoritative reference and input builder live on the scoring server;
editing this copy changes nothing except your own understanding.
"""

import jax, jax.numpy as jnp
import numpy as np

N_NODES = 10000
N_EDGES = 320000
N_GRAPHS = 4

def _xavier(k, fi, fo):
    lim = float(np.sqrt(6.0 / (fi + fo)))
    return jax.random.uniform(k, (fi, fo), minval=-lim, maxval=lim, dtype=jnp.float32)

def _prelu(x, a):
    return jnp.where(x >= 0, x, a * x)

def _mlp(x, W0, b0, a0, W1, b1, a1, W2, b2):
    h = x @ W0
    if b0 is not None:
        h = h + b0
    h = _prelu(h, a0)
    h = h @ W1
    if b1 is not None:
        h = h + b1
    h = _prelu(h, a1)
    h = h @ W2
    if b2 is not None:
        h = h + b2
    return h

def _gcn(x, W, b, src, dst, n):
    xw = x @ W
    loops = jnp.arange(n, dtype=src.dtype)
    s = jnp.concatenate([src, loops])
    d = jnp.concatenate([dst, loops])
    deg = jnp.zeros((n,), xw.dtype).at[d].add(1.0)
    dinv = jnp.where(deg > 0, 1.0 / jnp.sqrt(deg), 0.0)
    norm = dinv[s] * dinv[d]
    out = jnp.zeros_like(xw).at[d].add(xw[s] * norm[:, None])
    return out + b

def setup_inputs(seed: int = 0):
    key = jax.random.key(seed)
    ks = jax.random.split(key, 40)
    a = lambda: jnp.full((1,), 0.25, dtype=jnp.float32)
    inp = {
        "x": jax.random.normal(ks[0], (N_NODES, 128), dtype=jnp.float32),
        "edge_index": jax.random.randint(ks[1], (2, N_EDGES), 0, N_NODES),
        "batch": jnp.sort(jax.random.randint(ks[2], (N_NODES,), 0, N_GRAPHS)),
        "emb_W0": _xavier(ks[3], 128, 128), "emb_b0": jnp.zeros((128,), jnp.float32), "emb_a0": a(),
        "emb_W1": _xavier(ks[4], 128, 128), "emb_b1": jnp.zeros((128,), jnp.float32), "emb_a1": a(),
        "emb_W2": _xavier(ks[5], 128, 64), "emb_b2": jnp.zeros((64,), jnp.float32),
        "ge_W0": _xavier(ks[6], 64, 128), "ge_b0": jnp.zeros((128,), jnp.float32), "ge_a0": a(),
        "ge_W1": _xavier(ks[7], 128, 128), "ge_b1": jnp.zeros((128,), jnp.float32), "ge_a1": a(),
        "ge_W2": _xavier(ks[8], 128, 64), "ge_b2": jnp.zeros((64,), jnp.float32),
        "conv0_W": _xavier(ks[9], 128, 128), "conv0_b": jnp.zeros((128,), jnp.float32),
        "conv1_W": _xavier(ks[10], 128, 64), "conv1_b": jnp.zeros((64,), jnp.float32),
        "np_W0": _xavier(ks[11], 64, 64), "np_a0": a(),
        "np_W1": _xavier(ks[12], 64, 64), "np_a1": a(),
        "np_W2": _xavier(ks[13], 64, 8),
        "ep_W0": _xavier(ks[14], 128, 64), "ep_b0": jnp.zeros((64,), jnp.float32), "ep_a0": a(),
        "ep_W1": _xavier(ks[15], 64, 64), "ep_b1": jnp.zeros((64,), jnp.float32), "ep_a1": a(),
        "ep_W2": _xavier(ks[16], 64, 4), "ep_b2": jnp.zeros((4,), jnp.float32),
    }
    return inp

def reference(x, edge_index, batch, emb_W0, emb_b0, emb_a0, emb_W1, emb_b1, emb_a1, emb_W2, emb_b2, ge_W0, ge_b0, ge_a0, ge_W1, ge_b1, ge_a1, ge_W2, ge_b2, conv0_W, conv0_b, conv1_W, conv1_b, np_W0, np_a0, np_W1, np_a1, np_W2, ep_W0, ep_b0, ep_a0, ep_W1, ep_b1, ep_a1, ep_W2, ep_b2):
    n = x.shape[0]
    src, dst = edge_index[0], edge_index[1]
    x_emb = _mlp(x, emb_W0, emb_b0, emb_a0, emb_W1, emb_b1, emb_a1, emb_W2, emb_b2)
    sums = jax.ops.segment_sum(x_emb, batch, num_segments=N_GRAPHS)
    cnts = jax.ops.segment_sum(jnp.ones((n,), x_emb.dtype), batch, num_segments=N_GRAPHS)
    g = sums / jnp.maximum(cnts, 1.0)[:, None]
    g_enc = _mlp(g, ge_W0, ge_b0, ge_a0, ge_W1, ge_b1, ge_a1, ge_W2, ge_b2)
    h = jnp.concatenate([x_emb, g_enc[batch]], axis=1)
    h = h + jax.nn.relu(_gcn(h, conv0_W, conv0_b, src, dst, n))
    h = _gcn(h, conv1_W, conv1_b, src, dst, n)
    final = x_emb + h
    node_preds = _mlp(final, np_W0, None, np_a0, np_W1, None, np_a1, np_W2, None)
    e_in = jnp.concatenate([final[src], final[dst]], axis=1)
    edge_preds = _mlp(e_in, ep_W0, ep_b0, ep_a0, ep_W1, ep_b1, ep_a1, ep_W2, ep_b2)
    return (node_preds, edge_preds)

if __name__ == "__main__":
    import jax
    _d = setup_inputs()
    print(jax.jit(kernel)(*tuple(_d.values())))

</pallas_src>

<mosaic_0001>
#map = affine_map<(d0, d1) -> (0, 0)>
#map1 = affine_map<(d0, d1) -> (0)>
module attributes {stable_mosaic.version = 14 : i64} {
  func.func @_sc_hist_body(%arg0: i32, %arg1: i32, %arg2: memref<2560x128xi32, #tpu.memory_space<hbm>>, %arg3: memref<10240xf32, #tpu.memory_space<hbm>>, %arg4: memref<128xf32, #tpu.memory_space<hbm>>, %arg5: memref<2x10240xf32, #tpu.memory_space<hbm>>, %arg6: memref<80x128xi32, #tpu.memory_space<vmem>>, %arg7: memref<128xf32, #tpu.memory_space<vmem>>, %arg8: memref<10240xf32, #tpu.memory_space<vmem_shared>>) attributes {dimension_semantics = [#tpu.dimension_semantics<core_parallel>, #tpu.dimension_semantics<subcore_parallel>], iteration_bounds = array<i64: 2, 16>, scalar_prefetch = 0 : i64, scratch_operands = 3 : i64, tpu.core_type = #tpu.core_type<sc_vector_subcore>, window_params = [{transform_indices = #map}, {transform_indices = #map1}, {transform_indices = #map1}, {transform_indices = #map}]} {
    %mul3A = arith.constant 640 : i32
    %mul3A_0 = arith.muli %arg1, %mul3A : i32
    %mul3A_1 = arith.constant 16 : i32
    %mul3A_2 = arith.muli %arg0, %mul3A_1 : i32
    %add3A = arith.addi %mul3A_2, %arg1 : i32
    "tpu.region"() ({
      %run_scoped3A = tpu.sem_alloc : memref<!tpu.dma_semaphore, #tpu.memory_space<semaphore_mem>>
      %dma_start3A = tpu.memref_slice %arg8[%mul3A_0] : memref<10240xf32, #tpu.memory_space<vmem_shared>> -> memref<640xf32, #tpu.memory_space<vmem_shared>>
      %dma_start3A_10 = tpu.memref_slice %arg3[%mul3A_0] : memref<10240xf32, #tpu.memory_space<hbm>> -> memref<640xf32, #tpu.memory_space<hbm>>
      tpu.enqueue_dma source(%dma_start3A_10 : memref<640xf32, #tpu.memory_space<hbm>>) target(%dma_start3A : memref<640xf32, #tpu.memory_space<vmem_shared>>) target_semaphore(%run_scoped3A : memref<!tpu.dma_semaphore, #tpu.memory_space<semaphore_mem>>)
      %dma_wait3A = tpu.memref_slice %arg8[%mul3A_0] : memref<10240xf32, #tpu.memory_space<vmem_shared>> -> memref<640xf32, #tpu.memory_space<vmem_shared>>
      %dma_wait3A_11 = tpu.memref_slice %arg3[%mul3A_0] : memref<10240xf32, #tpu.memory_space<hbm>> -> memref<640xf32, #tpu.memory_space<hbm>>
      tpu.wait_dma2 semaphore(%run_scoped3A : memref<!tpu.dma_semaphore, #tpu.memory_space<semaphore_mem>>) src(%dma_wait3A_11 : memref<640xf32, #tpu.memory_space<hbm>>) dst(%dma_wait3A : memref<640xf32, #tpu.memory_space<vmem_shared>>)
      tpu.yield
    }) : () -> ()
    "tpu.region"() ({
      %run_scoped3A = tpu.sem_alloc : memref<!tpu.dma_semaphore, #tpu.memory_space<semaphore_mem>>
      tpu.enqueue_dma source(%arg4 : memref<128xf32, #tpu.memory_space<hbm>>) target(%arg7 : memref<128xf32, #tpu.memory_space<vmem>>) target_semaphore(%run_scoped3A : memref<!tpu.dma_semaphore, #tpu.memory_space<semaphore_mem>>)
      tpu.wait_dma2 semaphore(%run_scoped3A : memref<!tpu.dma_semaphore, #tpu.memory_space<semaphore_mem>>) src(%arg4 : memref<128xf32, #tpu.memory_space<hbm>>) dst(%arg7 : memref<128xf32, #tpu.memory_space<vmem>>)
      tpu.yield
    }) : () -> ()
    %mul3A_3 = arith.constant 80 : i32
    %mul3A_4 = arith.muli %add3A, %mul3A_3 : i32
    "tpu.region"() ({
      %run_scoped3A = tpu.sem_alloc : memref<!tpu.dma_semaphore, #tpu.memory_space<semaphore_mem>>
      %dma_start3A = arith.constant 0 : i32
      %dma_start3A_10 = tpu.memref_slice %arg2[%mul3A_4, %dma_start3A] : memref<2560x128xi32, #tpu.memory_space<hbm>> -> memref<80x128xi32, #tpu.memory_space<hbm>>
      %dma_start3A_11 = arith.constant 0 : i32
      %dma_start3A_12 = tpu.memref_slice %arg2[%mul3A_4, %dma_start3A_11] : memref<2560x128xi32, #tpu.memory_space<hbm>> -> memref<80x128xi32, #tpu.memory_space<hbm>>
      tpu.enqueue_dma source(%dma_start3A_12 : memref<80x128xi32, #tpu.memory_space<hbm>>) target(%arg6 : memref<80x128xi32, #tpu.memory_space<vmem>>) target_semaphore(%run_scoped3A : memref<!tpu.dma_semaphore, #tpu.memory_space<semaphore_mem>>)
      %dma_wait3A = arith.constant 0 : i32
      %dma_wait3A_13 = tpu.memref_slice %arg2[%mul3A_4, %dma_wait3A] : memref<2560x128xi32, #tpu.memory_space<hbm>> -> memref<80x128xi32, #tpu.memory_space<hbm>>
      %dma_wait3A_14 = arith.constant 0 : i32
      %dma_wait3A_15 = tpu.memref_slice %arg2[%mul3A_4, %dma_wait3A_14] : memref<2560x128xi32, #tpu.memory_space<hbm>> -> memref<80x128xi32, #tpu.memory_space<hbm>>
      tpu.wait_dma2 semaphore(%run_scoped3A : memref<!tpu.dma_semaphore, #tpu.memory_space<semaphore_mem>>) src(%dma_wait3A_15 : memref<80x128xi32, #tpu.memory_space<hbm>>) dst(%arg6 : memref<80x128xi32, #tpu.memory_space<vmem>>)
      tpu.yield
    }) : () -> ()
    %barrier3A = arith.constant 0 : index
    tpu.barrier barrier_id(%barrier3A)
    %scan3A = arith.constant 0 : i32
    %scan3A_5 = arith.constant 80 : i32
    %scan3A_6 = arith.addi %scan3A, %scan3A_5 : i32
    %scan3A_7 = arith.constant 1 : i32
    scf.for %scan3A_10 = %scan3A to %scan3A_6 step %scan3A_7  : i32 {
      "tpu.region"() ({
        %run_scoped3A = tpu.sem_alloc : memref<!tpu.dma_semaphore, #tpu.memory_space<semaphore_mem>>
        %dma_start3A = arith.constant 0 : i32
        %dma_start3A_11 = tpu.memref_slice %arg6[%scan3A_10, %dma_start3A] : memref<80x128xi32, #tpu.memory_space<vmem>> -> memref<1x128xi32, #tpu.memory_space<vmem>>
        %dma_start3A_12 = tpu.memref_squeeze %dma_start3A_11 : memref<1x128xi32, #tpu.memory_space<vmem>> -> memref<128xi32, #tpu.memory_space<vmem>>
        %dma_start3A_13 = arith.constant 0 : i32
        %dma_start3A_14 = tpu.memref_slice %arg8[%dma_start3A_13] : memref<10240xf32, #tpu.memory_space<vmem_shared>> -> memref<10240xf32, #tpu.memory_space<vmem_shared>>
        tpu.enqueue_indirect_dma source(%arg7 : memref<128xf32, #tpu.memory_space<vmem>>) target(%dma_start3A_14 : memref<10240xf32, #tpu.memory_space<vmem_shared>>) offsets(%dma_start3A_12 : memref<128xi32, #tpu.memory_space<vmem>>) semaphore(%run_scoped3A : memref<!tpu.dma_semaphore, #tpu.memory_space<semaphore_mem>>) {add = true}
        %dma_wait3A = arith.constant 0 : i32
        %dma_wait3A_15 = tpu.memref_slice %arg6[%scan3A_10, %dma_wait3A] : memref<80x128xi32, #tpu.memory_space<vmem>> -> memref<1x128xi32, #tpu.memory_space<vmem>>
        %dma_wait3A_16 = tpu.memref_squeeze %dma_wait3A_15 : memref<1x128xi32, #tpu.memory_space<vmem>> -> memref<128xi32, #tpu.memory_space<vmem>>
        %dma_wait3A_17 = arith.constant 0 : i32
        %dma_wait3A_18 = tpu.memref_slice %arg8[%dma_wait3A_17] : memref<10240xf32, #tpu.memory_space<vmem_shared>> -> memref<10240xf32, #tpu.memory_space<vmem_shared>>
        tpu.wait_indirect_dma semaphore(%run_scoped3A : memref<!tpu.dma_semaphore, #tpu.memory_space<semaphore_mem>>) src(%arg7 : memref<128xf32, #tpu.memory_space<vmem>>) dst(%dma_wait3A_18 : memref<10240xf32, #tpu.memory_space<vmem_shared>>)
        tpu.yield
      }) : () -> ()
    }
    %scan3A_8 = arith.constant 80 : i32
    %barrier3A_9 = arith.constant 0 : index
    tpu.barrier barrier_id(%barrier3A_9)
    "tpu.region"() ({
      %run_scoped3A = tpu.sem_alloc : memref<!tpu.dma_semaphore, #tpu.memory_space<semaphore_mem>>
      %dma_start3A = tpu.memref_slice %arg5[%arg0, %mul3A_0] : memref<2x10240xf32, #tpu.memory_space<hbm>> -> memref<1x640xf32, #tpu.memory_space<hbm>>
      %dma_start3A_10 = tpu.memref_squeeze %dma_start3A : memref<1x640xf32, #tpu.memory_space<hbm>> -> memref<640xf32, #tpu.memory_space<hbm>>
      %dma_start3A_11 = tpu.memref_slice %arg8[%mul3A_0] : memref<10240xf32, #tpu.memory_space<vmem_shared>> -> memref<640xf32, #tpu.memory_space<vmem_shared>>
      tpu.enqueue_dma source(%dma_start3A_11 : memref<640xf32, #tpu.memory_space<vmem_shared>>) target(%dma_start3A_10 : memref<640xf32, #tpu.memory_space<hbm>>) target_semaphore(%run_scoped3A : memref<!tpu.dma_semaphore, #tpu.memory_space<semaphore_mem>>)
      %dma_wait3A = tpu.memref_slice %arg5[%arg0, %mul3A_0] : memref<2x10240xf32, #tpu.memory_space<hbm>> -> memref<1x640xf32, #tpu.memory_space<hbm>>
      %dma_wait3A_12 = tpu.memref_squeeze %dma_wait3A : memref<1x640xf32, #tpu.memory_space<hbm>> -> memref<640xf32, #tpu.memory_space<hbm>>
      %dma_wait3A_13 = tpu.memref_slice %arg8[%mul3A_0] : memref<10240xf32, #tpu.memory_space<vmem_shared>> -> memref<640xf32, #tpu.memory_space<vmem_shared>>
      tpu.wait_dma2 semaphore(%run_scoped3A : memref<!tpu.dma_semaphore, #tpu.memory_space<semaphore_mem>>) src(%dma_wait3A_13 : memref<640xf32, #tpu.memory_space<vmem_shared>>) dst(%dma_wait3A_12 : memref<640xf32, #tpu.memory_space<hbm>>)
      tpu.yield
    }) : () -> ()
    return
  }
}

#map = affine_map<(d0, d1) -> (0, 0)>
#map1 = affine_map<(d0, d1) -> (0, 0, 0)>
module attributes {stable_mosaic.version = 14 : i64} {
  func.func @_sc_mp_body(%arg0: i32, %arg1: i32, %arg2: memref<10240x64xf32, #tpu.memory_space<hbm>>, %arg3: memref<2560x128xi32, #tpu.memory_space<hbm>>, %arg4: memref<2560x128xi32, #tpu.memory_space<hbm>>, %arg5: memref<10240x64xf32, #tpu.memory_space<hbm>>, %arg6: memref<2x10240x64xf32, #tpu.memory_space<hbm>>, %arg7: memref<1x128xi32, #tpu.memory_space<vmem>>, %arg8: memref<1x128xi32, #tpu.memory_space<vmem>>, %arg9: memref<80x128xi32, #tpu.memory_space<vmem>>, %arg10: memref<128x64xf32, #tpu.memory_space<vmem>>, %arg11: memref<128x64xf32, #tpu.memory_space<vmem>>, %arg12: memref<10240x64xf32, #tpu.memory_space<vmem_shared>>, %arg13: memref<!tpu.dma_semaphore, #tpu.memory_space<semaphore_mem>>, %arg14: memref<!tpu.dma_semaphore, #tpu.memory_space<semaphore_mem>>, %arg15: memref<!tpu.dma_semaphore, #tpu.memory_space<semaphore_mem>>, %arg16: memref<!tpu.dma_semaphore, #tpu.memory_space<semaphore_mem>>) attributes {dimension_semantics = [#tpu.dimension_semantics<core_parallel>, #tpu.dimension_semantics<subcore_parallel>], iteration_bounds = array<i64: 2, 16>, scalar_prefetch = 0 : i64, scratch_operands = 10 : i64, tpu.core_type = #tpu.core_type<sc_vector_subcore>, window_params = [{transform_indices = #map}, {transform_indices = #map}, {transform_indices = #map}, {transform_indices = #map}, {transform_indices = #map1}]} {
    %mul3A = arith.constant 640 : i32
    %mul3A_0 = arith.muli %arg1, %mul3A : i32
    %mul3A_1 = arith.constant 16 : i32
    %mul3A_2 = arith.muli %arg0, %mul3A_1 : i32
    %add3A = arith.addi %mul3A_2, %arg1 : i32
    %mul3A_3 = arith.constant 80 : i32
    %mul3A_4 = arith.muli %add3A, %mul3A_3 : i32
    "tpu.region"() ({
      %run_scoped3A = tpu.sem_alloc : memref<!tpu.dma_semaphore, #tpu.memory_space<semaphore_mem>>
      %dma_start3A_22 = arith.constant 0 : i32
      %dma_start3A_23 = tpu.memref_slice %arg12[%mul3A_0, %dma_start3A_22] : memref<10240x64xf32, #tpu.memory_space<vmem_shared>> -> memref<640x64xf32, #tpu.memory_space<vmem_shared>>
      %dma_start3A_24 = arith.constant 0 : i32
      %dma_start3A_25 = tpu.memref_slice %arg5[%mul3A_0, %dma_start3A_24] : memref<10240x64xf32, #tpu.memory_space<hbm>> -> memref<640x64xf32, #tpu.memory_space<hbm>>
      tpu.enqueue_dma source(%dma_start3A_25 : memref<640x64xf32, #tpu.memory_space<hbm>>) target(%dma_start3A_23 : memref<640x64xf32, #tpu.memory_space<vmem_shared>>) target_semaphore(%run_scoped3A : memref<!tpu.dma_semaphore, #tpu.memory_space<semaphore_mem>>)
      %dma_wait3A = arith.constant 0 : i32
      %dma_wait3A_26 = tpu.memref_slice %arg12[%mul3A_0, %dma_wait3A] : memref<10240x64xf32, #tpu.memory_space<vmem_shared>> -> memref<640x64xf32, #tpu.memory_space<vmem_shared>>
      %dma_wait3A_27 = arith.constant 0 : i32
      %dma_wait3A_28 = tpu.memref_slice %arg5[%mul3A_0, %dma_wait3A_27] : memref<10240x64xf32, #tpu.memory_space<hbm>> -> memref<640x64xf32, #tpu.memory_space<hbm>>
      tpu.wait_dma2 semaphore(%run_scoped3A : memref<!tpu.dma_semaphore, #tpu.memory_space<semaphore_mem>>) src(%dma_wait3A_28 : memref<640x64xf32, #tpu.memory_space<hbm>>) dst(%dma_wait3A_26 : memref<640x64xf32, #tpu.memory_space<vmem_shared>>)
      tpu.yield
    }) : () -> ()
    "tpu.region"() ({
      %run_scoped3A = tpu.sem_alloc : memref<!tpu.dma_semaphore, #tpu.memory_space<semaphore_mem>>
      %dma_start3A_22 = arith.constant 0 : i32
      %dma_start3A_23 = tpu.memref_slice %arg4[%mul3A_4, %dma_start3A_22] : memref<2560x128xi32, #tpu.memory_space<hbm>> -> memref<80x128xi32, #tpu.memory_space<hbm>>
      %dma_start3A_24 = arith.constant 0 : i32
      %dma_start3A_25 = tpu.memref_slice %arg4[%mul3A_4, %dma_start3A_24] : memref<2560x128xi32, #tpu.memory_space<hbm>> -> memref<80x128xi32, #tpu.memory_space<hbm>>
      tpu.enqueue_dma source(%dma_start3A_25 : memref<80x128xi32, #tpu.memory_space<hbm>>) target(%arg9 : memref<80x128xi32, #tpu.memory_space<vmem>>) target_semaphore(%run_scoped3A : memref<!tpu.dma_semaphore, #tpu.memory_space<semaphore_mem>>)
      %dma_wait3A = arith.constant 0 : i32
      %dma_wait3A_26 = tpu.memref_slice %arg4[%mul3A_4, %dma_wait3A] : memref<2560x128xi32, #tpu.memory_space<hbm>> -> memref<80x128xi32, #tpu.memory_space<hbm>>
      %dma_wait3A_27 = arith.constant 0 : i32
      %dma_wait3A_28 = tpu.memref_slice %arg4[%mul3A_4, %dma_wait3A_27] : memref<2560x128xi32, #tpu.memory_space<hbm>> -> memref<80x128xi32, #tpu.memory_space<hbm>>
      tpu.wait_dma2 semaphore(%run_scoped3A : memref<!tpu.dma_semaphore, #tpu.memory_space<semaphore_mem>>) src(%dma_wait3A_28 : memref<80x128xi32, #tpu.memory_space<hbm>>) dst(%arg9 : memref<80x128xi32, #tpu.memory_space<vmem>>)
      tpu.yield
    }) : () -> ()
    %barrier3A = arith.constant 0 : index
    tpu.barrier barrier_id(%barrier3A)
    "tpu.region"() ({
      %run_scoped3A = tpu.sem_alloc : memref<!tpu.dma_semaphore, #tpu.memory_space<semaphore_mem>>
      %dma_start3A_22 = arith.constant 0 : i32
      %dma_start3A_23 = tpu.memref_slice %arg3[%mul3A_4, %dma_start3A_22] : memref<2560x128xi32, #tpu.memory_space<hbm>> -> memref<1x128xi32, #tpu.memory_space<hbm>>
      %dma_start3A_24 = arith.constant 0 : i32
      %dma_start3A_25 = tpu.memref_slice %arg3[%mul3A_4, %dma_start3A_24] : memref<2560x128xi32, #tpu.memory_space<hbm>> -> memref<1x128xi32, #tpu.memory_space<hbm>>
      tpu.enqueue_dma source(%dma_start3A_25 : memref<1x128xi32, #tpu.memory_space<hbm>>) target(%arg7 : memref<1x128xi32, #tpu.memory_space<vmem>>) target_semaphore(%run_scoped3A : memref<!tpu.dma_semaphore, #tpu.memory_space<semaphore_mem>>)
      %dma_wait3A = arith.constant 0 : i32
      %dma_wait3A_26 = tpu.memref_slice %arg3[%mul3A_4, %dma_wait3A] : memref<2560x128xi32, #tpu.memory_space<hbm>> -> memref<1x128xi32, #tpu.memory_space<hbm>>
      %dma_wait3A_27 = arith.constant 0 : i32
      %dma_wait3A_28 = tpu.memref_slice %arg3[%mul3A_4, %dma_wait3A_27] : memref<2560x128xi32, #tpu.memory_space<hbm>> -> memref<1x128xi32, #tpu.memory_space<hbm>>
      tpu.wait_dma2 semaphore(%run_scoped3A : memref<!tpu.dma_semaphore, #tpu.memory_space<semaphore_mem>>) src(%dma_wait3A_28 : memref<1x128xi32, #tpu.memory_space<hbm>>) dst(%arg7 : memref<1x128xi32, #tpu.memory_space<vmem>>)
      tpu.yield
    }) : () -> ()
    %add3A_5 = arith.constant 1 : i32
    %add3A_6 = arith.addi %mul3A_4, %add3A_5 : i32
    %dma_start3A = arith.constant 0 : i32
    %dma_start3A_7 = tpu.memref_slice %arg3[%add3A_6, %dma_start3A] : memref<2560x128xi32, #tpu.memory_space<hbm>> -> memref<1x128xi32, #tpu.memory_space<hbm>>
    %dma_start3A_8 = arith.constant 0 : i32
    %dma_start3A_9 = tpu.memref_slice %arg3[%add3A_6, %dma_start3A_8] : memref<2560x128xi32, #tpu.memory_space<hbm>> -> memref<1x128xi32, #tpu.memory_space<hbm>>
    tpu.enqueue_dma source(%dma_start3A_9 : memref<1x128xi32, #tpu.memory_space<hbm>>) target(%arg8 : memref<1x128xi32, #tpu.memory_space<vmem>>) target_semaphore(%arg16 : memref<!tpu.dma_semaphore, #tpu.memory_space<semaphore_mem>>)
    %dma_start3A_10 = arith.constant 0 : i32
    %dma_start3A_11 = arith.constant 0 : i32
    %dma_start3A_12 = tpu.memref_slice %arg7[%dma_start3A_10, %dma_start3A_11] : memref<1x128xi32, #tpu.memory_space<vmem>> -> memref<1x128xi32, #tpu.memory_space<vmem>>
    %dma_start3A_13 = tpu.memref_squeeze %dma_start3A_12 : memref<1x128xi32, #tpu.memory_space<vmem>> -> memref<128xi32, #tpu.memory_space<vmem>>
    %dma_start3A_14 = arith.constant 0 : i32
    %dma_start3A_15 = arith.constant 0 : i32
    %dma_start3A_16 = tpu.memref_slice %arg2[%dma_start3A_14, %dma_start3A_15] : memref<10240x64xf32, #tpu.memory_space<hbm>> -> memref<10240x64xf32, #tpu.memory_space<hbm>>
    tpu.enqueue_indirect_dma source(%dma_start3A_16 : memref<10240x64xf32, #tpu.memory_space<hbm>>) target(%arg10 : memref<128x64xf32, #tpu.memory_space<vmem>>) offsets(%dma_start3A_13 : memref<128xi32, #tpu.memory_space<vmem>>) semaphore(%arg13 : memref<!tpu.dma_semaphore, #tpu.memory_space<semaphore_mem>>)
    %scan3A = arith.constant 0 : i32
    %scan3A_17 = arith.constant 40 : i32
    %scan3A_18 = arith.addi %scan3A, %scan3A_17 : i32
    %scan3A_19 = arith.constant 1 : i32
    scf.for %scan3A_22 = %scan3A to %scan3A_18 step %scan3A_19  : i32 {
      %mul3A_23 = arith.constant 2 : i32
      %mul3A_24 = arith.muli %mul3A_23, %scan3A_22 : i32
      %add3A_25 = arith.constant 1 : i32
      %add3A_26 = arith.addi %mul3A_24, %add3A_25 : i32
      %dma_wait3A = arith.constant 0 : i32
      %dma_wait3A_27 = arith.constant 0 : i32
      %dma_wait3A_28 = tpu.memref_slice %arg7[%dma_wait3A, %dma_wait3A_27] : memref<1x128xi32, #tpu.memory_space<vmem>> -> memref<1x128xi32, #tpu.memory_space<vmem>>
      %dma_wait3A_29 = tpu.memref_squeeze %dma_wait3A_28 : memref<1x128xi32, #tpu.memory_space<vmem>> -> memref<128xi32, #tpu.memory_space<vmem>>
      %dma_wait3A_30 = arith.constant 0 : i32
      %dma_wait3A_31 = arith.constant 0 : i32
      %dma_wait3A_32 = tpu.memref_slice %arg2[%dma_wait3A_30, %dma_wait3A_31] : memref<10240x64xf32, #tpu.memory_space<hbm>> -> memref<10240x64xf32, #tpu.memory_space<hbm>>
      tpu.wait_indirect_dma semaphore(%arg13 : memref<!tpu.dma_semaphore, #tpu.memory_space<semaphore_mem>>) src(%dma_wait3A_32 : memref<10240x64xf32, #tpu.memory_space<hbm>>) dst(%arg10 : memref<128x64xf32, #tpu.memory_space<vmem>>)
      %dma_wait3A_33 = arith.constant 0 : i32
      %dma_wait3A_34 = tpu.memref_slice %arg3[%mul3A_4, %dma_wait3A_33] : memref<2560x128xi32, #tpu.memory_space<hbm>> -> memref<1x128xi32, #tpu.memory_space<hbm>>
      %dma_wait3A_35 = arith.constant 0 : i32
      %dma_wait3A_36 = tpu.memref_slice %arg3[%mul3A_4, %dma_wait3A_35] : memref<2560x128xi32, #tpu.memory_space<hbm>> -> memref<1x128xi32, #tpu.memory_space<hbm>>
      tpu.wait_dma2 semaphore(%arg16 : memref<!tpu.dma_semaphore, #tpu.memory_space<semaphore_mem>>) src(%dma_wait3A_36 : memref<1x128xi32, #tpu.memory_space<hbm>>) dst(%arg8 : memref<1x128xi32, #tpu.memory_space<vmem>>)
      %lt3A = arith.constant 39 : i32
      %lt3A_37 = arith.cmpi slt, %scan3A_22, %lt3A : i32
      %convert_element_type3A = arith.extui %lt3A_37 : i1 to i32
      %cond3A = arith.constant 0 : i32
      %cond3A_38 = arith.cmpi ne, %convert_element_type3A, %cond3A : i32
      scf.if %cond3A_38 {
        %add3A_58 = arith.addi %mul3A_4, %mul3A_24 : i32
        %add3A_59 = arith.constant 2 : i32
        %add3A_60 = arith.addi %add3A_58, %add3A_59 : i32
        %dma_start3A_61 = arith.constant 0 : i32
        %dma_start3A_62 = tpu.memref_slice %arg3[%add3A_60, %dma_start3A_61] : memref<2560x128xi32, #tpu.memory_space<hbm>> -> memref<1x128xi32, #tpu.memory_space<hbm>>
        %dma_start3A_63 = arith.constant 0 : i32
        %dma_start3A_64 = tpu.memref_slice %arg3[%add3A_60, %dma_start3A_63] : memref<2560x128xi32, #tpu.memory_space<hbm>> -> memref<1x128xi32, #tpu.memory_space<hbm>>
        tpu.enqueue_dma source(%dma_start3A_64 : memref<1x128xi32, #tpu.memory_space<hbm>>) target(%arg7 : memref<1x128xi32, #tpu.memory_space<vmem>>) target_semaphore(%arg15 : memref<!tpu.dma_semaphore, #tpu.memory_space<semaphore_mem>>)
      } else {
      }
      %dma_start3A_39 = arith.constant 0 : i32
      %dma_start3A_40 = arith.constant 0 : i32
      %dma_start3A_41 = tpu.memref_slice %arg8[%dma_start3A_39, %dma_start3A_40] : memref<1x128xi32, #tpu.memory_space<vmem>> -> memref<1x128xi32, #tpu.memory_space<vmem>>
      %dma_start3A_42 = tpu.memref_squeeze %dma_start3A_41 : memref<1x128xi32, #tpu.memory_space<vmem>> -> memref<128xi32, #tpu.memory_space<vmem>>
      %dma_start3A_43 = arith.constant 0 : i32
      %dma_start3A_44 = arith.constant 0 : i32
      %dma_start3A_45 = tpu.memref_slice %arg2[%dma_start3A_43, %dma_start3A_44] : memref<10240x64xf32, #tpu.memory_space<hbm>> -> memref<10240x64xf32, #tpu.memory_space<hbm>>
      tpu.enqueue_indirect_dma source(%dma_start3A_45 : memref<10240x64xf32, #tpu.memory_space<hbm>>) target(%arg11 : memref<128x64xf32, #tpu.memory_space<vmem>>) offsets(%dma_start3A_42 : memref<128xi32, #tpu.memory_space<vmem>>) semaphore(%arg14 : memref<!tpu.dma_semaphore, #tpu.memory_space<semaphore_mem>>)
      "tpu.region"() ({
        %run_scoped3A = tpu.sem_alloc : memref<!tpu.dma_semaphore, #tpu.memory_space<semaphore_mem>>
        %dma_start3A_58 = arith.constant 0 : i32
        %dma_start3A_59 = tpu.memref_slice %arg9[%mul3A_24, %dma_start3A_58] : memref<80x128xi32, #tpu.memory_space<vmem>> -> memref<1x128xi32, #tpu.memory_space<vmem>>
        %dma_start3A_60 = tpu.memref_squeeze %dma_start3A_59 : memref<1x128xi32, #tpu.memory_space<vmem>> -> memref<128xi32, #tpu.memory_space<vmem>>
        %dma_start3A_61 = arith.constant 0 : i32
        %dma_start3A_62 = arith.constant 0 : i32
        %dma_start3A_63 = tpu.memref_slice %arg12[%dma_start3A_61, %dma_start3A_62] : memref<10240x64xf32, #tpu.memory_space<vmem_shared>> -> memref<10240x64xf32, #tpu.memory_space<vmem_shared>>
        tpu.enqueue_indirect_dma source(%arg10 : memref<128x64xf32, #tpu.memory_space<vmem>>) target(%dma_start3A_63 : memref<10240x64xf32, #tpu.memory_space<vmem_shared>>) offsets(%dma_start3A_60 : memref<128xi32, #tpu.memory_space<vmem>>) semaphore(%run_scoped3A : memref<!tpu.dma_semaphore, #tpu.memory_space<semaphore_mem>>) {add = true}
        %dma_wait3A_64 = arith.constant 0 : i32
        %dma_wait3A_65 = tpu.memref_slice %arg9[%mul3A_24, %dma_wait3A_64] : memref<80x128xi32, #tpu.memory_space<vmem>> -> memref<1x128xi32, #tpu.memory_space<vmem>>
        %dma_wait3A_66 = tpu.memref_squeeze %dma_wait3A_65 : memref<1x128xi32, #tpu.memory_space<vmem>> -> memref<128xi32, #tpu.memory_space<vmem>>
        %dma_wait3A_67 = arith.constant 0 : i32
        %dma_wait3A_68 = arith.constant 0 : i32
        %dma_wait3A_69 = tpu.memref_slice %arg12[%dma_wait3A_67, %dma_wait3A_68] : memref<10240x64xf32, #tpu.memory_space<vmem_shared>> -> memref<10240x64xf32, #tpu.memory_space<vmem_shared>>
        tpu.wait_indirect_dma semaphore(%run_scoped3A : memref<!tpu.dma_semaphore, #tpu.memory_space<semaphore_mem>>) src(%arg10 : memref<128x64xf32, #tpu.memory_space<vmem>>) dst(%dma_wait3A_69 : memref<10240x64xf32, #tpu.memory_space<vmem_shared>>)
        tpu.yield
      }) : () -> ()
      %dma_wait3A_46 = arith.constant 0 : i32
      %dma_wait3A_47 = arith.constant 0 : i32
      %dma_wait3A_48 = tpu.memref_slice %arg7[%dma_wait3A_46, %dma_wait3A_47] : memref<1x128xi32, #tpu.memory_space<vmem>> -> memref<1x128xi32, #tpu.memory_space<vmem>>
      %dma_wait3A_49 = tpu.memref_squeeze %dma_wait3A_48 : memref<1x128xi32, #tpu.memory_space<vmem>> -> memref<128xi32, #tpu.memory_space<vmem>>
      %dma_wait3A_50 = arith.constant 0 : i32
      %dma_wait3A_51 = arith.constant 0 : i32
      %dma_wait3A_52 = tpu.memref_slice %arg2[%dma_wait3A_50, %dma_wait3A_51] : memref<10240x64xf32, #tpu.memory_space<hbm>> -> memref<10240x64xf32, #tpu.memory_space<hbm>>
      tpu.wait_indirect_dma semaphore(%arg14 : memref<!tpu.dma_semaphore, #tpu.memory_space<semaphore_mem>>) src(%dma_wait3A_52 : memref<10240x64xf32, #tpu.memory_space<hbm>>) dst(%arg11 : memref<128x64xf32, #tpu.memory_space<vmem>>)
      %lt3A_53 = arith.constant 39 : i32
      %lt3A_54 = arith.cmpi slt, %scan3A_22, %lt3A_53 : i32
      %convert_element_type3A_55 = arith.extui %lt3A_54 : i1 to i32
      %cond3A_56 = arith.constant 0 : i32
      %cond3A_57 = arith.cmpi ne, %convert_element_type3A_55, %cond3A_56 : i32
      scf.if %cond3A_57 {
        %dma_wait3A_58 = arith.constant 0 : i32
        %dma_wait3A_59 = tpu.memref_slice %arg3[%mul3A_4, %dma_wait3A_58] : memref<2560x128xi32, #tpu.memory_space<hbm>> -> memref<1x128xi32, #tpu.memory_space<hbm>>
        %dma_wait3A_60 = arith.constant 0 : i32
        %dma_wait3A_61 = tpu.memref_slice %arg3[%mul3A_4, %dma_wait3A_60] : memref<2560x128xi32, #tpu.memory_space<hbm>> -> memref<1x128xi32, #tpu.memory_space<hbm>>
        tpu.wait_dma2 semaphore(%arg15 : memref<!tpu.dma_semaphore, #tpu.memory_space<semaphore_mem>>) src(%dma_wait3A_61 : memref<1x128xi32, #tpu.memory_space<hbm>>) dst(%arg7 : memref<1x128xi32, #tpu.memory_space<vmem>>)
        %add3A_62 = arith.addi %mul3A_4, %add3A_26 : i32
        %add3A_63 = arith.constant 2 : i32
        %add3A_64 = arith.addi %add3A_62, %add3A_63 : i32
        %dma_start3A_65 = arith.constant 0 : i32
        %dma_start3A_66 = tpu.memref_slice %arg3[%add3A_64, %dma_start3A_65] : memref<2560x128xi32, #tpu.memory_space<hbm>> -> memref<1x128xi32, #tpu.memory_space<hbm>>
        %dma_start3A_67 = arith.constant 0 : i32
        %dma_start3A_68 = tpu.memref_slice %arg3[%add3A_64, %dma_start3A_67] : memref<2560x128xi32, #tpu.memory_space<hbm>> -> memref<1x128xi32, #tpu.memory_space<hbm>>
        tpu.enqueue_dma source(%dma_start3A_68 : memref<1x128xi32, #tpu.memory_space<hbm>>) target(%arg8 : memref<1x128xi32, #tpu.memory_space<vmem>>) target_semaphore(%arg16 : memref<!tpu.dma_semaphore, #tpu.memory_space<semaphore_mem>>)
        %dma_start3A_69 = arith.constant 0 : i32
        %dma_start3A_70 = arith.constant 0 : i32
        %dma_start3A_71 = tpu.memref_slice %arg7[%dma_start3A_69, %dma_start3A_70] : memref<1x128xi32, #tpu.memory_space<vmem>> -> memref<1x128xi32, #tpu.memory_space<vmem>>
        %dma_start3A_72 = tpu.memref_squeeze %dma_start3A_71 : memref<1x128xi32, #tpu.memory_space<vmem>> -> memref<128xi32, #tpu.memory_space<vmem>>
        %dma_start3A_73 = arith.constant 0 : i32
        %dma_start3A_74 = arith.constant 0 : i32
        %dma_start3A_75 = tpu.memref_slice %arg2[%dma_start3A_73, %dma_start3A_74] : memref<10240x64xf32, #tpu.memory_space<hbm>> -> memref<10240x64xf32, #tpu.memory_space<hbm>>
        tpu.enqueue_indirect_dma source(%dma_start3A_75 : memref<10240x64xf32, #tpu.memory_space<hbm>>) target(%arg10 : memref<128x64xf32, #tpu.memory_space<vmem>>) offsets(%dma_start3A_72 : memref<128xi32, #tpu.memory_space<vmem>>) semaphore(%arg13 : memref<!tpu.dma_semaphore, #tpu.memory_space<semaphore_mem>>)
      } else {
      }
      "tpu.region"() ({
        %run_scoped3A = tpu.sem_alloc : memref<!tpu.dma_semaphore, #tpu.memory_space<semaphore_mem>>
        %dma_start3A_58 = arith.constant 0 : i32
        %dma_start3A_59 = tpu.memref_slice %arg9[%add3A_26, %dma_start3A_58] : memref<80x128xi32, #tpu.memory_space<vmem>> -> memref<1x128xi32, #tpu.memory_space<vmem>>
        %dma_start3A_60 = tpu.memref_squeeze %dma_start3A_59 : memref<1x128xi32, #tpu.memory_space<vmem>> -> memref<128xi32, #tpu.memory_space<vmem>>
        %dma_start3A_61 = arith.constant 0 : i32
        %dma_start3A_62 = arith.constant 0 : i32
        %dma_start3A_63 = tpu.memref_slice %arg12[%dma_start3A_61, %dma_start3A_62] : memref<10240x64xf32, #tpu.memory_space<vmem_shared>> -> memref<10240x64xf32, #tpu.memory_space<vmem_shared>>
        tpu.enqueue_indirect_dma source(%arg11 : memref<128x64xf32, #tpu.memory_space<vmem>>) target(%dma_start3A_63 : memref<10240x64xf32, #tpu.memory_space<vmem_shared>>) offsets(%dma_start3A_60 : memref<128xi32, #tpu.memory_space<vmem>>) semaphore(%run_scoped3A : memref<!tpu.dma_semaphore, #tpu.memory_space<semaphore_mem>>) {add = true}
        %dma_wait3A_64 = arith.constant 0 : i32
        %dma_wait3A_65 = tpu.memref_slice %arg9[%add3A_26, %dma_wait3A_64] : memref<80x128xi32, #tpu.memory_space<vmem>> -> memref<1x128xi32, #tpu.memory_space<vmem>>
        %dma_wait3A_66 = tpu.memref_squeeze %dma_wait3A_65 : memref<1x128xi32, #tpu.memory_space<vmem>> -> memref<128xi32, #tpu.memory_space<vmem>>
        %dma_wait3A_67 = arith.constant 0 : i32
        %dma_wait3A_68 = arith.constant 0 : i32
        %dma_wait3A_69 = tpu.memref_slice %arg12[%dma_wait3A_67, %dma_wait3A_68] : memref<10240x64xf32, #tpu.memory_space<vmem_shared>> -> memref<10240x64xf32, #tpu.memory_space<vmem_shared>>
        tpu.wait_indirect_dma semaphore(%run_scoped3A : memref<!tpu.dma_semaphore, #tpu.memory_space<semaphore_mem>>) src(%arg11 : memref<128x64xf32, #tpu.memory_space<vmem>>) dst(%dma_wait3A_69 : memref<10240x64xf32, #tpu.memory_space<vmem_shared>>)
        tpu.yield
      }) : () -> ()
    }
    %scan3A_20 = arith.constant 40 : i32
    %barrier3A_21 = arith.constant 0 : index
    tpu.barrier barrier_id(%barrier3A_21)
    "tpu.region"() ({
      %run_scoped3A = tpu.sem_alloc : memref<!tpu.dma_semaphore, #tpu.memory_space<semaphore_mem>>
      %dma_start3A_22 = arith.constant 0 : i32
      %dma_start3A_23 = tpu.memref_slice %arg6[%arg0, %mul3A_0, %dma_start3A_22] : memref<2x10240x64xf32, #tpu.memory_space<hbm>> -> memref<1x640x64xf32, #tpu.memory_space<hbm>>
      %dma_start3A_24 = tpu.memref_squeeze %dma_start3A_23 : memref<1x640x64xf32, #tpu.memory_space<hbm>> -> memref<640x64xf32, #tpu.memory_space<hbm>>
      %dma_start3A_25 = arith.constant 0 : i32
      %dma_start3A_26 = tpu.memref_slice %arg12[%mul3A_0, %dma_start3A_25] : memref<10240x64xf32, #tpu.memory_space<vmem_shared>> -> memref<640x64xf32, #tpu.memory_space<vmem_shared>>
      tpu.enqueue_dma source(%dma_start3A_26 : memref<640x64xf32, #tpu.memory_space<vmem_shared>>) target(%dma_start3A_24 : memref<640x64xf32, #tpu.memory_space<hbm>>) target_semaphore(%run_scoped3A : memref<!tpu.dma_semaphore, #tpu.memory_space<semaphore_mem>>)
      %dma_wait3A = arith.constant 0 : i32
      %dma_wait3A_27 = tpu.memref_slice %arg6[%arg0, %mul3A_0, %dma_wait3A] : memref<2x10240x64xf32, #tpu.memory_space<hbm>> -> memref<1x640x64xf32, #tpu.memory_space<hbm>>
      %dma_wait3A_28 = tpu.memref_squeeze %dma_wait3A_27 : memref<1x640x64xf32, #tpu.memory_space<hbm>> -> memref<640x64xf32, #tpu.memory_space<hbm>>
      %dma_wait3A_29 = arith.constant 0 : i32
      %dma_wait3A_30 = tpu.memref_slice %arg12[%mul3A_0, %dma_wait3A_29] : memref<10240x64xf32, #tpu.memory_space<vmem_shared>> -> memref<640x64xf32, #tpu.memory_space<vmem_shared>>
      tpu.wait_dma2 semaphore(%run_scoped3A : memref<!tpu.dma_semaphore, #tpu.memory_space<semaphore_mem>>) src(%dma_wait3A_30 : memref<640x64xf32, #tpu.memory_space<vmem_shared>>) dst(%dma_wait3A_28 : memref<640x64xf32, #tpu.memory_space<hbm>>)
      tpu.yield
    }) : () -> ()
    return
  }
}

#map = affine_map<(d0, d1) -> (0, 0)>
#map1 = affine_map<(d0, d1) -> (0)>
module attributes {stable_mosaic.version = 14 : i64} {
  func.func @_sc_edge_body(%arg0: i32, %arg1: i32, %arg2: memref<10240x64xf32, #tpu.memory_space<hbm>>, %arg3: memref<10240x64xf32, #tpu.memory_space<hbm>>, %arg4: memref<2560x128xi32, #tpu.memory_space<hbm>>, %arg5: memref<2560x128xi32, #tpu.memory_space<hbm>>, %arg6: memref<16xf32, #tpu.memory_space<hbm>>, %arg7: memref<327680x64xf32, #tpu.memory_space<hbm>>, %arg8: memref<80x128xi32, #tpu.memory_space<vmem>>, %arg9: memref<80x128xi32, #tpu.memory_space<vmem>>, %arg10: memref<128x64xf32, #tpu.memory_space<vmem>>, %arg11: memref<128x64xf32, #tpu.memory_space<vmem>>, %arg12: memref<128x64xf32, #tpu.memory_space<vmem>>, %arg13: memref<128x64xf32, #tpu.memory_space<vmem>>, %arg14: memref<16xf32, #tpu.memory_space<vmem>>, %arg15: memref<!tpu.dma_semaphore, #tpu.memory_space<semaphore_mem>>, %arg16: memref<!tpu.dma_semaphore, #tpu.memory_space<semaphore_mem>>, %arg17: memref<!tpu.dma_semaphore, #tpu.memory_space<semaphore_mem>>, %arg18: memref<!tpu.dma_semaphore, #tpu.memory_space<semaphore_mem>>) attributes {dimension_semantics = [#tpu.dimension_semantics<core_parallel>, #tpu.dimension_semantics<subcore_parallel>], iteration_bounds = array<i64: 2, 16>, scalar_prefetch = 0 : i64, scratch_operands = 11 : i64, tpu.core_type = #tpu.core_type<sc_vector_subcore>, window_params = [{transform_indices = #map}, {transform_indices = #map}, {transform_indices = #map}, {transform_indices = #map}, {transform_indices = #map1}, {transform_indices = #map}]} {
    %mul3A = arith.constant 16 : i32
    %mul3A_0 = arith.muli %arg0, %mul3A : i32
    %add3A = arith.addi %mul3A_0, %arg1 : i32
    %mul3A_1 = arith.constant 10240 : i32
    %mul3A_2 = arith.muli %add3A, %mul3A_1 : i32
    %mul3A_3 = arith.constant 80 : i32
    %mul3A_4 = arith.muli %add3A, %mul3A_3 : i32
    "tpu.region"() ({
      %run_scoped3A = tpu.sem_alloc : memref<!tpu.dma_semaphore, #tpu.memory_space<semaphore_mem>>
      %dma_start3A_31 = arith.constant 0 : i32
      %dma_start3A_32 = tpu.memref_slice %arg4[%mul3A_4, %dma_start3A_31] : memref<2560x128xi32, #tpu.memory_space<hbm>> -> memref<80x128xi32, #tpu.memory_space<hbm>>
      %dma_start3A_33 = arith.constant 0 : i32
      %dma_start3A_34 = tpu.memref_slice %arg4[%mul3A_4, %dma_start3A_33] : memref<2560x128xi32, #tpu.memory_space<hbm>> -> memref<80x128xi32, #tpu.memory_space<hbm>>
      tpu.enqueue_dma source(%dma_start3A_34 : memref<80x128xi32, #tpu.memory_space<hbm>>) target(%arg8 : memref<80x128xi32, #tpu.memory_space<vmem>>) target_semaphore(%run_scoped3A : memref<!tpu.dma_semaphore, #tpu.memory_space<semaphore_mem>>)
      %dma_wait3A_35 = arith.constant 0 : i32
      %dma_wait3A_36 = tpu.memref_slice %arg4[%mul3A_4, %dma_wait3A_35] : memref<2560x128xi32, #tpu.memory_space<hbm>> -> memref<80x128xi32, #tpu.memory_space<hbm>>
      %dma_wait3A_37 = arith.constant 0 : i32
      %dma_wait3A_38 = tpu.memref_slice %arg4[%mul3A_4, %dma_wait3A_37] : memref<2560x128xi32, #tpu.memory_space<hbm>> -> memref<80x128xi32, #tpu.memory_space<hbm>>
      tpu.wait_dma2 semaphore(%run_scoped3A : memref<!tpu.dma_semaphore, #tpu.memory_space<semaphore_mem>>) src(%dma_wait3A_38 : memref<80x128xi32, #tpu.memory_space<hbm>>) dst(%arg8 : memref<80x128xi32, #tpu.memory_space<vmem>>)
      tpu.yield
    }) : () -> ()
    %mul3A_5 = arith.constant 80 : i32
    %mul3A_6 = arith.muli %add3A, %mul3A_5 : i32
    "tpu.region"() ({
      %run_scoped3A = tpu.sem_alloc : memref<!tpu.dma_semaphore, #tpu.memory_space<semaphore_mem>>
      %dma_start3A_31 = arith.constant 0 : i32
      %dma_start3A_32 = tpu.memref_slice %arg5[%mul3A_6, %dma_start3A_31] : memref<2560x128xi32, #tpu.memory_space<hbm>> -> memref<80x128xi32, #tpu.memory_space<hbm>>
      %dma_start3A_33 = arith.constant 0 : i32
      %dma_start3A_34 = tpu.memref_slice %arg5[%mul3A_6, %dma_start3A_33] : memref<2560x128xi32, #tpu.memory_space<hbm>> -> memref<80x128xi32, #tpu.memory_space<hbm>>
      tpu.enqueue_dma source(%dma_start3A_34 : memref<80x128xi32, #tpu.memory_space<hbm>>) target(%arg9 : memref<80x128xi32, #tpu.memory_space<vmem>>) target_semaphore(%run_scoped3A : memref<!tpu.dma_semaphore, #tpu.memory_space<semaphore_mem>>)
      %dma_wait3A_35 = arith.constant 0 : i32
      %dma_wait3A_36 = tpu.memref_slice %arg5[%mul3A_6, %dma_wait3A_35] : memref<2560x128xi32, #tpu.memory_space<hbm>> -> memref<80x128xi32, #tpu.memory_space<hbm>>
      %dma_wait3A_37 = arith.constant 0 : i32
      %dma_wait3A_38 = tpu.memref_slice %arg5[%mul3A_6, %dma_wait3A_37] : memref<2560x128xi32, #tpu.memory_space<hbm>> -> memref<80x128xi32, #tpu.memory_space<hbm>>
      tpu.wait_dma2 semaphore(%run_scoped3A : memref<!tpu.dma_semaphore, #tpu.memory_space<semaphore_mem>>) src(%dma_wait3A_38 : memref<80x128xi32, #tpu.memory_space<hbm>>) dst(%arg9 : memref<80x128xi32, #tpu.memory_space<vmem>>)
      tpu.yield
    }) : () -> ()
    "tpu.region"() ({
      %run_scoped3A = tpu.sem_alloc : memref<!tpu.dma_semaphore, #tpu.memory_space<semaphore_mem>>
      tpu.enqueue_dma source(%arg6 : memref<16xf32, #tpu.memory_space<hbm>>) target(%arg14 : memref<16xf32, #tpu.memory_space<vmem>>) target_semaphore(%run_scoped3A : memref<!tpu.dma_semaphore, #tpu.memory_space<semaphore_mem>>)
      tpu.wait_dma2 semaphore(%run_scoped3A : memref<!tpu.dma_semaphore, #tpu.memory_space<semaphore_mem>>) src(%arg6 : memref<16xf32, #tpu.memory_space<hbm>>) dst(%arg14 : memref<16xf32, #tpu.memory_space<vmem>>)
      tpu.yield
    }) : () -> ()
    %dma_start3A = arith.constant 0 : i32
    %dma_start3A_7 = arith.constant 0 : i32
    %dma_start3A_8 = tpu.memref_slice %arg8[%dma_start3A, %dma_start3A_7] : memref<80x128xi32, #tpu.memory_space<vmem>> -> memref<1x128xi32, #tpu.memory_space<vmem>>
    %dma_start3A_9 = tpu.memref_squeeze %dma_start3A_8 : memref<1x128xi32, #tpu.memory_space<vmem>> -> memref<128xi32, #tpu.memory_space<vmem>>
    %dma_start3A_10 = arith.constant 0 : i32
    %dma_start3A_11 = arith.constant 0 : i32
    %dma_start3A_12 = tpu.memref_slice %arg2[%dma_start3A_10, %dma_start3A_11] : memref<10240x64xf32, #tpu.memory_space<hbm>> -> memref<10240x64xf32, #tpu.memory_space<hbm>>
    tpu.enqueue_indirect_dma source(%dma_start3A_12 : memref<10240x64xf32, #tpu.memory_space<hbm>>) target(%arg10 : memref<128x64xf32, #tpu.memory_space<vmem>>) offsets(%dma_start3A_9 : memref<128xi32, #tpu.memory_space<vmem>>) semaphore(%arg15 : memref<!tpu.dma_semaphore, #tpu.memory_space<semaphore_mem>>)
    %dma_start3A_13 = arith.constant 0 : i32
    %dma_start3A_14 = arith.constant 0 : i32
    %dma_start3A_15 = tpu.memref_slice %arg9[%dma_start3A_13, %dma_start3A_14] : memref<80x128xi32, #tpu.memory_space<vmem>> -> memref<1x128xi32, #tpu.memory_space<vmem>>
    %dma_start3A_16 = tpu.memref_squeeze %dma_start3A_15 : memref<1x128xi32, #tpu.memory_space<vmem>> -> memref<128xi32, #tpu.memory_space<vmem>>
    %dma_start3A_17 = arith.constant 0 : i32
    %dma_start3A_18 = arith.constant 0 : i32
    %dma_start3A_19 = tpu.memref_slice %arg3[%dma_start3A_17, %dma_start3A_18] : memref<10240x64xf32, #tpu.memory_space<hbm>> -> memref<10240x64xf32, #tpu.memory_space<hbm>>
    tpu.enqueue_indirect_dma source(%dma_start3A_19 : memref<10240x64xf32, #tpu.memory_space<hbm>>) target(%arg11 : memref<128x64xf32, #tpu.memory_space<vmem>>) offsets(%dma_start3A_16 : memref<128xi32, #tpu.memory_space<vmem>>) semaphore(%arg15 : memref<!tpu.dma_semaphore, #tpu.memory_space<semaphore_mem>>)
    %scan3A = arith.constant 0 : i32
    %scan3A_20 = arith.constant 40 : i32
    %scan3A_21 = arith.addi %scan3A, %scan3A_20 : i32
    %scan3A_22 = arith.constant 1 : i32
    scf.for %scan3A_31 = %scan3A to %scan3A_21 step %scan3A_22  : i32 {
      %mul3A_32 = arith.constant 2 : i32
      %mul3A_33 = arith.muli %mul3A_32, %scan3A_31 : i32
      %add3A_34 = arith.constant 1 : i32
      %add3A_35 = arith.addi %mul3A_33, %add3A_34 : i32
      %mul3A_36 = arith.constant 128 : i32
      %mul3A_37 = arith.muli %mul3A_33, %mul3A_36 : i32
      %add3A_38 = arith.addi %mul3A_2, %mul3A_37 : i32
      %mul3A_39 = arith.constant 128 : i32
      %mul3A_40 = arith.muli %add3A_35, %mul3A_39 : i32
      %add3A_41 = arith.addi %mul3A_2, %mul3A_40 : i32
      %dma_wait3A_42 = arith.constant 0 : i32
      %dma_wait3A_43 = arith.constant 0 : i32
      %dma_wait3A_44 = tpu.memref_slice %arg8[%dma_wait3A_42, %dma_wait3A_43] : memref<80x128xi32, #tpu.memory_space<vmem>> -> memref<1x128xi32, #tpu.memory_space<vmem>>
      %dma_wait3A_45 = tpu.memref_squeeze %dma_wait3A_44 : memref<1x128xi32, #tpu.memory_space<vmem>> -> memref<128xi32, #tpu.memory_space<vmem>>
      %dma_wait3A_46 = arith.constant 0 : i32
      %dma_wait3A_47 = arith.constant 0 : i32
      %dma_wait3A_48 = tpu.memref_slice %arg2[%dma_wait3A_46, %dma_wait3A_47] : memref<10240x64xf32, #tpu.memory_space<hbm>> -> memref<10240x64xf32, #tpu.memory_space<hbm>>
      tpu.wait_indirect_dma semaphore(%arg15 : memref<!tpu.dma_semaphore, #tpu.memory_space<semaphore_mem>>) src(%dma_wait3A_48 : memref<10240x64xf32, #tpu.memory_space<hbm>>) dst(%arg10 : memref<128x64xf32, #tpu.memory_space<vmem>>)
      %dma_wait3A_49 = arith.constant 0 : i32
      %dma_wait3A_50 = arith.constant 0 : i32
      %dma_wait3A_51 = tpu.memref_slice %arg8[%dma_wait3A_49, %dma_wait3A_50] : memref<80x128xi32, #tpu.memory_space<vmem>> -> memref<1x128xi32, #tpu.memory_space<vmem>>
      %dma_wait3A_52 = tpu.memref_squeeze %dma_wait3A_51 : memref<1x128xi32, #tpu.memory_space<vmem>> -> memref<128xi32, #tpu.memory_space<vmem>>
      %dma_wait3A_53 = arith.constant 0 : i32
      %dma_wait3A_54 = arith.constant 0 : i32
      %dma_wait3A_55 = tpu.memref_slice %arg2[%dma_wait3A_53, %dma_wait3A_54] : memref<10240x64xf32, #tpu.memory_space<hbm>> -> memref<10240x64xf32, #tpu.memory_space<hbm>>
      tpu.wait_indirect_dma semaphore(%arg15 : memref<!tpu.dma_semaphore, #tpu.memory_space<semaphore_mem>>) src(%dma_wait3A_55 : memref<10240x64xf32, #tpu.memory_space<hbm>>) dst(%arg11 : memref<128x64xf32, #tpu.memory_space<vmem>>)
      %gt3A = arith.constant 0 : i32
      %gt3A_56 = arith.cmpi sgt, %scan3A_31, %gt3A : i32
      %convert_element_type3A = arith.extui %gt3A_56 : i1 to i32
      %cond3A = arith.constant 0 : i32
      %cond3A_57 = arith.cmpi ne, %convert_element_type3A, %cond3A : i32
      scf.if %cond3A_57 {
        %dma_wait3A_111 = arith.constant 0 : i32
        %dma_wait3A_112 = tpu.memref_slice %arg7[%mul3A_2, %dma_wait3A_111] : memref<327680x64xf32, #tpu.memory_space<hbm>> -> memref<128x64xf32, #tpu.memory_space<hbm>>
        %dma_wait3A_113 = arith.constant 0 : i32
        %dma_wait3A_114 = tpu.memref_slice %arg7[%mul3A_2, %dma_wait3A_113] : memref<327680x64xf32, #tpu.memory_space<hbm>> -> memref<128x64xf32, #tpu.memory_space<hbm>>
        tpu.wait_dma2 semaphore(%arg18 : memref<!tpu.dma_semaphore, #tpu.memory_space<semaphore_mem>>) src(%arg12 : memref<128x64xf32, #tpu.memory_space<vmem>>) dst(%dma_wait3A_114 : memref<128x64xf32, #tpu.memory_space<hbm>>)
      } else {
      }
      %dma_start3A_58 = arith.constant 0 : i32
      %dma_start3A_59 = tpu.memref_slice %arg8[%add3A_35, %dma_start3A_58] : memref<80x128xi32, #tpu.memory_space<vmem>> -> memref<1x128xi32, #tpu.memory_space<vmem>>
      %dma_start3A_60 = tpu.memref_squeeze %dma_start3A_59 : memref<1x128xi32, #tpu.memory_space<vmem>> -> memref<128xi32, #tpu.memory_space<vmem>>
      %dma_start3A_61 = arith.constant 0 : i32
      %dma_start3A_62 = arith.constant 0 : i32
      %dma_start3A_63 = tpu.memref_slice %arg2[%dma_start3A_61, %dma_start3A_62] : memref<10240x64xf32, #tpu.memory_space<hbm>> -> memref<10240x64xf32, #tpu.memory_space<hbm>>
      tpu.enqueue_indirect_dma source(%dma_start3A_63 : memref<10240x64xf32, #tpu.memory_space<hbm>>) target(%arg12 : memref<128x64xf32, #tpu.memory_space<vmem>>) offsets(%dma_start3A_60 : memref<128xi32, #tpu.memory_space<vmem>>) semaphore(%arg16 : memref<!tpu.dma_semaphore, #tpu.memory_space<semaphore_mem>>)
      %dma_start3A_64 = arith.constant 0 : i32
      %dma_start3A_65 = tpu.memref_slice %arg9[%add3A_35, %dma_start3A_64] : memref<80x128xi32, #tpu.memory_space<vmem>> -> memref<1x128xi32, #tpu.memory_space<vmem>>
      %dma_start3A_66 = tpu.memref_squeeze %dma_start3A_65 : memref<1x128xi32, #tpu.memory_space<vmem>> -> memref<128xi32, #tpu.memory_space<vmem>>
      %dma_start3A_67 = arith.constant 0 : i32
      %dma_start3A_68 = arith.constant 0 : i32
      %dma_start3A_69 = tpu.memref_slice %arg3[%dma_start3A_67, %dma_start3A_68] : memref<10240x64xf32, #tpu.memory_space<hbm>> -> memref<10240x64xf32, #tpu.memory_space<hbm>>
      tpu.enqueue_indirect_dma source(%dma_start3A_69 : memref<10240x64xf32, #tpu.memory_space<hbm>>) target(%arg13 : memref<128x64xf32, #tpu.memory_space<vmem>>) offsets(%dma_start3A_66 : memref<128xi32, #tpu.memory_space<vmem>>) semaphore(%arg16 : memref<!tpu.dma_semaphore, #tpu.memory_space<semaphore_mem>>)
      %get3A = arith.constant 0 : index
      %get3A_70 = tpu.vector_load %arg14[%get3A] {strides = array<i32>} : memref<16xf32, #tpu.memory_space<vmem>>, vector<16xf32>,
      %get3A_71 = vector.shape_cast %get3A_70 : vector<16xf32> to vector<16xf32>
      %scan3A_72 = arith.constant 0 : i32
      %scan3A_73 = arith.constant 128 : i32
      %scan3A_74 = arith.addi %scan3A_72, %scan3A_73 : i32
      %scan3A_75 = arith.constant 1 : i32
      scf.for %scan3A_111 = %scan3A_72 to %scan3A_74 step %scan3A_75  : i32 {
        %get3A_112 = arith.index_cast %scan3A_111 : i32 to index
        %get3A_113 = arith.constant 0 : index
        %get3A_114 = tpu.vector_load %arg10[%get3A_112, %get3A_113] {strides = array<i32>} : memref<128x64xf32, #tpu.memory_space<vmem>>, vector<1x16xf32>,
        %get3A_115 = vector.shape_cast %get3A_114 : vector<1x16xf32> to vector<16xf32>
        %get3A_116 = arith.index_cast %scan3A_111 : i32 to index
        %get3A_117 = arith.constant 0 : index
        %get3A_118 = tpu.vector_load %arg11[%get3A_116, %get3A_117] {strides = array<i32>} : memref<128x64xf32, #tpu.memory_space<vmem>>, vector<1x16xf32>,
        %get3A_119 = vector.shape_cast %get3A_118 : vector<1x16xf32> to vector<16xf32>
        %add3A_120 = arith.addf %get3A_115, %get3A_119 : vector<16xf32>
        %ge3A = arith.constant 0.000000e+00 : f32
        %ge3A_121 = vector.broadcast %ge3A : f32 to vector<16xf32>
        %ge3A_122 = arith.cmpf oge, %add3A_120, %ge3A_121 : vector<16xf32>
        %mul3A_123 = arith.mulf %get3A_71, %add3A_120 : vector<16xf32>
        %select_n3A = arith.select %ge3A_122, %add3A_120, %mul3A_123 : vector<16xi1>, vector<16xf32>
        %swap3A = arith.index_cast %scan3A_111 : i32 to index
        %swap3A_124 = arith.constant 0 : index
        %swap3A_125 = tpu.vector_load %arg10[%swap3A, %swap3A_124] {strides = array<i32>} : memref<128x64xf32, #tpu.memory_space<vmem>>, vector<1x16xf32>,
        %swap3A_126 = vector.shape_cast %swap3A_125 : vector<1x16xf32> to vector<16xf32>
        %swap3A_127 = vector.shape_cast %select_n3A : vector<16xf32> to vector<1x16xf32>
        tpu.vector_store %arg10[%swap3A, %swap3A_124], %swap3A_127 {strides = array<i32>} : memref<128x64xf32, #tpu.memory_space<vmem>>, vector<1x16xf32>,
        %get3A_128 = arith.index_cast %scan3A_111 : i32 to index
        %get3A_129 = arith.constant 16 : index
        %get3A_130 = tpu.vector_load %arg10[%get3A_128, %get3A_129] {strides = array<i32>} : memref<128x64xf32, #tpu.memory_space<vmem>>, vector<1x16xf32>,
        %get3A_131 = vector.shape_cast %get3A_130 : vector<1x16xf32> to vector<16xf32>
        %get3A_132 = arith.index_cast %scan3A_111 : i32 to index
        %get3A_133 = arith.constant 16 : index
        %get3A_134 = tpu.vector_load %arg11[%get3A_132, %get3A_133] {strides = array<i32>} : memref<128x64xf32, #tpu.memory_space<vmem>>, vector<1x16xf32>,
        %get3A_135 = vector.shape_cast %get3A_134 : vector<1x16xf32> to vector<16xf32>
        %add3A_136 = arith.addf %get3A_131, %get3A_135 : vector<16xf32>
        %ge3A_137 = arith.constant 0.000000e+00 : f32
        %ge3A_138 = vector.broadcast %ge3A_137 : f32 to vector<16xf32>
        %ge3A_139 = arith.cmpf oge, %add3A_136, %ge3A_138 : vector<16xf32>
        %mul3A_140 = arith.mulf %get3A_71, %add3A_136 : vector<16xf32>
        %select_n3A_141 = arith.select %ge3A_139, %add3A_136, %mul3A_140 : vector<16xi1>, vector<16xf32>
        %swap3A_142 = arith.index_cast %scan3A_111 : i32 to index
        %swap3A_143 = arith.constant 16 : index
        %swap3A_144 = tpu.vector_load %arg10[%swap3A_142, %swap3A_143] {strides = array<i32>} : memref<128x64xf32, #tpu.memory_space<vmem>>, vector<1x16xf32>,
        %swap3A_145 = vector.shape_cast %swap3A_144 : vector<1x16xf32> to vector<16xf32>
        %swap3A_146 = vector.shape_cast %select_n3A_141 : vector<16xf32> to vector<1x16xf32>
        tpu.vector_store %arg10[%swap3A_142, %swap3A_143], %swap3A_146 {strides = array<i32>} : memref<128x64xf32, #tpu.memory_space<vmem>>, vector<1x16xf32>,
        %get3A_147 = arith.index_cast %scan3A_111 : i32 to index
        %get3A_148 = arith.constant 32 : index
        %get3A_149 = tpu.vector_load %arg10[%get3A_147, %get3A_148] {strides = array<i32>} : memref<128x64xf32, #tpu.memory_space<vmem>>, vector<1x16xf32>,
        %get3A_150 = vector.shape_cast %get3A_149 : vector<1x16xf32> to vector<16xf32>
        %get3A_151 = arith.index_cast %scan3A_111 : i32 to index
        %get3A_152 = arith.constant 32 : index
        %get3A_153 = tpu.vector_load %arg11[%get3A_151, %get3A_152] {strides = array<i32>} : memref<128x64xf32, #tpu.memory_space<vmem>>, vector<1x16xf32>,
        %get3A_154 = vector.shape_cast %get3A_153 : vector<1x16xf32> to vector<16xf32>
        %add3A_155 = arith.addf %get3A_150, %get3A_154 : vector<16xf32>
        %ge3A_156 = arith.constant 0.000000e+00 : f32
        %ge3A_157 = vector.broadcast %ge3A_156 : f32 to vector<16xf32>
        %ge3A_158 = arith.cmpf oge, %add3A_155, %ge3A_157 : vector<16xf32>
        %mul3A_159 = arith.mulf %get3A_71, %add3A_155 : vector<16xf32>
        %select_n3A_160 = arith.select %ge3A_158, %add3A_155, %mul3A_159 : vector<16xi1>, vector<16xf32>
        %swap3A_161 = arith.index_cast %scan3A_111 : i32 to index
        %swap3A_162 = arith.constant 32 : index
        %swap3A_163 = tpu.vector_load %arg10[%swap3A_161, %swap3A_162] {strides = array<i32>} : memref<128x64xf32, #tpu.memory_space<vmem>>, vector<1x16xf32>,
        %swap3A_164 = vector.shape_cast %swap3A_163 : vector<1x16xf32> to vector<16xf32>
        %swap3A_165 = vector.shape_cast %select_n3A_160 : vector<16xf32> to vector<1x16xf32>
        tpu.vector_store %arg10[%swap3A_161, %swap3A_162], %swap3A_165 {strides = array<i32>} : memref<128x64xf32, #tpu.memory_space<vmem>>, vector<1x16xf32>,
        %get3A_166 = arith.index_cast %scan3A_111 : i32 to index
        %get3A_167 = arith.constant 48 : index
        %get3A_168 = tpu.vector_load %arg10[%get3A_166, %get3A_167] {strides = array<i32>} : memref<128x64xf32, #tpu.memory_space<vmem>>, vector<1x16xf32>,
        %get3A_169 = vector.shape_cast %get3A_168 : vector<1x16xf32> to vector<16xf32>
        %get3A_170 = arith.index_cast %scan3A_111 : i32 to index
        %get3A_171 = arith.constant 48 : index
        %get3A_172 = tpu.vector_load %arg11[%get3A_170, %get3A_171] {strides = array<i32>} : memref<128x64xf32, #tpu.memory_space<vmem>>, vector<1x16xf32>,
        %get3A_173 = vector.shape_cast %get3A_172 : vector<1x16xf32> to vector<16xf32>
        %add3A_174 = arith.addf %get3A_169, %get3A_173 : vector<16xf32>
        %ge3A_175 = arith.constant 0.000000e+00 : f32
        %ge3A_176 = vector.broadcast %ge3A_175 : f32 to vector<16xf32>
        %ge3A_177 = arith.cmpf oge, %add3A_174, %ge3A_176 : vector<16xf32>
        %mul3A_178 = arith.mulf %get3A_71, %add3A_174 : vector<16xf32>
        %select_n3A_179 = arith.select %ge3A_177, %add3A_174, %mul3A_178 : vector<16xi1>, vector<16xf32>
        %swap3A_180 = arith.index_cast %scan3A_111 : i32 to index
        %swap3A_181 = arith.constant 48 : index
        %swap3A_182 = tpu.vector_load %arg10[%swap3A_180, %swap3A_181] {strides = array<i32>} : memref<128x64xf32, #tpu.memory_space<vmem>>, vector<1x16xf32>,
        %swap3A_183 = vector.shape_cast %swap3A_182 : vector<1x16xf32> to vector<16xf32>
        %swap3A_184 = vector.shape_cast %select_n3A_179 : vector<16xf32> to vector<1x16xf32>
        tpu.vector_store %arg10[%swap3A_180, %swap3A_181], %swap3A_184 {strides = array<i32>} : memref<128x64xf32, #tpu.memory_space<vmem>>, vector<1x16xf32>,
      }
      %scan3A_76 = arith.constant 128 : i32
      %dma_start3A_77 = arith.constant 0 : i32
      %dma_start3A_78 = tpu.memref_slice %arg7[%add3A_38, %dma_start3A_77] : memref<327680x64xf32, #tpu.memory_space<hbm>> -> memref<128x64xf32, #tpu.memory_space<hbm>>
      %dma_start3A_79 = arith.constant 0 : i32
      %dma_start3A_80 = tpu.memref_slice %arg7[%add3A_38, %dma_start3A_79] : memref<327680x64xf32, #tpu.memory_space<hbm>> -> memref<128x64xf32, #tpu.memory_space<hbm>>
      tpu.enqueue_dma source(%arg10 : memref<128x64xf32, #tpu.memory_space<vmem>>) target(%dma_start3A_80 : memref<128x64xf32, #tpu.memory_space<hbm>>) target_semaphore(%arg17 : memref<!tpu.dma_semaphore, #tpu.memory_space<semaphore_mem>>)
      %dma_wait3A_81 = arith.constant 0 : i32
      %dma_wait3A_82 = arith.constant 0 : i32
      %dma_wait3A_83 = tpu.memref_slice %arg8[%dma_wait3A_81, %dma_wait3A_82] : memref<80x128xi32, #tpu.memory_space<vmem>> -> memref<1x128xi32, #tpu.memory_space<vmem>>
      %dma_wait3A_84 = tpu.memref_squeeze %dma_wait3A_83 : memref<1x128xi32, #tpu.memory_space<vmem>> -> memref<128xi32, #tpu.memory_space<vmem>>
      %dma_wait3A_85 = arith.constant 0 : i32
      %dma_wait3A_86 = arith.constant 0 : i32
      %dma_wait3A_87 = tpu.memref_slice %arg2[%dma_wait3A_85, %dma_wait3A_86] : memref<10240x64xf32, #tpu.memory_space<hbm>> -> memref<10240x64xf32, #tpu.memory_space<hbm>>
      tpu.wait_indirect_dma semaphore(%arg16 : memref<!tpu.dma_semaphore, #tpu.memory_space<semaphore_mem>>) src(%dma_wait3A_87 : memref<10240x64xf32, #tpu.memory_space<hbm>>) dst(%arg12 : memref<128x64xf32, #tpu.memory_space<vmem>>)
      %dma_wait3A_88 = arith.constant 0 : i32
      %dma_wait3A_89 = arith.constant 0 : i32
      %dma_wait3A_90 = tpu.memref_slice %arg8[%dma_wait3A_88, %dma_wait3A_89] : memref<80x128xi32, #tpu.memory_space<vmem>> -> memref<1x128xi32, #tpu.memory_space<vmem>>
      %dma_wait3A_91 = tpu.memref_squeeze %dma_wait3A_90 : memref<1x128xi32, #tpu.memory_space<vmem>> -> memref<128xi32, #tpu.memory_space<vmem>>
      %dma_wait3A_92 = arith.constant 0 : i32
      %dma_wait3A_93 = arith.constant 0 : i32
      %dma_wait3A_94 = tpu.memref_slice %arg2[%dma_wait3A_92, %dma_wait3A_93] : memref<10240x64xf32, #tpu.memory_space<hbm>> -> memref<10240x64xf32, #tpu.memory_space<hbm>>
      tpu.wait_indirect_dma semaphore(%arg16 : memref<!tpu.dma_semaphore, #tpu.memory_space<semaphore_mem>>) src(%dma_wait3A_94 : memref<10240x64xf32, #tpu.memory_space<hbm>>) dst(%arg13 : memref<128x64xf32, #tpu.memory_space<vmem>>)
      %lt3A = arith.constant 39 : i32
      %lt3A_95 = arith.cmpi slt, %scan3A_31, %lt3A : i32
      %convert_element_type3A_96 = arith.extui %lt3A_95 : i1 to i32
      %cond3A_97 = arith.constant 0 : i32
      %cond3A_98 = arith.cmpi ne, %convert_element_type3A_96, %cond3A_97 : i32
      scf.if %cond3A_98 {
        %dma_wait3A_111 = arith.constant 0 : i32
        %dma_wait3A_112 = tpu.memref_slice %arg7[%mul3A_2, %dma_wait3A_111] : memref<327680x64xf32, #tpu.memory_space<hbm>> -> memref<128x64xf32, #tpu.memory_space<hbm>>
        %dma_wait3A_113 = arith.constant 0 : i32
        %dma_wait3A_114 = tpu.memref_slice %arg7[%mul3A_2, %dma_wait3A_113] : memref<327680x64xf32, #tpu.memory_space<hbm>> -> memref<128x64xf32, #tpu.memory_space<hbm>>
        tpu.wait_dma2 semaphore(%arg17 : memref<!tpu.dma_semaphore, #tpu.memory_space<semaphore_mem>>) src(%arg10 : memref<128x64xf32, #tpu.memory_space<vmem>>) dst(%dma_wait3A_114 : memref<128x64xf32, #tpu.memory_space<hbm>>)
        %add3A_115 = arith.constant 2 : i32
        %add3A_116 = arith.addi %mul3A_33, %add3A_115 : i32
        %dma_start3A_117 = arith.constant 0 : i32
        %dma_start3A_118 = tpu.memref_slice %arg8[%add3A_116, %dma_start3A_117] : memref<80x128xi32, #tpu.memory_space<vmem>> -> memref<1x128xi32, #tpu.memory_space<vmem>>
        %dma_start3A_119 = tpu.memref_squeeze %dma_start3A_118 : memref<1x128xi32, #tpu.memory_space<vmem>> -> memref<128xi32, #tpu.memory_space<vmem>>
        %dma_start3A_120 = arith.constant 0 : i32
        %dma_start3A_121 = arith.constant 0 : i32
        %dma_start3A_122 = tpu.memref_slice %arg2[%dma_start3A_120, %dma_start3A_121] : memref<10240x64xf32, #tpu.memory_space<hbm>> -> memref<10240x64xf32, #tpu.memory_space<hbm>>
        tpu.enqueue_indirect_dma source(%dma_start3A_122 : memref<10240x64xf32, #tpu.memory_space<hbm>>) target(%arg10 : memref<128x64xf32, #tpu.memory_space<vmem>>) offsets(%dma_start3A_119 : memref<128xi32, #tpu.memory_space<vmem>>) semaphore(%arg15 : memref<!tpu.dma_semaphore, #tpu.memory_space<semaphore_mem>>)
        %add3A_123 = arith.constant 2 : i32
        %add3A_124 = arith.addi %mul3A_33, %add3A_123 : i32
        %dma_start3A_125 = arith.constant 0 : i32
        %dma_start3A_126 = tpu.memref_slice %arg9[%add3A_124, %dma_start3A_125] : memref<80x128xi32, #tpu.memory_space<vmem>> -> memref<1x128xi32, #tpu.memory_space<vmem>>
        %dma_start3A_127 = tpu.memref_squeeze %dma_start3A_126 : memref<1x128xi32, #tpu.memory_space<vmem>> -> memref<128xi32, #tpu.memory_space<vmem>>
        %dma_start3A_128 = arith.constant 0 : i32
        %dma_start3A_129 = arith.constant 0 : i32
        %dma_start3A_130 = tpu.memref_slice %arg3[%dma_start3A_128, %dma_start3A_129] : memref<10240x64xf32, #tpu.memory_space<hbm>> -> memref<10240x64xf32, #tpu.memory_space<hbm>>
        tpu.enqueue_indirect_dma source(%dma_start3A_130 : memref<10240x64xf32, #tpu.memory_space<hbm>>) target(%arg11 : memref<128x64xf32, #tpu.memory_space<vmem>>) offsets(%dma_start3A_127 : memref<128xi32, #tpu.memory_space<vmem>>) semaphore(%arg15 : memref<!tpu.dma_semaphore, #tpu.memory_space<semaphore_mem>>)
      } else {
      }
      %get3A_99 = arith.constant 0 : index
      %get3A_100 = tpu.vector_load %arg14[%get3A_99] {strides = array<i32>} : memref<16xf32, #tpu.memory_space<vmem>>, vector<16xf32>,
      %get3A_101 = vector.shape_cast %get3A_100 : vector<16xf32> to vector<16xf32>
      %scan3A_102 = arith.constant 0 : i32
      %scan3A_103 = arith.constant 128 : i32
      %scan3A_104 = arith.addi %scan3A_102, %scan3A_103 : i32
      %scan3A_105 = arith.constant 1 : i32
      scf.for %scan3A_111 = %scan3A_102 to %scan3A_104 step %scan3A_105  : i32 {
        %get3A_112 = arith.index_cast %scan3A_111 : i32 to index
        %get3A_113 = arith.constant 0 : index
        %get3A_114 = tpu.vector_load %arg12[%get3A_112, %get3A_113] {strides = array<i32>} : memref<128x64xf32, #tpu.memory_space<vmem>>, vector<1x16xf32>,
        %get3A_115 = vector.shape_cast %get3A_114 : vector<1x16xf32> to vector<16xf32>
        %get3A_116 = arith.index_cast %scan3A_111 : i32 to index
        %get3A_117 = arith.constant 0 : index
        %get3A_118 = tpu.vector_load %arg13[%get3A_116, %get3A_117] {strides = array<i32>} : memref<128x64xf32, #tpu.memory_space<vmem>>, vector<1x16xf32>,
        %get3A_119 = vector.shape_cast %get3A_118 : vector<1x16xf32> to vector<16xf32>
        %add3A_120 = arith.addf %get3A_115, %get3A_119 : vector<16xf32>
        %ge3A = arith.constant 0.000000e+00 : f32
        %ge3A_121 = vector.broadcast %ge3A : f32 to vector<16xf32>
        %ge3A_122 = arith.cmpf oge, %add3A_120, %ge3A_121 : vector<16xf32>
        %mul3A_123 = arith.mulf %get3A_101, %add3A_120 : vector<16xf32>
        %select_n3A = arith.select %ge3A_122, %add3A_120, %mul3A_123 : vector<16xi1>, vector<16xf32>
        %swap3A = arith.index_cast %scan3A_111 : i32 to index
        %swap3A_124 = arith.constant 0 : index
        %swap3A_125 = tpu.vector_load %arg12[%swap3A, %swap3A_124] {strides = array<i32>} : memref<128x64xf32, #tpu.memory_space<vmem>>, vector<1x16xf32>,
        %swap3A_126 = vector.shape_cast %swap3A_125 : vector<1x16xf32> to vector<16xf32>
        %swap3A_127 = vector.shape_cast %select_n3A : vector<16xf32> to vector<1x16xf32>
        tpu.vector_store %arg12[%swap3A, %swap3A_124], %swap3A_127 {strides = array<i32>} : memref<128x64xf32, #tpu.memory_space<vmem>>, vector<1x16xf32>,
        %get3A_128 = arith.index_cast %scan3A_111 : i32 to index
        %get3A_129 = arith.constant 16 : index
        %get3A_130 = tpu.vector_load %arg12[%get3A_128, %get3A_129] {strides = array<i32>} : memref<128x64xf32, #tpu.memory_space<vmem>>, vector<1x16xf32>,
        %get3A_131 = vector.shape_cast %get3A_130 : vector<1x16xf32> to vector<16xf32>
        %get3A_132 = arith.index_cast %scan3A_111 : i32 to index
        %get3A_133 = arith.constant 16 : index
        %get3A_134 = tpu.vector_load %arg13[%get3A_132, %get3A_133] {strides = array<i32>} : memref<128x64xf32, #tpu.memory_space<vmem>>, vector<1x16xf32>,
        %get3A_135 = vector.shape_cast %get3A_134 : vector<1x16xf32> to vector<16xf32>
        %add3A_136 = arith.addf %get3A_131, %get3A_135 : vector<16xf32>
        %ge3A_137 = arith.constant 0.000000e+00 : f32
        %ge3A_138 = vector.broadcast %ge3A_137 : f32 to vector<16xf32>
        %ge3A_139 = arith.cmpf oge, %add3A_136, %ge3A_138 : vector<16xf32>
        %mul3A_140 = arith.mulf %get3A_101, %add3A_136 : vector<16xf32>
        %select_n3A_141 = arith.select %ge3A_139, %add3A_136, %mul3A_140 : vector<16xi1>, vector<16xf32>
        %swap3A_142 = arith.index_cast %scan3A_111 : i32 to index
        %swap3A_143 = arith.constant 16 : index
        %swap3A_144 = tpu.vector_load %arg12[%swap3A_142, %swap3A_143] {strides = array<i32>} : memref<128x64xf32, #tpu.memory_space<vmem>>, vector<1x16xf32>,
        %swap3A_145 = vector.shape_cast %swap3A_144 : vector<1x16xf32> to vector<16xf32>
        %swap3A_146 = vector.shape_cast %select_n3A_141 : vector<16xf32> to vector<1x16xf32>
        tpu.vector_store %arg12[%swap3A_142, %swap3A_143], %swap3A_146 {strides = array<i32>} : memref<128x64xf32, #tpu.memory_space<vmem>>, vector<1x16xf32>,
        %get3A_147 = arith.index_cast %scan3A_111 : i32 to index
        %get3A_148 = arith.constant 32 : index
        %get3A_149 = tpu.vector_load %arg12[%get3A_147, %get3A_148] {strides = array<i32>} : memref<128x64xf32, #tpu.memory_space<vmem>>, vector<1x16xf32>,
        %get3A_150 = vector.shape_cast %get3A_149 : vector<1x16xf32> to vector<16xf32>
        %get3A_151 = arith.index_cast %scan3A_111 : i32 to index
        %get3A_152 = arith.constant 32 : index
        %get3A_153 = tpu.vector_load %arg13[%get3A_151, %get3A_152] {strides = array<i32>} : memref<128x64xf32, #tpu.memory_space<vmem>>, vector<1x16xf32>,
        %get3A_154 = vector.shape_cast %get3A_153 : vector<1x16xf32> to vector<16xf32>
        %add3A_155 = arith.addf %get3A_150, %get3A_154 : vector<16xf32>
        %ge3A_156 = arith.constant 0.000000e+00 : f32
        %ge3A_157 = vector.broadcast %ge3A_156 : f32 to vector<16xf32>
        %ge3A_158 = arith.cmpf oge, %add3A_155, %ge3A_157 : vector<16xf32>
        %mul3A_159 = arith.mulf %get3A_101, %add3A_155 : vector<16xf32>
        %select_n3A_160 = arith.select %ge3A_158, %add3A_155, %mul3A_159 : vector<16xi1>, vector<16xf32>
        %swap3A_161 = arith.index_cast %scan3A_111 : i32 to index
        %swap3A_162 = arith.constant 32 : index
        %swap3A_163 = tpu.vector_load %arg12[%swap3A_161, %swap3A_162] {strides = array<i32>} : memref<128x64xf32, #tpu.memory_space<vmem>>, vector<1x16xf32>,
        %swap3A_164 = vector.shape_cast %swap3A_163 : vector<1x16xf32> to vector<16xf32>
        %swap3A_165 = vector.shape_cast %select_n3A_160 : vector<16xf32> to vector<1x16xf32>
        tpu.vector_store %arg12[%swap3A_161, %swap3A_162], %swap3A_165 {strides = array<i32>} : memref<128x64xf32, #tpu.memory_space<vmem>>, vector<1x16xf32>,
        %get3A_166 = arith.index_cast %scan3A_111 : i32 to index
        %get3A_167 = arith.constant 48 : index
        %get3A_168 = tpu.vector_load %arg12[%get3A_166, %get3A_167] {strides = array<i32>} : memref<128x64xf32, #tpu.memory_space<vmem>>, vector<1x16xf32>,
        %get3A_169 = vector.shape_cast %get3A_168 : vector<1x16xf32> to vector<16xf32>
        %get3A_170 = arith.index_cast %scan3A_111 : i32 to index
        %get3A_171 = arith.constant 48 : index
        %get3A_172 = tpu.vector_load %arg13[%get3A_170, %get3A_171] {strides = array<i32>} : memref<128x64xf32, #tpu.memory_space<vmem>>, vector<1x16xf32>,
        %get3A_173 = vector.shape_cast %get3A_172 : vector<1x16xf32> to vector<16xf32>
        %add3A_174 = arith.addf %get3A_169, %get3A_173 : vector<16xf32>
        %ge3A_175 = arith.constant 0.000000e+00 : f32
        %ge3A_176 = vector.broadcast %ge3A_175 : f32 to vector<16xf32>
        %ge3A_177 = arith.cmpf oge, %add3A_174, %ge3A_176 : vector<16xf32>
        %mul3A_178 = arith.mulf %get3A_101, %add3A_174 : vector<16xf32>
        %select_n3A_179 = arith.select %ge3A_177, %add3A_174, %mul3A_178 : vector<16xi1>, vector<16xf32>
        %swap3A_180 = arith.index_cast %scan3A_111 : i32 to index
        %swap3A_181 = arith.constant 48 : index
        %swap3A_182 = tpu.vector_load %arg12[%swap3A_180, %swap3A_181] {strides = array<i32>} : memref<128x64xf32, #tpu.memory_space<vmem>>, vector<1x16xf32>,
        %swap3A_183 = vector.shape_cast %swap3A_182 : vector<1x16xf32> to vector<16xf32>
        %swap3A_184 = vector.shape_cast %select_n3A_179 : vector<16xf32> to vector<1x16xf32>
        tpu.vector_store %arg12[%swap3A_180, %swap3A_181], %swap3A_184 {strides = array<i32>} : memref<128x64xf32, #tpu.memory_space<vmem>>, vector<1x16xf32>,
      }
      %scan3A_106 = arith.constant 128 : i32
      %dma_start3A_107 = arith.constant 0 : i32
      %dma_start3A_108 = tpu.memref_slice %arg7[%add3A_41, %dma_start3A_107] : memref<327680x64xf32, #tpu.memory_space<hbm>> -> memref<128x64xf32, #tpu.memory_space<hbm>>
      %dma_start3A_109 = arith.constant 0 : i32
      %dma_start3A_110 = tpu.memref_slice %arg7[%add3A_41, %dma_start3A_109] : memref<327680x64xf32, #tpu.memory_space<hbm>> -> memref<128x64xf32, #tpu.memory_space<hbm>>
      tpu.enqueue_dma source(%arg12 : memref<128x64xf32, #tpu.memory_space<vmem>>) target(%dma_start3A_110 : memref<128x64xf32, #tpu.memory_space<hbm>>) target_semaphore(%arg18 : memref<!tpu.dma_semaphore, #tpu.memory_space<semaphore_mem>>)
    }
    %scan3A_23 = arith.constant 40 : i32
    %dma_wait3A = arith.constant 0 : i32
    %dma_wait3A_24 = tpu.memref_slice %arg7[%mul3A_2, %dma_wait3A] : memref<327680x64xf32, #tpu.memory_space<hbm>> -> memref<128x64xf32, #tpu.memory_space<hbm>>
    %dma_wait3A_25 = arith.constant 0 : i32
    %dma_wait3A_26 = tpu.memref_slice %arg7[%mul3A_2, %dma_wait3A_25] : memref<327680x64xf32, #tpu.memory_space<hbm>> -> memref<128x64xf32, #tpu.memory_space<hbm>>
    tpu.wait_dma2 semaphore(%arg17 : memref<!tpu.dma_semaphore, #tpu.memory_space<semaphore_mem>>) src(%arg10 : memref<128x64xf32, #tpu.memory_space<vmem>>) dst(%dma_wait3A_26 : memref<128x64xf32, #tpu.memory_space<hbm>>)
    %dma_wait3A_27 = arith.constant 0 : i32
    %dma_wait3A_28 = tpu.memref_slice %arg7[%mul3A_2, %dma_wait3A_27] : memref<327680x64xf32, #tpu.memory_space<hbm>> -> memref<128x64xf32, #tpu.memory_space<hbm>>
    %dma_wait3A_29 = arith.constant 0 : i32
    %dma_wait3A_30 = tpu.memref_slice %arg7[%mul3A_2, %dma_wait3A_29] : memref<327680x64xf32, #tpu.memory_space<hbm>> -> memref<128x64xf32, #tpu.memory_space<hbm>>
    tpu.wait_dma2 semaphore(%arg18 : memref<!tpu.dma_semaphore, #tpu.memory_space<semaphore_mem>>) src(%arg12 : memref<128x64xf32, #tpu.memory_space<vmem>>) dst(%dma_wait3A_30 : memref<128x64xf32, #tpu.memory_space<hbm>>)
    return
  }
}

#map = affine_map<(d0, d1) -> (0, 0)>
#map1 = affine_map<(d0, d1) -> (0, 0, 0)>
module attributes {stable_mosaic.version = 14 : i64} {
  func.func @_sc_mp_body(%arg0: i32, %arg1: i32, %arg2: memref<10240x128xf32, #tpu.memory_space<hbm>>, %arg3: memref<2560x128xi32, #tpu.memory_space<hbm>>, %arg4: memref<2560x128xi32, #tpu.memory_space<hbm>>, %arg5: memref<10240x128xf32, #tpu.memory_space<hbm>>, %arg6: memref<2x10240x128xf32, #tpu.memory_space<hbm>>, %arg7: memref<1x128xi32, #tpu.memory_space<vmem>>, %arg8: memref<1x128xi32, #tpu.memory_space<vmem>>, %arg9: memref<80x128xi32, #tpu.memory_space<vmem>>, %arg10: memref<128x128xf32, #tpu.memory_space<vmem>>, %arg11: memref<128x128xf32, #tpu.memory_space<vmem>>, %arg12: memref<10240x128xf32, #tpu.memory_space<vmem_shared>>, %arg13: memref<!tpu.dma_semaphore, #tpu.memory_space<semaphore_mem>>, %arg14: memref<!tpu.dma_semaphore, #tpu.memory_space<semaphore_mem>>, %arg15: memref<!tpu.dma_semaphore, #tpu.memory_space<semaphore_mem>>, %arg16: memref<!tpu.dma_semaphore, #tpu.memory_space<semaphore_mem>>) attributes {dimension_semantics = [#tpu.dimension_semantics<core_parallel>, #tpu.dimension_semantics<subcore_parallel>], iteration_bounds = array<i64: 2, 16>, scalar_prefetch = 0 : i64, scratch_operands = 10 : i64, tpu.core_type = #tpu.core_type<sc_vector_subcore>, window_params = [{transform_indices = #map}, {transform_indices = #map}, {transform_indices = #map}, {transform_indices = #map}, {transform_indices = #map1}]} {
    %mul3A = arith.constant 640 : i32
    %mul3A_0 = arith.muli %arg1, %mul3A : i32
    %mul3A_1 = arith.constant 16 : i32
    %mul3A_2 = arith.muli %arg0, %mul3A_1 : i32
    %add3A = arith.addi %mul3A_2, %arg1 : i32
    %mul3A_3 = arith.constant 80 : i32
    %mul3A_4 = arith.muli %add3A, %mul3A_3 : i32
    "tpu.region"() ({
      %run_scoped3A = tpu.sem_alloc : memref<!tpu.dma_semaphore, #tpu.memory_space<semaphore_mem>>
      %dma_start3A_22 = arith.constant 0 : i32
      %dma_start3A_23 = tpu.memref_slice %arg12[%mul3A_0, %dma_start3A_22] : memref<10240x128xf32, #tpu.memory_space<vmem_shared>> -> memref<640x128xf32, #tpu.memory_space<vmem_shared>>
      %dma_start3A_24 = arith.constant 0 : i32
      %dma_start3A_25 = tpu.memref_slice %arg5[%mul3A_0, %dma_start3A_24] : memref<10240x128xf32, #tpu.memory_space<hbm>> -> memref<640x128xf32, #tpu.memory_space<hbm>>
      tpu.enqueue_dma source(%dma_start3A_25 : memref<640x128xf32, #tpu.memory_space<hbm>>) target(%dma_start3A_23 : memref<640x128xf32, #tpu.memory_space<vmem_shared>>) target_semaphore(%run_scoped3A : memref<!tpu.dma_semaphore, #tpu.memory_space<semaphore_mem>>)
      %dma_wait3A = arith.constant 0 : i32
      %dma_wait3A_26 = tpu.memref_slice %arg12[%mul3A_0, %dma_wait3A] : memref<10240x128xf32, #tpu.memory_space<vmem_shared>> -> memref<640x128xf32, #tpu.memory_space<vmem_shared>>
      %dma_wait3A_27 = arith.constant 0 : i32
      %dma_wait3A_28 = tpu.memref_slice %arg5[%mul3A_0, %dma_wait3A_27] : memref<10240x128xf32, #tpu.memory_space<hbm>> -> memref<640x128xf32, #tpu.memory_space<hbm>>
      tpu.wait_dma2 semaphore(%run_scoped3A : memref<!tpu.dma_semaphore, #tpu.memory_space<semaphore_mem>>) src(%dma_wait3A_28 : memref<640x128xf32, #tpu.memory_space<hbm>>) dst(%dma_wait3A_26 : memref<640x128xf32, #tpu.memory_space<vmem_shared>>)
      tpu.yield
    }) : () -> ()
    "tpu.region"() ({
      %run_scoped3A = tpu.sem_alloc : memref<!tpu.dma_semaphore, #tpu.memory_space<semaphore_mem>>
      %dma_start3A_22 = arith.constant 0 : i32
      %dma_start3A_23 = tpu.memref_slice %arg4[%mul3A_4, %dma_start3A_22] : memref<2560x128xi32, #tpu.memory_space<hbm>> -> memref<80x128xi32, #tpu.memory_space<hbm>>
      %dma_start3A_24 = arith.constant 0 : i32
      %dma_start3A_25 = tpu.memref_slice %arg4[%mul3A_4, %dma_start3A_24] : memref<2560x128xi32, #tpu.memory_space<hbm>> -> memref<80x128xi32, #tpu.memory_space<hbm>>
      tpu.enqueue_dma source(%dma_start3A_25 : memref<80x128xi32, #tpu.memory_space<hbm>>) target(%arg9 : memref<80x128xi32, #tpu.memory_space<vmem>>) target_semaphore(%run_scoped3A : memref<!tpu.dma_semaphore, #tpu.memory_space<semaphore_mem>>)
      %dma_wait3A = arith.constant 0 : i32
      %dma_wait3A_26 = tpu.memref_slice %arg4[%mul3A_4, %dma_wait3A] : memref<2560x128xi32, #tpu.memory_space<hbm>> -> memref<80x128xi32, #tpu.memory_space<hbm>>
      %dma_wait3A_27 = arith.constant 0 : i32
      %dma_wait3A_28 = tpu.memref_slice %arg4[%mul3A_4, %dma_wait3A_27] : memref<2560x128xi32, #tpu.memory_space<hbm>> -> memref<80x128xi32, #tpu.memory_space<hbm>>
      tpu.wait_dma2 semaphore(%run_scoped3A : memref<!tpu.dma_semaphore, #tpu.memory_space<semaphore_mem>>) src(%dma_wait3A_28 : memref<80x128xi32, #tpu.memory_space<hbm>>) dst(%arg9 : memref<80x128xi32, #tpu.memory_space<vmem>>)
      tpu.yield
    }) : () -> ()
    %barrier3A = arith.constant 0 : index
    tpu.barrier barrier_id(%barrier3A)
    "tpu.region"() ({
      %run_scoped3A = tpu.sem_alloc : memref<!tpu.dma_semaphore, #tpu.memory_space<semaphore_mem>>
      %dma_start3A_22 = arith.constant 0 : i32
      %dma_start3A_23 = tpu.memref_slice %arg3[%mul3A_4, %dma_start3A_22] : memref<2560x128xi32, #tpu.memory_space<hbm>> -> memref<1x128xi32, #tpu.memory_space<hbm>>
      %dma_start3A_24 = arith.constant 0 : i32
      %dma_start3A_25 = tpu.memref_slice %arg3[%mul3A_4, %dma_start3A_24] : memref<2560x128xi32, #tpu.memory_space<hbm>> -> memref<1x128xi32, #tpu.memory_space<hbm>>
      tpu.enqueue_dma source(%dma_start3A_25 : memref<1x128xi32, #tpu.memory_space<hbm>>) target(%arg7 : memref<1x128xi32, #tpu.memory_space<vmem>>) target_semaphore(%run_scoped3A : memref<!tpu.dma_semaphore, #tpu.memory_space<semaphore_mem>>)
      %dma_wait3A = arith.constant 0 : i32
      %dma_wait3A_26 = tpu.memref_slice %arg3[%mul3A_4, %dma_wait3A] : memref<2560x128xi32, #tpu.memory_space<hbm>> -> memref<1x128xi32, #tpu.memory_space<hbm>>
      %dma_wait3A_27 = arith.constant 0 : i32
      %dma_wait3A_28 = tpu.memref_slice %arg3[%mul3A_4, %dma_wait3A_27] : memref<2560x128xi32, #tpu.memory_space<hbm>> -> memref<1x128xi32, #tpu.memory_space<hbm>>
      tpu.wait_dma2 semaphore(%run_scoped3A : memref<!tpu.dma_semaphore, #tpu.memory_space<semaphore_mem>>) src(%dma_wait3A_28 : memref<1x128xi32, #tpu.memory_space<hbm>>) dst(%arg7 : memref<1x128xi32, #tpu.memory_space<vmem>>)
      tpu.yield
    }) : () -> ()
    %add3A_5 = arith.constant 1 : i32
    %add3A_6 = arith.addi %mul3A_4, %add3A_5 : i32
    %dma_start3A = arith.constant 0 : i32
    %dma_start3A_7 = tpu.memref_slice %arg3[%add3A_6, %dma_start3A] : memref<2560x128xi32, #tpu.memory_space<hbm>> -> memref<1x128xi32, #tpu.memory_space<hbm>>
    %dma_start3A_8 = arith.constant 0 : i32
    %dma_start3A_9 = tpu.memref_slice %arg3[%add3A_6, %dma_start3A_8] : memref<2560x128xi32, #tpu.memory_space<hbm>> -> memref<1x128xi32, #tpu.memory_space<hbm>>
    tpu.enqueue_dma source(%dma_start3A_9 : memref<1x128xi32, #tpu.memory_space<hbm>>) target(%arg8 : memref<1x128xi32, #tpu.memory_space<vmem>>) target_semaphore(%arg16 : memref<!tpu.dma_semaphore, #tpu.memory_space<semaphore_mem>>)
    %dma_start3A_10 = arith.constant 0 : i32
    %dma_start3A_11 = arith.constant 0 : i32
    %dma_start3A_12 = tpu.memref_slice %arg7[%dma_start3A_10, %dma_start3A_11] : memref<1x128xi32, #tpu.memory_space<vmem>> -> memref<1x128xi32, #tpu.memory_space<vmem>>
    %dma_start3A_13 = tpu.memref_squeeze %dma_start3A_12 : memref<1x128xi32, #tpu.memory_space<vmem>> -> memref<128xi32, #tpu.memory_space<vmem>>
    %dma_start3A_14 = arith.constant 0 : i32
    %dma_start3A_15 = arith.constant 0 : i32
    %dma_start3A_16 = tpu.memref_slice %arg2[%dma_start3A_14, %dma_start3A_15] : memref<10240x128xf32, #tpu.memory_space<hbm>> -> memref<10240x128xf32, #tpu.memory_space<hbm>>
    tpu.enqueue_indirect_dma source(%dma_start3A_16 : memref<10240x128xf32, #tpu.memory_space<hbm>>) target(%arg10 : memref<128x128xf32, #tpu.memory_space<vmem>>) offsets(%dma_start3A_13 : memref<128xi32, #tpu.memory_space<vmem>>) semaphore(%arg13 : memref<!tpu.dma_semaphore, #tpu.memory_space<semaphore_mem>>)
    %scan3A = arith.constant 0 : i32
    %scan3A_17 = arith.constant 40 : i32
    %scan3A_18 = arith.addi %scan3A, %scan3A_17 : i32
    %scan3A_19 = arith.constant 1 : i32
    scf.for %scan3A_22 = %scan3A to %scan3A_18 step %scan3A_19  : i32 {
      %mul3A_23 = arith.constant 2 : i32
      %mul3A_24 = arith.muli %mul3A_23, %scan3A_22 : i32
      %add3A_25 = arith.constant 1 : i32
      %add3A_26 = arith.addi %mul3A_24, %add3A_25 : i32
      %dma_wait3A = arith.constant 0 : i32
      %dma_wait3A_27 = arith.constant 0 : i32
      %dma_wait3A_28 = tpu.memref_slice %arg7[%dma_wait3A, %dma_wait3A_27] : memref<1x128xi32, #tpu.memory_space<vmem>> -> memref<1x128xi32, #tpu.memory_space<vmem>>
      %dma_wait3A_29 = tpu.memref_squeeze %dma_wait3A_28 : memref<1x128xi32, #tpu.memory_space<vmem>> -> memref<128xi32, #tpu.memory_space<vmem>>
      %dma_wait3A_30 = arith.constant 0 : i32
      %dma_wait3A_31 = arith.constant 0 : i32
      %dma_wait3A_32 = tpu.memref_slice %arg2[%dma_wait3A_30, %dma_wait3A_31] : memref<10240x128xf32, #tpu.memory_space<hbm>> -> memref<10240x128xf32, #tpu.memory_space<hbm>>
      tpu.wait_indirect_dma semaphore(%arg13 : memref<!tpu.dma_semaphore, #tpu.memory_space<semaphore_mem>>) src(%dma_wait3A_32 : memref<10240x128xf32, #tpu.memory_space<hbm>>) dst(%arg10 : memref<128x128xf32, #tpu.memory_space<vmem>>)
      %dma_wait3A_33 = arith.constant 0 : i32
      %dma_wait3A_34 = tpu.memref_slice %arg3[%mul3A_4, %dma_wait3A_33] : memref<2560x128xi32, #tpu.memory_space<hbm>> -> memref<1x128xi32, #tpu.memory_space<hbm>>
      %dma_wait3A_35 = arith.constant 0 : i32
      %dma_wait3A_36 = tpu.memref_slice %arg3[%mul3A_4, %dma_wait3A_35] : memref<2560x128xi32, #tpu.memory_space<hbm>> -> memref<1x128xi32, #tpu.memory_space<hbm>>
      tpu.wait_dma2 semaphore(%arg16 : memref<!tpu.dma_semaphore, #tpu.memory_space<semaphore_mem>>) src(%dma_wait3A_36 : memref<1x128xi32, #tpu.memory_space<hbm>>) dst(%arg8 : memref<1x128xi32, #tpu.memory_space<vmem>>)
      %lt3A = arith.constant 39 : i32
      %lt3A_37 = arith.cmpi slt, %scan3A_22, %lt3A : i32
      %convert_element_type3A = arith.extui %lt3A_37 : i1 to i32
      %cond3A = arith.constant 0 : i32
      %cond3A_38 = arith.cmpi ne, %convert_element_type3A, %cond3A : i32
      scf.if %cond3A_38 {
        %add3A_58 = arith.addi %mul3A_4, %mul3A_24 : i32
        %add3A_59 = arith.constant 2 : i32
        %add3A_60 = arith.addi %add3A_58, %add3A_59 : i32
        %dma_start3A_61 = arith.constant 0 : i32
        %dma_start3A_62 = tpu.memref_slice %arg3[%add3A_60, %dma_start3A_61] : memref<2560x128xi32, #tpu.memory_space<hbm>> -> memref<1x128xi32, #tpu.memory_space<hbm>>
        %dma_start3A_63 = arith.constant 0 : i32
        %dma_start3A_64 = tpu.memref_slice %arg3[%add3A_60, %dma_start3A_63] : memref<2560x128xi32, #tpu.memory_space<hbm>> -> memref<1x128xi32, #tpu.memory_space<hbm>>
        tpu.enqueue_dma source(%dma_start3A_64 : memref<1x128xi32, #tpu.memory_space<hbm>>) target(%arg7 : memref<1x128xi32, #tpu.memory_space<vmem>>) target_semaphore(%arg15 : memref<!tpu.dma_semaphore, #tpu.memory_space<semaphore_mem>>)
      } else {
      }
      %dma_start3A_39 = arith.constant 0 : i32
      %dma_start3A_40 = arith.constant 0 : i32
      %dma_start3A_41 = tpu.memref_slice %arg8[%dma_start3A_39, %dma_start3A_40] : memref<1x128xi32, #tpu.memory_space<vmem>> -> memref<1x128xi32, #tpu.memory_space<vmem>>
      %dma_start3A_42 = tpu.memref_squeeze %dma_start3A_41 : memref<1x128xi32, #tpu.memory_space<vmem>> -> memref<128xi32, #tpu.memory_space<vmem>>
      %dma_start3A_43 = arith.constant 0 : i32
      %dma_start3A_44 = arith.constant 0 : i32
      %dma_start3A_45 = tpu.memref_slice %arg2[%dma_start3A_43, %dma_start3A_44] : memref<10240x128xf32, #tpu.memory_space<hbm>> -> memref<10240x128xf32, #tpu.memory_space<hbm>>
      tpu.enqueue_indirect_dma source(%dma_start3A_45 : memref<10240x128xf32, #tpu.memory_space<hbm>>) target(%arg11 : memref<128x128xf32, #tpu.memory_space<vmem>>) offsets(%dma_start3A_42 : memref<128xi32, #tpu.memory_space<vmem>>) semaphore(%arg14 : memref<!tpu.dma_semaphore, #tpu.memory_space<semaphore_mem>>)
      "tpu.region"() ({
        %run_scoped3A = tpu.sem_alloc : memref<!tpu.dma_semaphore, #tpu.memory_space<semaphore_mem>>
        %dma_start3A_58 = arith.constant 0 : i32
        %dma_start3A_59 = tpu.memref_slice %arg9[%mul3A_24, %dma_start3A_58] : memref<80x128xi32, #tpu.memory_space<vmem>> -> memref<1x128xi32, #tpu.memory_space<vmem>>
        %dma_start3A_60 = tpu.memref_squeeze %dma_start3A_59 : memref<1x128xi32, #tpu.memory_space<vmem>> -> memref<128xi32, #tpu.memory_space<vmem>>
        %dma_start3A_61 = arith.constant 0 : i32
        %dma_start3A_62 = arith.constant 0 : i32
        %dma_start3A_63 = tpu.memref_slice %arg12[%dma_start3A_61, %dma_start3A_62] : memref<10240x128xf32, #tpu.memory_space<vmem_shared>> -> memref<10240x128xf32, #tpu.memory_space<vmem_shared>>
        tpu.enqueue_indirect_dma source(%arg10 : memref<128x128xf32, #tpu.memory_space<vmem>>) target(%dma_start3A_63 : memref<10240x128xf32, #tpu.memory_space<vmem_shared>>) offsets(%dma_start3A_60 : memref<128xi32, #tpu.memory_space<vmem>>) semaphore(%run_scoped3A : memref<!tpu.dma_semaphore, #tpu.memory_space<semaphore_mem>>) {add = true}
        %dma_wait3A_64 = arith.constant 0 : i32
        %dma_wait3A_65 = tpu.memref_slice %arg9[%mul3A_24, %dma_wait3A_64] : memref<80x128xi32, #tpu.memory_space<vmem>> -> memref<1x128xi32, #tpu.memory_space<vmem>>
        %dma_wait3A_66 = tpu.memref_squeeze %dma_wait3A_65 : memref<1x128xi32, #tpu.memory_space<vmem>> -> memref<128xi32, #tpu.memory_space<vmem>>
        %dma_wait3A_67 = arith.constant 0 : i32
        %dma_wait3A_68 = arith.constant 0 : i32
        %dma_wait3A_69 = tpu.memref_slice %arg12[%dma_wait3A_67, %dma_wait3A_68] : memref<10240x128xf32, #tpu.memory_space<vmem_shared>> -> memref<10240x128xf32, #tpu.memory_space<vmem_shared>>
        tpu.wait_indirect_dma semaphore(%run_scoped3A : memref<!tpu.dma_semaphore, #tpu.memory_space<semaphore_mem>>) src(%arg10 : memref<128x128xf32, #tpu.memory_space<vmem>>) dst(%dma_wait3A_69 : memref<10240x128xf32, #tpu.memory_space<vmem_shared>>)
        tpu.yield
      }) : () -> ()
      %dma_wait3A_46 = arith.constant 0 : i32
      %dma_wait3A_47 = arith.constant 0 : i32
      %dma_wait3A_48 = tpu.memref_slice %arg7[%dma_wait3A_46, %dma_wait3A_47] : memref<1x128xi32, #tpu.memory_space<vmem>> -> memref<1x128xi32, #tpu.memory_space<vmem>>
      %dma_wait3A_49 = tpu.memref_squeeze %dma_wait3A_48 : memref<1x128xi32, #tpu.memory_space<vmem>> -> memref<128xi32, #tpu.memory_space<vmem>>
      %dma_wait3A_50 = arith.constant 0 : i32
      %dma_wait3A_51 = arith.constant 0 : i32
      %dma_wait3A_52 = tpu.memref_slice %arg2[%dma_wait3A_50, %dma_wait3A_51] : memref<10240x128xf32, #tpu.memory_space<hbm>> -> memref<10240x128xf32, #tpu.memory_space<hbm>>
      tpu.wait_indirect_dma semaphore(%arg14 : memref<!tpu.dma_semaphore, #tpu.memory_space<semaphore_mem>>) src(%dma_wait3A_52 : memref<10240x128xf32, #tpu.memory_space<hbm>>) dst(%arg11 : memref<128x128xf32, #tpu.memory_space<vmem>>)
      %lt3A_53 = arith.constant 39 : i32
      %lt3A_54 = arith.cmpi slt, %scan3A_22, %lt3A_53 : i32
      %convert_element_type3A_55 = arith.extui %lt3A_54 : i1 to i32
      %cond3A_56 = arith.constant 0 : i32
      %cond3A_57 = arith.cmpi ne, %convert_element_type3A_55, %cond3A_56 : i32
      scf.if %cond3A_57 {
        %dma_wait3A_58 = arith.constant 0 : i32
        %dma_wait3A_59 = tpu.memref_slice %arg3[%mul3A_4, %dma_wait3A_58] : memref<2560x128xi32, #tpu.memory_space<hbm>> -> memref<1x128xi32, #tpu.memory_space<hbm>>
        %dma_wait3A_60 = arith.constant 0 : i32
        %dma_wait3A_61 = tpu.memref_slice %arg3[%mul3A_4, %dma_wait3A_60] : memref<2560x128xi32, #tpu.memory_space<hbm>> -> memref<1x128xi32, #tpu.memory_space<hbm>>
        tpu.wait_dma2 semaphore(%arg15 : memref<!tpu.dma_semaphore, #tpu.memory_space<semaphore_mem>>) src(%dma_wait3A_61 : memref<1x128xi32, #tpu.memory_space<hbm>>) dst(%arg7 : memref<1x128xi32, #tpu.memory_space<vmem>>)
        %add3A_62 = arith.addi %mul3A_4, %add3A_26 : i32
        %add3A_63 = arith.constant 2 : i32
        %add3A_64 = arith.addi %add3A_62, %add3A_63 : i32
        %dma_start3A_65 = arith.constant 0 : i32
        %dma_start3A_66 = tpu.memref_slice %arg3[%add3A_64, %dma_start3A_65] : memref<2560x128xi32, #tpu.memory_space<hbm>> -> memref<1x128xi32, #tpu.memory_space<hbm>>
        %dma_start3A_67 = arith.constant 0 : i32
        %dma_start3A_68 = tpu.memref_slice %arg3[%add3A_64, %dma_start3A_67] : memref<2560x128xi32, #tpu.memory_space<hbm>> -> memref<1x128xi32, #tpu.memory_space<hbm>>
        tpu.enqueue_dma source(%dma_start3A_68 : memref<1x128xi32, #tpu.memory_space<hbm>>) target(%arg8 : memref<1x128xi32, #tpu.memory_space<vmem>>) target_semaphore(%arg16 : memref<!tpu.dma_semaphore, #tpu.memory_space<semaphore_mem>>)
        %dma_start3A_69 = arith.constant 0 : i32
        %dma_start3A_70 = arith.constant 0 : i32
        %dma_start3A_71 = tpu.memref_slice %arg7[%dma_start3A_69, %dma_start3A_70] : memref<1x128xi32, #tpu.memory_space<vmem>> -> memref<1x128xi32, #tpu.memory_space<vmem>>
        %dma_start3A_72 = tpu.memref_squeeze %dma_start3A_71 : memref<1x128xi32, #tpu.memory_space<vmem>> -> memref<128xi32, #tpu.memory_space<vmem>>
        %dma_start3A_73 = arith.constant 0 : i32
        %dma_start3A_74 = arith.constant 0 : i32
        %dma_start3A_75 = tpu.memref_slice %arg2[%dma_start3A_73, %dma_start3A_74] : memref<10240x128xf32, #tpu.memory_space<hbm>> -> memref<10240x128xf32, #tpu.memory_space<hbm>>
        tpu.enqueue_indirect_dma source(%dma_start3A_75 : memref<10240x128xf32, #tpu.memory_space<hbm>>) target(%arg10 : memref<128x128xf32, #tpu.memory_space<vmem>>) offsets(%dma_start3A_72 : memref<128xi32, #tpu.memory_space<vmem>>) semaphore(%arg13 : memref<!tpu.dma_semaphore, #tpu.memory_space<semaphore_mem>>)
      } else {
      }
      "tpu.region"() ({
        %run_scoped3A = tpu.sem_alloc : memref<!tpu.dma_semaphore, #tpu.memory_space<semaphore_mem>>
        %dma_start3A_58 = arith.constant 0 : i32
        %dma_start3A_59 = tpu.memref_slice %arg9[%add3A_26, %dma_start3A_58] : memref<80x128xi32, #tpu.memory_space<vmem>> -> memref<1x128xi32, #tpu.memory_space<vmem>>
        %dma_start3A_60 = tpu.memref_squeeze %dma_start3A_59 : memref<1x128xi32, #tpu.memory_space<vmem>> -> memref<128xi32, #tpu.memory_space<vmem>>
        %dma_start3A_61 = arith.constant 0 : i32
        %dma_start3A_62 = arith.constant 0 : i32
        %dma_start3A_63 = tpu.memref_slice %arg12[%dma_start3A_61, %dma_start3A_62] : memref<10240x128xf32, #tpu.memory_space<vmem_shared>> -> memref<10240x128xf32, #tpu.memory_space<vmem_shared>>
        tpu.enqueue_indirect_dma source(%arg11 : memref<128x128xf32, #tpu.memory_space<vmem>>) target(%dma_start3A_63 : memref<10240x128xf32, #tpu.memory_space<vmem_shared>>) offsets(%dma_start3A_60 : memref<128xi32, #tpu.memory_space<vmem>>) semaphore(%run_scoped3A : memref<!tpu.dma_semaphore, #tpu.memory_space<semaphore_mem>>) {add = true}
        %dma_wait3A_64 = arith.constant 0 : i32
        %dma_wait3A_65 = tpu.memref_slice %arg9[%add3A_26, %dma_wait3A_64] : memref<80x128xi32, #tpu.memory_space<vmem>> -> memref<1x128xi32, #tpu.memory_space<vmem>>
        %dma_wait3A_66 = tpu.memref_squeeze %dma_wait3A_65 : memref<1x128xi32, #tpu.memory_space<vmem>> -> memref<128xi32, #tpu.memory_space<vmem>>
        %dma_wait3A_67 = arith.constant 0 : i32
        %dma_wait3A_68 = arith.constant 0 : i32
        %dma_wait3A_69 = tpu.memref_slice %arg12[%dma_wait3A_67, %dma_wait3A_68] : memref<10240x128xf32, #tpu.memory_space<vmem_shared>> -> memref<10240x128xf32, #tpu.memory_space<vmem_shared>>
        tpu.wait_indirect_dma semaphore(%run_scoped3A : memref<!tpu.dma_semaphore, #tpu.memory_space<semaphore_mem>>) src(%arg11 : memref<128x128xf32, #tpu.memory_space<vmem>>) dst(%dma_wait3A_69 : memref<10240x128xf32, #tpu.memory_space<vmem_shared>>)
        tpu.yield
      }) : () -> ()
    }
    %scan3A_20 = arith.constant 40 : i32
    %barrier3A_21 = arith.constant 0 : index
    tpu.barrier barrier_id(%barrier3A_21)
    "tpu.region"() ({
      %run_scoped3A = tpu.sem_alloc : memref<!tpu.dma_semaphore, #tpu.memory_space<semaphore_mem>>
      %dma_start3A_22 = arith.constant 0 : i32
      %dma_start3A_23 = tpu.memref_slice %arg6[%arg0, %mul3A_0, %dma_start3A_22] : memref<2x10240x128xf32, #tpu.memory_space<hbm>> -> memref<1x640x128xf32, #tpu.memory_space<hbm>>
      %dma_start3A_24 = tpu.memref_squeeze %dma_start3A_23 : memref<1x640x128xf32, #tpu.memory_space<hbm>> -> memref<640x128xf32, #tpu.memory_space<hbm>>
      %dma_start3A_25 = arith.constant 0 : i32
      %dma_start3A_26 = tpu.memref_slice %arg12[%mul3A_0, %dma_start3A_25] : memref<10240x128xf32, #tpu.memory_space<vmem_shared>> -> memref<640x128xf32, #tpu.memory_space<vmem_shared>>
      tpu.enqueue_dma source(%dma_start3A_26 : memref<640x128xf32, #tpu.memory_space<vmem_shared>>) target(%dma_start3A_24 : memref<640x128xf32, #tpu.memory_space<hbm>>) target_semaphore(%run_scoped3A : memref<!tpu.dma_semaphore, #tpu.memory_space<semaphore_mem>>)
      %dma_wait3A = arith.constant 0 : i32
      %dma_wait3A_27 = tpu.memref_slice %arg6[%arg0, %mul3A_0, %dma_wait3A] : memref<2x10240x128xf32, #tpu.memory_space<hbm>> -> memref<1x640x128xf32, #tpu.memory_space<hbm>>
      %dma_wait3A_28 = tpu.memref_squeeze %dma_wait3A_27 : memref<1x640x128xf32, #tpu.memory_space<hbm>> -> memref<640x128xf32, #tpu.memory_space<hbm>>
      %dma_wait3A_29 = arith.constant 0 : i32
      %dma_wait3A_30 = tpu.memref_slice %arg12[%mul3A_0, %dma_wait3A_29] : memref<10240x128xf32, #tpu.memory_space<vmem_shared>> -> memref<640x128xf32, #tpu.memory_space<vmem_shared>>
      tpu.wait_dma2 semaphore(%run_scoped3A : memref<!tpu.dma_semaphore, #tpu.memory_space<semaphore_mem>>) src(%dma_wait3A_30 : memref<640x128xf32, #tpu.memory_space<vmem_shared>>) dst(%dma_wait3A_28 : memref<640x128xf32, #tpu.memory_space<hbm>>)
      tpu.yield
    }) : () -> ()
    return
  }
}

module attributes {stable_mosaic.version = 14 : i64} {
  func.func @_tc1_body(%arg0: i32, %arg1: memref<1024x128xf32, #tpu.memory_space<vmem>>, %arg2: memref<1024x1xi32, #tpu.memory_space<vmem>>, %arg3: memref<128x128xf32, #tpu.memory_space<vmem>>, %arg4: memref<1x128xf32, #tpu.memory_space<vmem>>, %arg5: memref<1x1xf32, #tpu.memory_space<smem>>, %arg6: memref<128x128xf32, #tpu.memory_space<vmem>>, %arg7: memref<1x128xf32, #tpu.memory_space<vmem>>, %arg8: memref<1x1xf32, #tpu.memory_space<smem>>, %arg9: memref<128x64xf32, #tpu.memory_space<vmem>>, %arg10: memref<1x64xf32, #tpu.memory_space<vmem>>, %arg11: memref<1024x64xf32, #tpu.memory_space<vmem>>, %arg12: memref<4x64xf32, #tpu.memory_space<vmem>>, %arg13: memref<4x1xf32, #tpu.memory_space<vmem>>) attributes {dimension_semantics = [#tpu.dimension_semantics<arbitrary>], iteration_bounds = array<i64: 10>, scalar_prefetch = 0 : i64, scratch_operands = 0 : i64, tpu.core_type = #tpu.core_type<tc>, window_params = [{transform_indices = @transform_0, window_bounds = array<i64: 1024, 128>}, {transform_indices = @transform_1, window_bounds = array<i64: 1024, 1>}, {pipeline_mode = #tpu.pipeline_mode<synchronous>, transform_indices = @transform_2, window_bounds = array<i64: 128, 128>}, {pipeline_mode = #tpu.pipeline_mode<synchronous>, transform_indices = @transform_3, window_bounds = array<i64: 1, 128>}, {transform_indices = @transform_4, window_bounds = array<i64: 1, 1>}, {pipeline_mode = #tpu.pipeline_mode<synchronous>, transform_indices = @transform_5, window_bounds = array<i64: 128, 128>}, {pipeline_mode = #tpu.pipeline_mode<synchronous>, transform_indices = @transform_6, window_bounds = array<i64: 1, 128>}, {transform_indices = @transform_7, window_bounds = array<i64: 1, 1>}, {pipeline_mode = #tpu.pipeline_mode<synchronous>, transform_indices = @transform_8, window_bounds = array<i64: 128, 64>}, {pipeline_mode = #tpu.pipeline_mode<synchronous>, transform_indices = @transform_9, window_bounds = array<i64: 1, 64>}, {transform_indices = @transform_10, window_bounds = array<i64: 1024, 64>}, {pipeline_mode = #tpu.pipeline_mode<synchronous>, transform_indices = @transform_11, window_bounds = array<i64: 4, 64>}, {pipeline_mode = #tpu.pipeline_mode<synchronous>, transform_indices = @transform_12, window_bounds = array<i64: 4, 1>}]} {
    %get3A = arith.constant 0 : index
    %get3A_0 = arith.constant 0 : index
    %get3A_1 = vector.load %arg1[%get3A, %get3A_0] : memref<1024x128xf32, #tpu.memory_space<vmem>>, vector<1024x128xf32>
    %get3A_2 = arith.constant 0 : index
    %get3A_3 = arith.constant 0 : index
    %get3A_4 = vector.load %arg3[%get3A_2, %get3A_3] : memref<128x128xf32, #tpu.memory_space<vmem>>, vector<128x128xf32>
    %dot_general3A = arith.constant dense<0.000000e+00> : vector<1024x128xf32>
    %dot_general3A_5 = tpu.matmul %get3A_1, %get3A_4, %dot_general3A {dimension_numbers = #tpu.dot_dimension_numbers<[1], [0], [0], [1], [0, 0, 1, 1], [], []>, transpose_lhs_hint = false} : vector<1024x128xf32>, vector<128x128xf32>, vector<1024x128xf32> -> vector<1024x128xf32>
    %get3A_6 = arith.constant 0 : index
    %get3A_7 = arith.constant 0 : index
    %get3A_8 = vector.load %arg4[%get3A_6, %get3A_7] : memref<1x128xf32, #tpu.memory_space<vmem>>, vector<1x128xf32>
    %add3A = vector.broadcast %get3A_8 : vector<1x128xf32> to vector<1024x128xf32>
    %add3A_9 = arith.addf %dot_general3A_5, %add3A : vector<1024x128xf32>
    %get3A_10 = arith.constant 0 : index
    %get3A_11 = arith.constant 0 : index
    %get3A_12 = memref.load %arg5[%get3A_10, %get3A_11] : memref<1x1xf32, #tpu.memory_space<smem>>
    %ge3A = arith.constant 0.000000e+00 : f32
    %ge3A_13 = vector.broadcast %ge3A : f32 to vector<1024x128xf32>
    %ge3A_14 = arith.cmpf oge, %add3A_9, %ge3A_13 : vector<1024x128xf32>
    %mul3A = vector.broadcast %get3A_12 : f32 to vector<1024x128xf32>
    %mul3A_15 = arith.mulf %mul3A, %add3A_9 : vector<1024x128xf32>
    %select_n3A = arith.select %ge3A_14, %add3A_9, %mul3A_15 : vector<1024x128xi1>, vector<1024x128xf32>
    %get3A_16 = arith.constant 0 : index
    %get3A_17 = arith.constant 0 : index
    %get3A_18 = vector.load %arg6[%get3A_16, %get3A_17] : memref<128x128xf32, #tpu.memory_space<vmem>>, vector<128x128xf32>
    %dot_general3A_19 = arith.constant dense<0.000000e+00> : vector<1024x128xf32>
    %dot_general3A_20 = tpu.matmul %select_n3A, %get3A_18, %dot_general3A_19 {dimension_numbers = #tpu.dot_dimension_numbers<[1], [0], [0], [1], [0, 0, 1, 1], [], []>, transpose_lhs_hint = false} : vector<1024x128xf32>, vector<128x128xf32>, vector<1024x128xf32> -> vector<1024x128xf32>
    %get3A_21 = arith.constant 0 : index
    %get3A_22 = arith.constant 0 : index
    %get3A_23 = vector.load %arg7[%get3A_21, %get3A_22] : memref<1x128xf32, #tpu.memory_space<vmem>>, vector<1x128xf32>
    %add3A_24 = vector.broadcast %get3A_23 : vector<1x128xf32> to vector<1024x128xf32>
    %add3A_25 = arith.addf %dot_general3A_20, %add3A_24 : vector<1024x128xf32>
    %get3A_26 = arith.constant 0 : index
    %get3A_27 = arith.constant 0 : index
    %get3A_28 = memref.load %arg8[%get3A_26, %get3A_27] : memref<1x1xf32, #tpu.memory_space<smem>>
    %ge3A_29 = arith.constant 0.000000e+00 : f32
    %ge3A_30 = vector.broadcast %ge3A_29 : f32 to vector<1024x128xf32>
    %ge3A_31 = arith.cmpf oge, %add3A_25, %ge3A_30 : vector<1024x128xf32>
    %mul3A_32 = vector.broadcast %get3A_28 : f32 to vector<1024x128xf32>
    %mul3A_33 = arith.mulf %mul3A_32, %add3A_25 : vector<1024x128xf32>
    %select_n3A_34 = arith.select %ge3A_31, %add3A_25, %mul3A_33 : vector<1024x128xi1>, vector<1024x128xf32>
    %get3A_35 = arith.constant 0 : index
    %get3A_36 = arith.constant 0 : index
    %get3A_37 = vector.load %arg9[%get3A_35, %get3A_36] : memref<128x64xf32, #tpu.memory_space<vmem>>, vector<128x64xf32>
    %dot_general3A_38 = arith.constant dense<0.000000e+00> : vector<1024x64xf32>
    %dot_general3A_39 = tpu.matmul %select_n3A_34, %get3A_37, %dot_general3A_38 {dimension_numbers = #tpu.dot_dimension_numbers<[1], [0], [0], [1], [0, 0, 1, 1], [], []>, transpose_lhs_hint = false} : vector<1024x128xf32>, vector<128x64xf32>, vector<1024x64xf32> -> vector<1024x64xf32>
    %get3A_40 = arith.constant 0 : index
    %get3A_41 = arith.constant 0 : index
    %get3A_42 = vector.load %arg10[%get3A_40, %get3A_41] : memref<1x64xf32, #tpu.memory_space<vmem>>, vector<1x64xf32>
    %add3A_43 = vector.broadcast %get3A_42 : vector<1x64xf32> to vector<1024x64xf32>
    %add3A_44 = arith.addf %dot_general3A_39, %add3A_43 : vector<1024x64xf32>
    %swap3A = arith.constant 0 : index
    %swap3A_45 = arith.constant 0 : index
    %swap3A_46 = vector.load %arg11[%swap3A, %swap3A_45] : memref<1024x64xf32, #tpu.memory_space<vmem>>, vector<1024x64xf32>
    tpu.vector_store %arg11[%swap3A, %swap3A_45], %add3A_44 {strides = array<i32>} : memref<1024x64xf32, #tpu.memory_space<vmem>>, vector<1024x64xf32>,
    %get3A_47 = arith.constant 0 : index
    %get3A_48 = arith.constant 0 : index
    %get3A_49 = vector.load %arg2[%get3A_47, %get3A_48] : memref<1024x1xi32, #tpu.memory_space<vmem>>, vector<1024x1xi32>
    %iota3A = tpu.iota {dimensions = array<i32: 1>} : vector<1x4xi32>
    %eq3A = vector.broadcast %get3A_49 : vector<1024x1xi32> to vector<1024x4xi32>
    %eq3A_50 = vector.broadcast %iota3A : vector<1x4xi32> to vector<1024x4xi32>
    %eq3A_51 = arith.cmpi eq, %eq3A, %eq3A_50 : vector<1024x4xi32>
    %convert_element_type3A = arith.extui %eq3A_51 : vector<1024x4xi1> to vector<1024x4xi32>
    %convert_element_type3A_52 = arith.sitofp %convert_element_type3A : vector<1024x4xi32> to vector<1024x4xf32>
    %dot_general3A_53 = arith.constant dense<0.000000e+00> : vector<4x64xf32>
    %dot_general3A_54 = tpu.matmul %convert_element_type3A_52, %add3A_44, %dot_general3A_53 {dimension_numbers = #tpu.dot_dimension_numbers<[0], [0], [1], [1], [0, 1, 1, 1], [], []>, transpose_lhs_hint = false} : vector<1024x4xf32>, vector<1024x64xf32>, vector<4x64xf32> -> vector<4x64xf32>
    %broadcast_in_dim3A = arith.constant 1.000000e+00 : f32
    %broadcast_in_dim3A_55 = vector.broadcast %broadcast_in_dim3A : f32 to vector<1024x1xf32>
    %dot_general3A_56 = arith.constant dense<0.000000e+00> : vector<4x1xf32>
    %dot_general3A_57 = tpu.matmul %convert_element_type3A_52, %broadcast_in_dim3A_55, %dot_general3A_56 {dimension_numbers = #tpu.dot_dimension_numbers<[0], [0], [1], [1], [0, 1, 1, 1], [], []>, transpose_lhs_hint = false} : vector<1024x4xf32>, vector<1024x1xf32>, vector<4x1xf32> -> vector<4x1xf32>
    %eq3A_58 = arith.constant 0 : i32
    %eq3A_59 = arith.cmpi eq, %arg0, %eq3A_58 : i32
    %convert_element_type3A_60 = arith.extui %eq3A_59 : i1 to i32
    %cond3A = arith.constant 0 : i32
    %cond3A_61 = arith.cmpi ne, %convert_element_type3A_60, %cond3A : i32
    scf.if %cond3A_61 {
      %broadcast_in_dim3A_76 = arith.constant 0.000000e+00 : f32
      %broadcast_in_dim3A_77 = vector.broadcast %broadcast_in_dim3A_76 : f32 to vector<4x64xf32>
      %swap3A_78 = arith.constant 0 : index
      %swap3A_79 = arith.constant 0 : index
      %swap3A_80 = vector.load %arg12[%swap3A_78, %swap3A_79] : memref<4x64xf32, #tpu.memory_space<vmem>>, vector<4x64xf32>
      tpu.vector_store %arg12[%swap3A_78, %swap3A_79], %broadcast_in_dim3A_77 {strides = array<i32>} : memref<4x64xf32, #tpu.memory_space<vmem>>, vector<4x64xf32>,
      %broadcast_in_dim3A_81 = arith.constant 0.000000e+00 : f32
      %broadcast_in_dim3A_82 = vector.broadcast %broadcast_in_dim3A_81 : f32 to vector<4x1xf32>
      %swap3A_83 = arith.constant 0 : index
      %swap3A_84 = arith.constant 0 : index
      %swap3A_85 = vector.load %arg13[%swap3A_83, %swap3A_84] : memref<4x1xf32, #tpu.memory_space<vmem>>, vector<4x1xf32>
      tpu.vector_store %arg13[%swap3A_83, %swap3A_84], %broadcast_in_dim3A_82 {strides = array<i32>} : memref<4x1xf32, #tpu.memory_space<vmem>>, vector<4x1xf32>,
    } else {
    }
    %get3A_62 = arith.constant 0 : index
    %get3A_63 = arith.constant 0 : index
    %get3A_64 = vector.load %arg12[%get3A_62, %get3A_63] : memref<4x64xf32, #tpu.memory_space<vmem>>, vector<4x64xf32>
    %add3A_65 = arith.addf %get3A_64, %dot_general3A_54 : vector<4x64xf32>
    %swap3A_66 = arith.constant 0 : index
    %swap3A_67 = arith.constant 0 : index
    %swap3A_68 = vector.load %arg12[%swap3A_66, %swap3A_67] : memref<4x64xf32, #tpu.memory_space<vmem>>, vector<4x64xf32>
    tpu.vector_store %arg12[%swap3A_66, %swap3A_67], %add3A_65 {strides = array<i32>} : memref<4x64xf32, #tpu.memory_space<vmem>>, vector<4x64xf32>,
    %get3A_69 = arith.constant 0 : index
    %get3A_70 = arith.constant 0 : index
    %get3A_71 = vector.load %arg13[%get3A_69, %get3A_70] : memref<4x1xf32, #tpu.memory_space<vmem>>, vector<4x1xf32>
    %add3A_72 = arith.addf %get3A_71, %dot_general3A_57 : vector<4x1xf32>
    %swap3A_73 = arith.constant 0 : index
    %swap3A_74 = arith.constant 0 : index
    %swap3A_75 = vector.load %arg13[%swap3A_73, %swap3A_74] : memref<4x1xf32, #tpu.memory_space<vmem>>, vector<4x1xf32>
    tpu.vector_store %arg13[%swap3A_73, %swap3A_74], %add3A_72 {strides = array<i32>} : memref<4x1xf32, #tpu.memory_space<vmem>>, vector<4x1xf32>,
    return
  }
  func.func @transform_0(%arg0: i32) -> (i32, i32) {
    %c0_i32 = arith.constant 0 : i32
    %c0_i32_0 = arith.constant 0 : i32
    return %arg0, %c0_i32 : i32, i32
  }
  func.func @transform_1(%arg0: i32) -> (i32, i32) {
    %c0_i32 = arith.constant 0 : i32
    %c0_i32_0 = arith.constant 0 : i32
    return %arg0, %c0_i32 : i32, i32
  }
  func.func @transform_2(%arg0: i32) -> (i32, i32) {
    %c0_i32 = arith.constant 0 : i32
    %c0_i32_0 = arith.constant 0 : i32
    %c0_i32_1 = arith.constant 0 : i32
    return %c0_i32, %c0_i32_0 : i32, i32
  }
  func.func @transform_3(%arg0: i32) -> (i32, i32) {
    %c0_i32 = arith.constant 0 : i32
    %c0_i32_0 = arith.constant 0 : i32
    %c0_i32_1 = arith.constant 0 : i32
    return %c0_i32, %c0_i32_0 : i32, i32
  }
  func.func @transform_4(%arg0: i32) -> (i32, i32) {
    %c0_i32 = arith.constant 0 : i32
    %c0_i32_0 = arith.constant 0 : i32
    %c0_i32_1 = arith.constant 0 : i32
    return %c0_i32, %c0_i32_0 : i32, i32
  }
  func.func @transform_5(%arg0: i32) -> (i32, i32) {
    %c0_i32 = arith.constant 0 : i32
    %c0_i32_0 = arith.constant 0 : i32
    %c0_i32_1 = arith.constant 0 : i32
    return %c0_i32, %c0_i32_0 : i32, i32
  }
  func.func @transform_6(%arg0: i32) -> (i32, i32) {
    %c0_i32 = arith.constant 0 : i32
    %c0_i32_0 = arith.constant 0 : i32
    %c0_i32_1 = arith.constant 0 : i32
    return %c0_i32, %c0_i32_0 : i32, i32
  }
  func.func @transform_7(%arg0: i32) -> (i32, i32) {
    %c0_i32 = arith.constant 0 : i32
    %c0_i32_0 = arith.constant 0 : i32
    %c0_i32_1 = arith.constant 0 : i32
    return %c0_i32, %c0_i32_0 : i32, i32
  }
  func.func @transform_8(%arg0: i32) -> (i32, i32) {
    %c0_i32 = arith.constant 0 : i32
    %c0_i32_0 = arith.constant 0 : i32
    %c0_i32_1 = arith.constant 0 : i32
    return %c0_i32, %c0_i32_0 : i32, i32
  }
  func.func @transform_9(%arg0: i32) -> (i32, i32) {
    %c0_i32 = arith.constant 0 : i32
    %c0_i32_0 = arith.constant 0 : i32
    %c0_i32_1 = arith.constant 0 : i32
    return %c0_i32, %c0_i32_0 : i32, i32
  }
  func.func @transform_10(%arg0: i32) -> (i32, i32) {
    %c0_i32 = arith.constant 0 : i32
    %c0_i32_0 = arith.constant 0 : i32
    return %arg0, %c0_i32 : i32, i32
  }
  func.func @transform_11(%arg0: i32) -> (i32, i32) {
    %c0_i32 = arith.constant 0 : i32
    %c0_i32_0 = arith.constant 0 : i32
    %c0_i32_1 = arith.constant 0 : i32
    return %c0_i32, %c0_i32_0 : i32, i32
  }
  func.func @transform_12(%arg0: i32) -> (i32, i32) {
    %c0_i32 = arith.constant 0 : i32
    %c0_i32_0 = arith.constant 0 : i32
    %c0_i32_1 = arith.constant 0 : i32
    return %c0_i32, %c0_i32_0 : i32, i32
  }
}

module attributes {stable_mosaic.version = 14 : i64} {
  func.func @_tc2_body(%arg0: memref<4x64xf32, #tpu.memory_space<vmem>>, %arg1: memref<4x1xf32, #tpu.memory_space<vmem>>, %arg2: memref<64x128xf32, #tpu.memory_space<vmem>>, %arg3: memref<1x128xf32, #tpu.memory_space<vmem>>, %arg4: memref<1x1xf32, #tpu.memory_space<smem>>, %arg5: memref<128x128xf32, #tpu.memory_space<vmem>>, %arg6: memref<1x128xf32, #tpu.memory_space<vmem>>, %arg7: memref<1x1xf32, #tpu.memory_space<smem>>, %arg8: memref<128x64xf32, #tpu.memory_space<vmem>>, %arg9: memref<1x64xf32, #tpu.memory_space<vmem>>, %arg10: memref<4x64xf32, #tpu.memory_space<vmem>>) attributes {dimension_semantics = [], scalar_prefetch = 0 : i64, scratch_operands = 0 : i64, tpu.core_type = #tpu.core_type<tc>} {
    %get3A = arith.constant 0 : index
    %get3A_0 = arith.constant 0 : index
    %get3A_1 = vector.load %arg0[%get3A, %get3A_0] : memref<4x64xf32, #tpu.memory_space<vmem>>, vector<4x64xf32>
    %get3A_2 = arith.constant 0 : index
    %get3A_3 = arith.constant 0 : index
    %get3A_4 = vector.load %arg1[%get3A_2, %get3A_3] : memref<4x1xf32, #tpu.memory_space<vmem>>, vector<4x1xf32>
    %max3A = arith.constant 1.000000e+00 : f32
    %max3A_5 = vector.broadcast %max3A : f32 to vector<4x1xf32>
    %max3A_6 = arith.maximumf %get3A_4, %max3A_5 : vector<4x1xf32>
    %div3A = vector.broadcast %max3A_6 : vector<4x1xf32> to vector<4x64xf32>
    %div3A_7 = arith.divf %get3A_1, %div3A : vector<4x64xf32>
    %get3A_8 = arith.constant 0 : index
    %get3A_9 = arith.constant 0 : index
    %get3A_10 = vector.load %arg2[%get3A_8, %get3A_9] : memref<64x128xf32, #tpu.memory_space<vmem>>, vector<64x128xf32>
    %dot_general3A = arith.constant dense<0.000000e+00> : vector<4x128xf32>
    %dot_general3A_11 = tpu.matmul %div3A_7, %get3A_10, %dot_general3A {dimension_numbers = #tpu.dot_dimension_numbers<[1], [0], [0], [1], [0, 0, 1, 1], [], []>, transpose_lhs_hint = false} : vector<4x64xf32>, vector<64x128xf32>, vector<4x128xf32> -> vector<4x128xf32>
    %get3A_12 = arith.constant 0 : index
    %get3A_13 = arith.constant 0 : index
    %get3A_14 = vector.load %arg3[%get3A_12, %get3A_13] : memref<1x128xf32, #tpu.memory_space<vmem>>, vector<1x128xf32>
    %add3A = vector.broadcast %get3A_14 : vector<1x128xf32> to vector<4x128xf32>
    %add3A_15 = arith.addf %dot_general3A_11, %add3A : vector<4x128xf32>
    %get3A_16 = arith.constant 0 : index
    %get3A_17 = arith.constant 0 : index
    %get3A_18 = memref.load %arg4[%get3A_16, %get3A_17] : memref<1x1xf32, #tpu.memory_space<smem>>
    %ge3A = arith.constant 0.000000e+00 : f32
    %ge3A_19 = vector.broadcast %ge3A : f32 to vector<4x128xf32>
    %ge3A_20 = arith.cmpf oge, %add3A_15, %ge3A_19 : vector<4x128xf32>
    %mul3A = vector.broadcast %get3A_18 : f32 to vector<4x128xf32>
    %mul3A_21 = arith.mulf %mul3A, %add3A_15 : vector<4x128xf32>
    %select_n3A = arith.select %ge3A_20, %add3A_15, %mul3A_21 : vector<4x128xi1>, vector<4x128xf32>
    %get3A_22 = arith.constant 0 : index
    %get3A_23 = arith.constant 0 : index
    %get3A_24 = vector.load %arg5[%get3A_22, %get3A_23] : memref<128x128xf32, #tpu.memory_space<vmem>>, vector<128x128xf32>
    %dot_general3A_25 = arith.constant dense<0.000000e+00> : vector<4x128xf32>
    %dot_general3A_26 = tpu.matmul %select_n3A, %get3A_24, %dot_general3A_25 {dimension_numbers = #tpu.dot_dimension_numbers<[1], [0], [0], [1], [0, 0, 1, 1], [], []>, transpose_lhs_hint = false} : vector<4x128xf32>, vector<128x128xf32>, vector<4x128xf32> -> vector<4x128xf32>
    %get3A_27 = arith.constant 0 : index
    %get3A_28 = arith.constant 0 : index
    %get3A_29 = vector.load %arg6[%get3A_27, %get3A_28] : memref<1x128xf32, #tpu.memory_space<vmem>>, vector<1x128xf32>
    %add3A_30 = vector.broadcast %get3A_29 : vector<1x128xf32> to vector<4x128xf32>
    %add3A_31 = arith.addf %dot_general3A_26, %add3A_30 : vector<4x128xf32>
    %get3A_32 = arith.constant 0 : index
    %get3A_33 = arith.constant 0 : index
    %get3A_34 = memref.load %arg7[%get3A_32, %get3A_33] : memref<1x1xf32, #tpu.memory_space<smem>>
    %ge3A_35 = arith.constant 0.000000e+00 : f32
    %ge3A_36 = vector.broadcast %ge3A_35 : f32 to vector<4x128xf32>
    %ge3A_37 = arith.cmpf oge, %add3A_31, %ge3A_36 : vector<4x128xf32>
    %mul3A_38 = vector.broadcast %get3A_34 : f32 to vector<4x128xf32>
    %mul3A_39 = arith.mulf %mul3A_38, %add3A_31 : vector<4x128xf32>
    %select_n3A_40 = arith.select %ge3A_37, %add3A_31, %mul3A_39 : vector<4x128xi1>, vector<4x128xf32>
    %get3A_41 = arith.constant 0 : index
    %get3A_42 = arith.constant 0 : index
    %get3A_43 = vector.load %arg8[%get3A_41, %get3A_42] : memref<128x64xf32, #tpu.memory_space<vmem>>, vector<128x64xf32>
    %dot_general3A_44 = arith.constant dense<0.000000e+00> : vector<4x64xf32>
    %dot_general3A_45 = tpu.matmul %select_n3A_40, %get3A_43, %dot_general3A_44 {dimension_numbers = #tpu.dot_dimension_numbers<[1], [0], [0], [1], [0, 0, 1, 1], [], []>, transpose_lhs_hint = false} : vector<4x128xf32>, vector<128x64xf32>, vector<4x64xf32> -> vector<4x64xf32>
    %get3A_46 = arith.constant 0 : index
    %get3A_47 = arith.constant 0 : index
    %get3A_48 = vector.load %arg9[%get3A_46, %get3A_47] : memref<1x64xf32, #tpu.memory_space<vmem>>, vector<1x64xf32>
    %add3A_49 = vector.broadcast %get3A_48 : vector<1x64xf32> to vector<4x64xf32>
    %add3A_50 = arith.addf %dot_general3A_45, %add3A_49 : vector<4x64xf32>
    %swap3A = arith.constant 0 : index
    %swap3A_51 = arith.constant 0 : index
    %swap3A_52 = vector.load %arg10[%swap3A, %swap3A_51] : memref<4x64xf32, #tpu.memory_space<vmem>>, vector<4x64xf32>
    tpu.vector_store %arg10[%swap3A, %swap3A_51], %add3A_50 {strides = array<i32>} : memref<4x64xf32, #tpu.memory_space<vmem>>, vector<4x64xf32>,
    return
  }
}

module attributes {stable_mosaic.version = 14 : i64} {
  func.func @_tc3_body(%arg0: i32, %arg1: memref<1024x64xf32, #tpu.memory_space<vmem>>, %arg2: memref<1024x1xi32, #tpu.memory_space<vmem>>, %arg3: memref<1024x1xf32, #tpu.memory_space<vmem>>, %arg4: memref<1024x1xf32, #tpu.memory_space<vmem>>, %arg5: memref<4x64xf32, #tpu.memory_space<vmem>>, %arg6: memref<128x128xf32, #tpu.memory_space<vmem>>, %arg7: memref<1024x128xf32, #tpu.memory_space<vmem>>, %arg8: memref<1024x128xf32, #tpu.memory_space<vmem>>, %arg9: memref<1024x1xf32, #tpu.memory_space<vmem>>) attributes {dimension_semantics = [#tpu.dimension_semantics<arbitrary>], iteration_bounds = array<i64: 10>, scalar_prefetch = 0 : i64, scratch_operands = 0 : i64, tpu.core_type = #tpu.core_type<tc>, window_params = [{transform_indices = @transform_0, window_bounds = array<i64: 1024, 64>}, {transform_indices = @transform_1, window_bounds = array<i64: 1024, 1>}, {transform_indices = @transform_2, window_bounds = array<i64: 1024, 1>}, {transform_indices = @transform_3, window_bounds = array<i64: 1024, 1>}, {pipeline_mode = #tpu.pipeline_mode<synchronous>, transform_indices = @transform_4, window_bounds = array<i64: 4, 64>}, {pipeline_mode = #tpu.pipeline_mode<synchronous>, transform_indices = @transform_5, window_bounds = array<i64: 128, 128>}, {transform_indices = @transform_6, window_bounds = array<i64: 1024, 128>}, {transform_indices = @transform_7, window_bounds = array<i64: 1024, 128>}, {transform_indices = @transform_8, window_bounds = array<i64: 1024, 1>}]} {
    %get3A = arith.constant 0 : index
    %get3A_0 = arith.constant 0 : index
    %get3A_1 = vector.load %arg2[%get3A, %get3A_0] : memref<1024x1xi32, #tpu.memory_space<vmem>>, vector<1024x1xi32>
    %iota3A = tpu.iota {dimensions = array<i32: 1>} : vector<1x4xi32>
    %eq3A = vector.broadcast %get3A_1 : vector<1024x1xi32> to vector<1024x4xi32>
    %eq3A_2 = vector.broadcast %iota3A : vector<1x4xi32> to vector<1024x4xi32>
    %eq3A_3 = arith.cmpi eq, %eq3A, %eq3A_2 : vector<1024x4xi32>
    %convert_element_type3A = arith.extui %eq3A_3 : vector<1024x4xi1> to vector<1024x4xi32>
    %convert_element_type3A_4 = arith.sitofp %convert_element_type3A : vector<1024x4xi32> to vector<1024x4xf32>
    %get3A_5 = arith.constant 0 : index
    %get3A_6 = arith.constant 0 : index
    %get3A_7 = vector.load %arg1[%get3A_5, %get3A_6] : memref<1024x64xf32, #tpu.memory_space<vmem>>, vector<1024x64xf32>
    %get3A_8 = arith.constant 0 : index
    %get3A_9 = arith.constant 0 : index
    %get3A_10 = vector.load %arg5[%get3A_8, %get3A_9] : memref<4x64xf32, #tpu.memory_space<vmem>>, vector<4x64xf32>
    %dot_general3A = arith.constant dense<0.000000e+00> : vector<1024x64xf32>
    %dot_general3A_11 = tpu.matmul %convert_element_type3A_4, %get3A_10, %dot_general3A {dimension_numbers = #tpu.dot_dimension_numbers<[1], [0], [0], [1], [0, 0, 1, 1], [], []>, transpose_lhs_hint = false} : vector<1024x4xf32>, vector<4x64xf32>, vector<1024x64xf32> -> vector<1024x64xf32>
    %concatenate3A = tpu.concatenate %get3A_7, %dot_general3A_11 in 1 : vector<1024x64xf32>, vector<1024x64xf32> -> vector<1024x128xf32>
    %get3A_12 = arith.constant 0 : index
    %get3A_13 = arith.constant 0 : index
    %get3A_14 = vector.load %arg3[%get3A_12, %get3A_13] : memref<1024x1xf32, #tpu.memory_space<vmem>>, vector<1024x1xf32>
    %get3A_15 = arith.constant 0 : index
    %get3A_16 = arith.constant 0 : index
    %get3A_17 = vector.load %arg4[%get3A_15, %get3A_16] : memref<1024x1xf32, #tpu.memory_space<vmem>>, vector<1024x1xf32>
    %add3A = arith.addf %get3A_14, %get3A_17 : vector<1024x1xf32>
    %add3A_18 = arith.constant 1.000000e+00 : f32
    %add3A_19 = vector.broadcast %add3A_18 : f32 to vector<1024x1xf32>
    %add3A_20 = arith.addf %add3A, %add3A_19 : vector<1024x1xf32>
    %rsqrt3A = math.rsqrt %add3A_20 : vector<1024x1xf32>
    %swap3A = arith.constant 0 : index
    %swap3A_21 = arith.constant 0 : index
    %swap3A_22 = vector.load %arg7[%swap3A, %swap3A_21] : memref<1024x128xf32, #tpu.memory_space<vmem>>, vector<1024x128xf32>
    tpu.vector_store %arg7[%swap3A, %swap3A_21], %concatenate3A {strides = array<i32>} : memref<1024x128xf32, #tpu.memory_space<vmem>>, vector<1024x128xf32>,
    %get3A_23 = arith.constant 0 : index
    %get3A_24 = arith.constant 0 : index
    %get3A_25 = vector.load %arg6[%get3A_23, %get3A_24] : memref<128x128xf32, #tpu.memory_space<vmem>>, vector<128x128xf32>
    %dot_general3A_26 = arith.constant dense<0.000000e+00> : vector<1024x128xf32>
    %dot_general3A_27 = tpu.matmul %concatenate3A, %get3A_25, %dot_general3A_26 {dimension_numbers = #tpu.dot_dimension_numbers<[1], [0], [0], [1], [0, 0, 1, 1], [], []>, transpose_lhs_hint = false} : vector<1024x128xf32>, vector<128x128xf32>, vector<1024x128xf32> -> vector<1024x128xf32>
    %mul3A = vector.broadcast %rsqrt3A : vector<1024x1xf32> to vector<1024x128xf32>
    %mul3A_28 = arith.mulf %dot_general3A_27, %mul3A : vector<1024x128xf32>
    %swap3A_29 = arith.constant 0 : index
    %swap3A_30 = arith.constant 0 : index
    %swap3A_31 = vector.load %arg8[%swap3A_29, %swap3A_30] : memref<1024x128xf32, #tpu.memory_space<vmem>>, vector<1024x128xf32>
    tpu.vector_store %arg8[%swap3A_29, %swap3A_30], %mul3A_28 {strides = array<i32>} : memref<1024x128xf32, #tpu.memory_space<vmem>>, vector<1024x128xf32>,
    %swap3A_32 = arith.constant 0 : index
    %swap3A_33 = arith.constant 0 : index
    %swap3A_34 = vector.load %arg9[%swap3A_32, %swap3A_33] : memref<1024x1xf32, #tpu.memory_space<vmem>>, vector<1024x1xf32>
    tpu.vector_store %arg9[%swap3A_32, %swap3A_33], %rsqrt3A {strides = array<i32>} : memref<1024x1xf32, #tpu.memory_space<vmem>>, vector<1024x1xf32>,
    return
  }
  func.func @transform_0(%arg0: i32) -> (i32, i32) {
    %c0_i32 = arith.constant 0 : i32
    %c0_i32_0 = arith.constant 0 : i32
    return %arg0, %c0_i32 : i32, i32
  }
  func.func @transform_1(%arg0: i32) -> (i32, i32) {
    %c0_i32 = arith.constant 0 : i32
    %c0_i32_0 = arith.constant 0 : i32
    return %arg0, %c0_i32 : i32, i32
  }
  func.func @transform_2(%arg0: i32) -> (i32, i32) {
    %c0_i32 = arith.constant 0 : i32
    %c0_i32_0 = arith.constant 0 : i32
    return %arg0, %c0_i32 : i32, i32
  }
  func.func @transform_3(%arg0: i32) -> (i32, i32) {
    %c0_i32 = arith.constant 0 : i32
    %c0_i32_0 = arith.constant 0 : i32
    return %arg0, %c0_i32 : i32, i32
  }
  func.func @transform_4(%arg0: i32) -> (i32, i32) {
    %c0_i32 = arith.constant 0 : i32
    %c0_i32_0 = arith.constant 0 : i32
    %c0_i32_1 = arith.constant 0 : i32
    return %c0_i32, %c0_i32_0 : i32, i32
  }
  func.func @transform_5(%arg0: i32) -> (i32, i32) {
    %c0_i32 = arith.constant 0 : i32
    %c0_i32_0 = arith.constant 0 : i32
    %c0_i32_1 = arith.constant 0 : i32
    return %c0_i32, %c0_i32_0 : i32, i32
  }
  func.func @transform_6(%arg0: i32) -> (i32, i32) {
    %c0_i32 = arith.constant 0 : i32
    %c0_i32_0 = arith.constant 0 : i32
    return %arg0, %c0_i32 : i32, i32
  }
  func.func @transform_7(%arg0: i32) -> (i32, i32) {
    %c0_i32 = arith.constant 0 : i32
    %c0_i32_0 = arith.constant 0 : i32
    return %arg0, %c0_i32 : i32, i32
  }
  func.func @transform_8(%arg0: i32) -> (i32, i32) {
    %c0_i32 = arith.constant 0 : i32
    %c0_i32_0 = arith.constant 0 : i32
    return %arg0, %c0_i32 : i32, i32
  }
}

module attributes {stable_mosaic.version = 14 : i64} {
  func.func @_tc4_body(%arg0: i32, %arg1: memref<1024x128xf32, #tpu.memory_space<vmem>>, %arg2: memref<1024x128xf32, #tpu.memory_space<vmem>>, %arg3: memref<1024x1xf32, #tpu.memory_space<vmem>>, %arg4: memref<1024x128xf32, #tpu.memory_space<vmem>>, %arg5: memref<1024x128xf32, #tpu.memory_space<vmem>>, %arg6: memref<1x128xf32, #tpu.memory_space<vmem>>, %arg7: memref<128x64xf32, #tpu.memory_space<vmem>>, %arg8: memref<1024x64xf32, #tpu.memory_space<vmem>>) attributes {dimension_semantics = [#tpu.dimension_semantics<arbitrary>], iteration_bounds = array<i64: 10>, scalar_prefetch = 0 : i64, scratch_operands = 0 : i64, tpu.core_type = #tpu.core_type<tc>, window_params = [{transform_indices = @transform_0, window_bounds = array<i64: 1024, 128>}, {transform_indices = @transform_1, window_bounds = array<i64: 1024, 128>}, {transform_indices = @transform_2, window_bounds = array<i64: 1024, 1>}, {transform_indices = @transform_3, window_bounds = array<i64: 1024, 128>}, {transform_indices = @transform_4, window_bounds = array<i64: 1024, 128>}, {pipeline_mode = #tpu.pipeline_mode<synchronous>, transform_indices = @transform_5, window_bounds = array<i64: 1, 128>}, {pipeline_mode = #tpu.pipeline_mode<synchronous>, transform_indices = @transform_6, window_bounds = array<i64: 128, 64>}, {transform_indices = @transform_7, window_bounds = array<i64: 1024, 64>}]} {
    %get3A = arith.constant 0 : index
    %get3A_0 = arith.constant 0 : index
    %get3A_1 = vector.load %arg3[%get3A, %get3A_0] : memref<1024x1xf32, #tpu.memory_space<vmem>>, vector<1024x1xf32>
    %get3A_2 = arith.constant 0 : index
    %get3A_3 = arith.constant 0 : index
    %get3A_4 = vector.load %arg4[%get3A_2, %get3A_3] : memref<1024x128xf32, #tpu.memory_space<vmem>>, vector<1024x128xf32>
    %get3A_5 = arith.constant 0 : index
    %get3A_6 = arith.constant 0 : index
    %get3A_7 = vector.load %arg5[%get3A_5, %get3A_6] : memref<1024x128xf32, #tpu.memory_space<vmem>>, vector<1024x128xf32>
    %add3A = arith.addf %get3A_4, %get3A_7 : vector<1024x128xf32>
    %get3A_8 = arith.constant 0 : index
    %get3A_9 = arith.constant 0 : index
    %get3A_10 = vector.load %arg2[%get3A_8, %get3A_9] : memref<1024x128xf32, #tpu.memory_space<vmem>>, vector<1024x128xf32>
    %add3A_11 = arith.addf %add3A, %get3A_10 : vector<1024x128xf32>
    %mul3A = vector.broadcast %get3A_1 : vector<1024x1xf32> to vector<1024x128xf32>
    %mul3A_12 = arith.mulf %mul3A, %add3A_11 : vector<1024x128xf32>
    %get3A_13 = arith.constant 0 : index
    %get3A_14 = arith.constant 0 : index
    %get3A_15 = vector.load %arg6[%get3A_13, %get3A_14] : memref<1x128xf32, #tpu.memory_space<vmem>>, vector<1x128xf32>
    %add3A_16 = vector.broadcast %get3A_15 : vector<1x128xf32> to vector<1024x128xf32>
    %add3A_17 = arith.addf %mul3A_12, %add3A_16 : vector<1024x128xf32>
    %get3A_18 = arith.constant 0 : index
    %get3A_19 = arith.constant 0 : index
    %get3A_20 = vector.load %arg1[%get3A_18, %get3A_19] : memref<1024x128xf32, #tpu.memory_space<vmem>>, vector<1024x128xf32>
    %max3A = arith.constant 0.000000e+00 : f32
    %max3A_21 = vector.broadcast %max3A : f32 to vector<1024x128xf32>
    %max3A_22 = arith.maximumf %add3A_17, %max3A_21 : vector<1024x128xf32>
    %add3A_23 = arith.addf %get3A_20, %max3A_22 : vector<1024x128xf32>
    %get3A_24 = arith.constant 0 : index
    %get3A_25 = arith.constant 0 : index
    %get3A_26 = vector.load %arg7[%get3A_24, %get3A_25] : memref<128x64xf32, #tpu.memory_space<vmem>>, vector<128x64xf32>
    %dot_general3A = arith.constant dense<0.000000e+00> : vector<1024x64xf32>
    %dot_general3A_27 = tpu.matmul %add3A_23, %get3A_26, %dot_general3A {dimension_numbers = #tpu.dot_dimension_numbers<[1], [0], [0], [1], [0, 0, 1, 1], [], []>, transpose_lhs_hint = false} : vector<1024x128xf32>, vector<128x64xf32>, vector<1024x64xf32> -> vector<1024x64xf32>
    %mul3A_28 = vector.broadcast %get3A_1 : vector<1024x1xf32> to vector<1024x64xf32>
    %mul3A_29 = arith.mulf %dot_general3A_27, %mul3A_28 : vector<1024x64xf32>
    %swap3A = arith.constant 0 : index
    %swap3A_30 = arith.constant 0 : index
    %swap3A_31 = vector.load %arg8[%swap3A, %swap3A_30] : memref<1024x64xf32, #tpu.memory_space<vmem>>, vector<1024x64xf32>
    tpu.vector_store %arg8[%swap3A, %swap3A_30], %mul3A_29 {strides = array<i32>} : memref<1024x64xf32, #tpu.memory_space<vmem>>, vector<1024x64xf32>,
    return
  }
  func.func @transform_0(%arg0: i32) -> (i32, i32) {
    %c0_i32 = arith.constant 0 : i32
    %c0_i32_0 = arith.constant 0 : i32
    return %arg0, %c0_i32 : i32, i32
  }
  func.func @transform_1(%arg0: i32) -> (i32, i32) {
    %c0_i32 = arith.constant 0 : i32
    %c0_i32_0 = arith.constant 0 : i32
    return %arg0, %c0_i32 : i32, i32
  }
  func.func @transform_2(%arg0: i32) -> (i32, i32) {
    %c0_i32 = arith.constant 0 : i32
    %c0_i32_0 = arith.constant 0 : i32
    return %arg0, %c0_i32 : i32, i32
  }
  func.func @transform_3(%arg0: i32) -> (i32, i32) {
    %c0_i32 = arith.constant 0 : i32
    %c0_i32_0 = arith.constant 0 : i32
    return %arg0, %c0_i32 : i32, i32
  }
  func.func @transform_4(%arg0: i32) -> (i32, i32) {
    %c0_i32 = arith.constant 0 : i32
    %c0_i32_0 = arith.constant 0 : i32
    return %arg0, %c0_i32 : i32, i32
  }
  func.func @transform_5(%arg0: i32) -> (i32, i32) {
    %c0_i32 = arith.constant 0 : i32
    %c0_i32_0 = arith.constant 0 : i32
    %c0_i32_1 = arith.constant 0 : i32
    return %c0_i32, %c0_i32_0 : i32, i32
  }
  func.func @transform_6(%arg0: i32) -> (i32, i32) {
    %c0_i32 = arith.constant 0 : i32
    %c0_i32_0 = arith.constant 0 : i32
    %c0_i32_1 = arith.constant 0 : i32
    return %c0_i32, %c0_i32_0 : i32, i32
  }
  func.func @transform_7(%arg0: i32) -> (i32, i32) {
    %c0_i32 = arith.constant 0 : i32
    %c0_i32_0 = arith.constant 0 : i32
    return %arg0, %c0_i32 : i32, i32
  }
}

module attributes {stable_mosaic.version = 14 : i64} {
  func.func @_tc5_body(%arg0: i32, %arg1: memref<1024x64xf32, #tpu.memory_space<vmem>>, %arg2: memref<1024x64xf32, #tpu.memory_space<vmem>>, %arg3: memref<1024x1xf32, #tpu.memory_space<vmem>>, %arg4: memref<1024x64xf32, #tpu.memory_space<vmem>>, %arg5: memref<1024x64xf32, #tpu.memory_space<vmem>>, %arg6: memref<1x64xf32, #tpu.memory_space<vmem>>, %arg7: memref<64x64xf32, #tpu.memory_space<vmem>>, %arg8: memref<1x1xf32, #tpu.memory_space<smem>>, %arg9: memref<64x64xf32, #tpu.memory_space<vmem>>, %arg10: memref<1x1xf32, #tpu.memory_space<smem>>, %arg11: memref<64x8xf32, #tpu.memory_space<vmem>>, %arg12: memref<64x64xf32, #tpu.memory_space<vmem>>, %arg13: memref<64x64xf32, #tpu.memory_space<vmem>>, %arg14: memref<1x64xf32, #tpu.memory_space<vmem>>, %arg15: memref<1024x8xf32, #tpu.memory_space<vmem>>, %arg16: memref<1024x64xf32, #tpu.memory_space<vmem>>, %arg17: memref<1024x64xf32, #tpu.memory_space<vmem>>) attributes {dimension_semantics = [#tpu.dimension_semantics<arbitrary>], iteration_bounds = array<i64: 10>, scalar_prefetch = 0 : i64, scratch_operands = 0 : i64, tpu.core_type = #tpu.core_type<tc>, window_params = [{transform_indices = @transform_0, window_bounds = array<i64: 1024, 64>}, {transform_indices = @transform_1, window_bounds = array<i64: 1024, 64>}, {transform_indices = @transform_2, window_bounds = array<i64: 1024, 1>}, {transform_indices = @transform_3, window_bounds = array<i64: 1024, 64>}, {transform_indices = @transform_4, window_bounds = array<i64: 1024, 64>}, {pipeline_mode = #tpu.pipeline_mode<synchronous>, transform_indices = @transform_5, window_bounds = array<i64: 1, 64>}, {pipeline_mode = #tpu.pipeline_mode<synchronous>, transform_indices = @transform_6, window_bounds = array<i64: 64, 64>}, {transform_indices = @transform_7, window_bounds = array<i64: 1, 1>}, {pipeline_mode = #tpu.pipeline_mode<synchronous>, transform_indices = @transform_8, window_bounds = array<i64: 64, 64>}, {transform_indices = @transform_9, window_bounds = array<i64: 1, 1>}, {pipeline_mode = #tpu.pipeline_mode<synchronous>, transform_indices = @transform_10, window_bounds = array<i64: 64, 8>}, {pipeline_mode = #tpu.pipeline_mode<synchronous>, transform_indices = @transform_11, window_bounds = array<i64: 64, 64>}, {pipeline_mode = #tpu.pipeline_mode<synchronous>, transform_indices = @transform_12, window_bounds = array<i64: 64, 64>}, {pipeline_mode = #tpu.pipeline_mode<synchronous>, transform_indices = @transform_13, window_bounds = array<i64: 1, 64>}, {transform_indices = @transform_14, window_bounds = array<i64: 1024, 8>}, {transform_indices = @transform_15, window_bounds = array<i64: 1024, 64>}, {transform_indices = @transform_16, window_bounds = array<i64: 1024, 64>}]} {
    %get3A = arith.constant 0 : index
    %get3A_0 = arith.constant 0 : index
    %get3A_1 = vector.load %arg3[%get3A, %get3A_0] : memref<1024x1xf32, #tpu.memory_space<vmem>>, vector<1024x1xf32>
    %get3A_2 = arith.constant 0 : index
    %get3A_3 = arith.constant 0 : index
    %get3A_4 = vector.load %arg1[%get3A_2, %get3A_3] : memref<1024x64xf32, #tpu.memory_space<vmem>>, vector<1024x64xf32>
    %get3A_5 = arith.constant 0 : index
    %get3A_6 = arith.constant 0 : index
    %get3A_7 = vector.load %arg4[%get3A_5, %get3A_6] : memref<1024x64xf32, #tpu.memory_space<vmem>>, vector<1024x64xf32>
    %get3A_8 = arith.constant 0 : index
    %get3A_9 = arith.constant 0 : index
    %get3A_10 = vector.load %arg5[%get3A_8, %get3A_9] : memref<1024x64xf32, #tpu.memory_space<vmem>>, vector<1024x64xf32>
    %add3A = arith.addf %get3A_7, %get3A_10 : vector<1024x64xf32>
    %get3A_11 = arith.constant 0 : index
    %get3A_12 = arith.constant 0 : index
    %get3A_13 = vector.load %arg2[%get3A_11, %get3A_12] : memref<1024x64xf32, #tpu.memory_space<vmem>>, vector<1024x64xf32>
    %add3A_14 = arith.addf %add3A, %get3A_13 : vector<1024x64xf32>
    %mul3A = vector.broadcast %get3A_1 : vector<1024x1xf32> to vector<1024x64xf32>
    %mul3A_15 = arith.mulf %mul3A, %add3A_14 : vector<1024x64xf32>
    %add3A_16 = arith.addf %get3A_4, %mul3A_15 : vector<1024x64xf32>
    %get3A_17 = arith.constant 0 : index
    %get3A_18 = arith.constant 0 : index
    %get3A_19 = vector.load %arg6[%get3A_17, %get3A_18] : memref<1x64xf32, #tpu.memory_space<vmem>>, vector<1x64xf32>
    %add3A_20 = vector.broadcast %get3A_19 : vector<1x64xf32> to vector<1024x64xf32>
    %add3A_21 = arith.addf %add3A_16, %add3A_20 : vector<1024x64xf32>
    %get3A_22 = arith.constant 0 : index
    %get3A_23 = arith.constant 0 : index
    %get3A_24 = vector.load %arg7[%get3A_22, %get3A_23] : memref<64x64xf32, #tpu.memory_space<vmem>>, vector<64x64xf32>
    %dot_general3A = arith.constant dense<0.000000e+00> : vector<1024x64xf32>
    %dot_general3A_25 = tpu.matmul %add3A_21, %get3A_24, %dot_general3A {dimension_numbers = #tpu.dot_dimension_numbers<[1], [0], [0], [1], [0, 0, 1, 1], [], []>, transpose_lhs_hint = false} : vector<1024x64xf32>, vector<64x64xf32>, vector<1024x64xf32> -> vector<1024x64xf32>
    %get3A_26 = arith.constant 0 : index
    %get3A_27 = arith.constant 0 : index
    %get3A_28 = memref.load %arg8[%get3A_26, %get3A_27] : memref<1x1xf32, #tpu.memory_space<smem>>
    %ge3A = arith.constant 0.000000e+00 : f32
    %ge3A_29 = vector.broadcast %ge3A : f32 to vector<1024x64xf32>
    %ge3A_30 = arith.cmpf oge, %dot_general3A_25, %ge3A_29 : vector<1024x64xf32>
    %mul3A_31 = vector.broadcast %get3A_28 : f32 to vector<1024x64xf32>
    %mul3A_32 = arith.mulf %mul3A_31, %dot_general3A_25 : vector<1024x64xf32>
    %select_n3A = arith.select %ge3A_30, %dot_general3A_25, %mul3A_32 : vector<1024x64xi1>, vector<1024x64xf32>
    %get3A_33 = arith.constant 0 : index
    %get3A_34 = arith.constant 0 : index
    %get3A_35 = vector.load %arg9[%get3A_33, %get3A_34] : memref<64x64xf32, #tpu.memory_space<vmem>>, vector<64x64xf32>
    %dot_general3A_36 = arith.constant dense<0.000000e+00> : vector<1024x64xf32>
    %dot_general3A_37 = tpu.matmul %select_n3A, %get3A_35, %dot_general3A_36 {dimension_numbers = #tpu.dot_dimension_numbers<[1], [0], [0], [1], [0, 0, 1, 1], [], []>, transpose_lhs_hint = false} : vector<1024x64xf32>, vector<64x64xf32>, vector<1024x64xf32> -> vector<1024x64xf32>
    %get3A_38 = arith.constant 0 : index
    %get3A_39 = arith.constant 0 : index
    %get3A_40 = memref.load %arg10[%get3A_38, %get3A_39] : memref<1x1xf32, #tpu.memory_space<smem>>
    %ge3A_41 = arith.constant 0.000000e+00 : f32
    %ge3A_42 = vector.broadcast %ge3A_41 : f32 to vector<1024x64xf32>
    %ge3A_43 = arith.cmpf oge, %dot_general3A_37, %ge3A_42 : vector<1024x64xf32>
    %mul3A_44 = vector.broadcast %get3A_40 : f32 to vector<1024x64xf32>
    %mul3A_45 = arith.mulf %mul3A_44, %dot_general3A_37 : vector<1024x64xf32>
    %select_n3A_46 = arith.select %ge3A_43, %dot_general3A_37, %mul3A_45 : vector<1024x64xi1>, vector<1024x64xf32>
    %get3A_47 = arith.constant 0 : index
    %get3A_48 = arith.constant 0 : index
    %get3A_49 = vector.load %arg11[%get3A_47, %get3A_48] : memref<64x8xf32, #tpu.memory_space<vmem>>, vector<64x8xf32>
    %dot_general3A_50 = arith.constant dense<0.000000e+00> : vector<1024x8xf32>
    %dot_general3A_51 = tpu.matmul %select_n3A_46, %get3A_49, %dot_general3A_50 {dimension_numbers = #tpu.dot_dimension_numbers<[1], [0], [0], [1], [0, 0, 1, 1], [], []>, transpose_lhs_hint = false} : vector<1024x64xf32>, vector<64x8xf32>, vector<1024x8xf32> -> vector<1024x8xf32>
    %swap3A = arith.constant 0 : index
    %swap3A_52 = arith.constant 0 : index
    %swap3A_53 = vector.load %arg15[%swap3A, %swap3A_52] : memref<1024x8xf32, #tpu.memory_space<vmem>>, vector<1024x8xf32>
    tpu.vector_store %arg15[%swap3A, %swap3A_52], %dot_general3A_51 {strides = array<i32>} : memref<1024x8xf32, #tpu.memory_space<vmem>>, vector<1024x8xf32>,
    %get3A_54 = arith.constant 0 : index
    %get3A_55 = arith.constant 0 : index
    %get3A_56 = vector.load %arg12[%get3A_54, %get3A_55] : memref<64x64xf32, #tpu.memory_space<vmem>>, vector<64x64xf32>
    %dot_general3A_57 = arith.constant dense<0.000000e+00> : vector<1024x64xf32>
    %dot_general3A_58 = tpu.matmul %add3A_21, %get3A_56, %dot_general3A_57 {dimension_numbers = #tpu.dot_dimension_numbers<[1], [0], [0], [1], [0, 0, 1, 1], [], []>, transpose_lhs_hint = false} : vector<1024x64xf32>, vector<64x64xf32>, vector<1024x64xf32> -> vector<1024x64xf32>
    %get3A_59 = arith.constant 0 : index
    %get3A_60 = arith.constant 0 : index
    %get3A_61 = vector.load %arg14[%get3A_59, %get3A_60] : memref<1x64xf32, #tpu.memory_space<vmem>>, vector<1x64xf32>
    %add3A_62 = vector.broadcast %get3A_61 : vector<1x64xf32> to vector<1024x64xf32>
    %add3A_63 = arith.addf %dot_general3A_58, %add3A_62 : vector<1024x64xf32>
    %swap3A_64 = arith.constant 0 : index
    %swap3A_65 = arith.constant 0 : index
    %swap3A_66 = vector.load %arg16[%swap3A_64, %swap3A_65] : memref<1024x64xf32, #tpu.memory_space<vmem>>, vector<1024x64xf32>
    tpu.vector_store %arg16[%swap3A_64, %swap3A_65], %add3A_63 {strides = array<i32>} : memref<1024x64xf32, #tpu.memory_space<vmem>>, vector<1024x64xf32>,
    %get3A_67 = arith.constant 0 : index
    %get3A_68 = arith.constant 0 : index
    %get3A_69 = vector.load %arg13[%get3A_67, %get3A_68] : memref<64x64xf32, #tpu.memory_space<vmem>>, vector<64x64xf32>
    %dot_general3A_70 = arith.constant dense<0.000000e+00> : vector<1024x64xf32>
    %dot_general3A_71 = tpu.matmul %add3A_21, %get3A_69, %dot_general3A_70 {dimension_numbers = #tpu.dot_dimension_numbers<[1], [0], [0], [1], [0, 0, 1, 1], [], []>, transpose_lhs_hint = false} : vector<1024x64xf32>, vector<64x64xf32>, vector<1024x64xf32> -> vector<1024x64xf32>
    %swap3A_72 = arith.constant 0 : index
    %swap3A_73 = arith.constant 0 : index
    %swap3A_74 = vector.load %arg17[%swap3A_72, %swap3A_73] : memref<1024x64xf32, #tpu.memory_space<vmem>>, vector<1024x64xf32>
    tpu.vector_store %arg17[%swap3A_72, %swap3A_73], %dot_general3A_71 {strides = array<i32>} : memref<1024x64xf32, #tpu.memory_space<vmem>>, vector<1024x64xf32>,
    return
  }
  func.func @transform_0(%arg0: i32) -> (i32, i32) {
    %c0_i32 = arith.constant 0 : i32
    %c0_i32_0 = arith.constant 0 : i32
    return %arg0, %c0_i32 : i32, i32
  }
  func.func @transform_1(%arg0: i32) -> (i32, i32) {
    %c0_i32 = arith.constant 0 : i32
    %c0_i32_0 = arith.constant 0 : i32
    return %arg0, %c0_i32 : i32, i32
  }
  func.func @transform_2(%arg0: i32) -> (i32, i32) {
    %c0_i32 = arith.constant 0 : i32
    %c0_i32_0 = arith.constant 0 : i32
    return %arg0, %c0_i32 : i32, i32
  }
  func.func @transform_3(%arg0: i32) -> (i32, i32) {
    %c0_i32 = arith.constant 0 : i32
    %c0_i32_0 = arith.constant 0 : i32
    return %arg0, %c0_i32 : i32, i32
  }
  func.func @transform_4(%arg0: i32) -> (i32, i32) {
    %c0_i32 = arith.constant 0 : i32
    %c0_i32_0 = arith.constant 0 : i32
    return %arg0, %c0_i32 : i32, i32
  }
  func.func @transform_5(%arg0: i32) -> (i32, i32) {
    %c0_i32 = arith.constant 0 : i32
    %c0_i32_0 = arith.constant 0 : i32
    %c0_i32_1 = arith.constant 0 : i32
    return %c0_i32, %c0_i32_0 : i32, i32
  }
  func.func @transform_6(%arg0: i32) -> (i32, i32) {
    %c0_i32 = arith.constant 0 : i32
    %c0_i32_0 = arith.constant 0 : i32
    %c0_i32_1 = arith.constant 0 : i32
    return %c0_i32, %c0_i32_0 : i32, i32
  }
  func.func @transform_7(%arg0: i32) -> (i32, i32) {
    %c0_i32 = arith.constant 0 : i32
    %c0_i32_0 = arith.constant 0 : i32
    %c0_i32_1 = arith.constant 0 : i32
    return %c0_i32, %c0_i32_0 : i32, i32
  }
  func.func @transform_8(%arg0: i32) -> (i32, i32) {
    %c0_i32 = arith.constant 0 : i32
    %c0_i32_0 = arith.constant 0 : i32
    %c0_i32_1 = arith.constant 0 : i32
    return %c0_i32, %c0_i32_0 : i32, i32
  }
  func.func @transform_9(%arg0: i32) -> (i32, i32) {
    %c0_i32 = arith.constant 0 : i32
    %c0_i32_0 = arith.constant 0 : i32
    %c0_i32_1 = arith.constant 0 : i32
    return %c0_i32, %c0_i32_0 : i32, i32
  }
  func.func @transform_10(%arg0: i32) -> (i32, i32) {
    %c0_i32 = arith.constant 0 : i32
    %c0_i32_0 = arith.constant 0 : i32
    %c0_i32_1 = arith.constant 0 : i32
    return %c0_i32, %c0_i32_0 : i32, i32
  }
  func.func @transform_11(%arg0: i32) -> (i32, i32) {
    %c0_i32 = arith.constant 0 : i32
    %c0_i32_0 = arith.constant 0 : i32
    %c0_i32_1 = arith.constant 0 : i32
    return %c0_i32, %c0_i32_0 : i32, i32
  }
  func.func @transform_12(%arg0: i32) -> (i32, i32) {
    %c0_i32 = arith.constant 0 : i32
    %c0_i32_0 = arith.constant 0 : i32
    %c0_i32_1 = arith.constant 0 : i32
    return %c0_i32, %c0_i32_0 : i32, i32
  }
  func.func @transform_13(%arg0: i32) -> (i32, i32) {
    %c0_i32 = arith.constant 0 : i32
    %c0_i32_0 = arith.constant 0 : i32
    %c0_i32_1 = arith.constant 0 : i32
    return %c0_i32, %c0_i32_0 : i32, i32
  }
  func.func @transform_14(%arg0: i32) -> (i32, i32) {
    %c0_i32 = arith.constant 0 : i32
    %c0_i32_0 = arith.constant 0 : i32
    return %arg0, %c0_i32 : i32, i32
  }
  func.func @transform_15(%arg0: i32) -> (i32, i32) {
    %c0_i32 = arith.constant 0 : i32
    %c0_i32_0 = arith.constant 0 : i32
    return %arg0, %c0_i32 : i32, i32
  }
  func.func @transform_16(%arg0: i32) -> (i32, i32) {
    %c0_i32 = arith.constant 0 : i32
    %c0_i32_0 = arith.constant 0 : i32
    return %arg0, %c0_i32 : i32, i32
  }
}

module attributes {stable_mosaic.version = 14 : i64} {
  func.func @_tc6_body(%arg0: i32, %arg1: memref<3200x64xf32, #tpu.memory_space<vmem>>, %arg2: memref<64x64xf32, #tpu.memory_space<vmem>>, %arg3: memref<1x64xf32, #tpu.memory_space<vmem>>, %arg4: memref<1x1xf32, #tpu.memory_space<smem>>, %arg5: memref<64x4xf32, #tpu.memory_space<vmem>>, %arg6: memref<1x4xf32, #tpu.memory_space<vmem>>, %arg7: memref<3200x4xf32, #tpu.memory_space<vmem>>) attributes {dimension_semantics = [#tpu.dimension_semantics<arbitrary>], iteration_bounds = array<i64: 100>, scalar_prefetch = 0 : i64, scratch_operands = 0 : i64, tpu.core_type = #tpu.core_type<tc>, window_params = [{transform_indices = @transform_0, window_bounds = array<i64: 3200, 64>}, {pipeline_mode = #tpu.pipeline_mode<synchronous>, transform_indices = @transform_1, window_bounds = array<i64: 64, 64>}, {pipeline_mode = #tpu.pipeline_mode<synchronous>, transform_indices = @transform_2, window_bounds = array<i64: 1, 64>}, {transform_indices = @transform_3, window_bounds = array<i64: 1, 1>}, {pipeline_mode = #tpu.pipeline_mode<synchronous>, transform_indices = @transform_4, window_bounds = array<i64: 64, 4>}, {pipeline_mode = #tpu.pipeline_mode<synchronous>, transform_indices = @transform_5, window_bounds = array<i64: 1, 4>}, {transform_indices = @transform_6, window_bounds = array<i64: 3200, 4>}]} {
    %get3A = arith.constant 0 : index
    %get3A_0 = arith.constant 0 : index
    %get3A_1 = vector.load %arg1[%get3A, %get3A_0] : memref<3200x64xf32, #tpu.memory_space<vmem>>, vector<3200x64xf32>
    %get3A_2 = arith.constant 0 : index
    %get3A_3 = arith.constant 0 : index
    %get3A_4 = vector.load %arg2[%get3A_2, %get3A_3] : memref<64x64xf32, #tpu.memory_space<vmem>>, vector<64x64xf32>
    %dot_general3A = arith.constant dense<0.000000e+00> : vector<3200x64xf32>
    %dot_general3A_5 = tpu.matmul %get3A_1, %get3A_4, %dot_general3A {dimension_numbers = #tpu.dot_dimension_numbers<[1], [0], [0], [1], [0, 0, 1, 1], [], []>, transpose_lhs_hint = false} : vector<3200x64xf32>, vector<64x64xf32>, vector<3200x64xf32> -> vector<3200x64xf32>
    %get3A_6 = arith.constant 0 : index
    %get3A_7 = arith.constant 0 : index
    %get3A_8 = vector.load %arg3[%get3A_6, %get3A_7] : memref<1x64xf32, #tpu.memory_space<vmem>>, vector<1x64xf32>
    %add3A = vector.broadcast %get3A_8 : vector<1x64xf32> to vector<3200x64xf32>
    %add3A_9 = arith.addf %dot_general3A_5, %add3A : vector<3200x64xf32>
    %get3A_10 = arith.constant 0 : index
    %get3A_11 = arith.constant 0 : index
    %get3A_12 = memref.load %arg4[%get3A_10, %get3A_11] : memref<1x1xf32, #tpu.memory_space<smem>>
    %ge3A = arith.constant 0.000000e+00 : f32
    %ge3A_13 = vector.broadcast %ge3A : f32 to vector<3200x64xf32>
    %ge3A_14 = arith.cmpf oge, %add3A_9, %ge3A_13 : vector<3200x64xf32>
    %mul3A = vector.broadcast %get3A_12 : f32 to vector<3200x64xf32>
    %mul3A_15 = arith.mulf %mul3A, %add3A_9 : vector<3200x64xf32>
    %select_n3A = arith.select %ge3A_14, %add3A_9, %mul3A_15 : vector<3200x64xi1>, vector<3200x64xf32>
    %get3A_16 = arith.constant 0 : index
    %get3A_17 = arith.constant 0 : index
    %get3A_18 = vector.load %arg5[%get3A_16, %get3A_17] : memref<64x4xf32, #tpu.memory_space<vmem>>, vector<64x4xf32>
    %dot_general3A_19 = arith.constant dense<0.000000e+00> : vector<3200x4xf32>
    %dot_general3A_20 = tpu.matmul %select_n3A, %get3A_18, %dot_general3A_19 {dimension_numbers = #tpu.dot_dimension_numbers<[1], [0], [0], [1], [0, 0, 1, 1], [], []>, transpose_lhs_hint = false} : vector<3200x64xf32>, vector<64x4xf32>, vector<3200x4xf32> -> vector<3200x4xf32>
    %get3A_21 = arith.constant 0 : index
    %get3A_22 = arith.constant 0 : index
    %get3A_23 = vector.load %arg6[%get3A_21, %get3A_22] : memref<1x4xf32, #tpu.memory_space<vmem>>, vector<1x4xf32>
    %add3A_24 = vector.broadcast %get3A_23 : vector<1x4xf32> to vector<3200x4xf32>
    %add3A_25 = arith.addf %dot_general3A_20, %add3A_24 : vector<3200x4xf32>
    %swap3A = arith.constant 0 : index
    %swap3A_26 = arith.constant 0 : index
    %swap3A_27 = vector.load %arg7[%swap3A, %swap3A_26] : memref<3200x4xf32, #tpu.memory_space<vmem>>, vector<3200x4xf32>
    tpu.vector_store %arg7[%swap3A, %swap3A_26], %add3A_25 {strides = array<i32>} : memref<3200x4xf32, #tpu.memory_space<vmem>>, vector<3200x4xf32>,
    return
  }
  func.func @transform_0(%arg0: i32) -> (i32, i32) {
    %c0_i32 = arith.constant 0 : i32
    %c0_i32_0 = arith.constant 0 : i32
    return %arg0, %c0_i32 : i32, i32
  }
  func.func @transform_1(%arg0: i32) -> (i32, i32) {
    %c0_i32 = arith.constant 0 : i32
    %c0_i32_0 = arith.constant 0 : i32
    %c0_i32_1 = arith.constant 0 : i32
    return %c0_i32, %c0_i32_0 : i32, i32
  }
  func.func @transform_2(%arg0: i32) -> (i32, i32) {
    %c0_i32 = arith.constant 0 : i32
    %c0_i32_0 = arith.constant 0 : i32
    %c0_i32_1 = arith.constant 0 : i32
    return %c0_i32, %c0_i32_0 : i32, i32
  }
  func.func @transform_3(%arg0: i32) -> (i32, i32) {
    %c0_i32 = arith.constant 0 : i32
    %c0_i32_0 = arith.constant 0 : i32
    %c0_i32_1 = arith.constant 0 : i32
    return %c0_i32, %c0_i32_0 : i32, i32
  }
  func.func @transform_4(%arg0: i32) -> (i32, i32) {
    %c0_i32 = arith.constant 0 : i32
    %c0_i32_0 = arith.constant 0 : i32
    %c0_i32_1 = arith.constant 0 : i32
    return %c0_i32, %c0_i32_0 : i32, i32
  }
  func.func @transform_5(%arg0: i32) -> (i32, i32) {
    %c0_i32 = arith.constant 0 : i32
    %c0_i32_0 = arith.constant 0 : i32
    %c0_i32_1 = arith.constant 0 : i32
    return %c0_i32, %c0_i32_0 : i32, i32
  }
  func.func @transform_6(%arg0: i32) -> (i32, i32) {
    %c0_i32 = arith.constant 0 : i32
    %c0_i32_0 = arith.constant 0 : i32
    return %arg0, %c0_i32 : i32, i32
  }
}

</mosaic_0001>

<sc_bundles>
// kernel: kernel.12.cloned.1.call-start
scs
__scs_entry_jumppad:
0x0: {  	(pc) =	sbr.rel $0x88, $3  }
0x1: {  	(tag) =	ssettag $0x0;
	lr =	simm.s32 $0x1  }
0x2: {  	[smem:$0x3F7D] =	sst lr;
	_ =	strace $0xD0000000  }
0x3: {  	_ = 	snop  }
0x4: {  	_ = 	snop  }
0x5: {  	_ = 	snop  }
0x6: {  	_ = 	snop  }
0x7: {  	_ = 	snop  }
__scs_overlays_trampoline_lowered:
0x8: {  	[smem:$0x3F8C] =	sst s0  }
0x9: {  	[smem:$0x3F8D] =	sst s1  }
0xa: {  	[smem:$0x3F8E] =	sst s2  }
0xb: {  	[smem:$0x3F8F] =	sst s3  }
0xc: {  	[smem:$0x3F90] =	sst s4  }
0xd: {  	[smem:$0x3F91] =	sst s5  }
0xe: {  	[smem:$0x3F92] =	sst s6  }
0xf: {  	[smem:$0x3F93] =	sst s7  }
0x10: {  	[smem:$0x3F94] =	sst s8  }
0x11: {  	[smem:$0x3F95] =	sst s9;
	s0 =	simm.s32 @!p0 $0x0  }
0x12: {  	s1 =	sld [smem:$0x3F7B];
	s0 =	simm.s32 @p0 $0x1  }
0x13: {  	[smem:$0x3F96] =	sst s0;
	s0 =	simm.s32 @!p1 $0x0  }
0x14: {  	s2 =	sld [smem:$0x3F7A];
	s0 =	simm.s32 @p1 $0x1  }
0x15: {  	[smem:$0x3F97] =	sst s0;
	s0 =	simm.s32 @!p2 $0x0  }
0x16: {  	s3 =	sld [smem:$0x3FDB];
	s0 =	simm.s32 @p2 $0x1  }
0x17: {  	s4 =	simm.s32 $0x1BF5;
	[smem:$0x3F99] =	sst s0  }
0x18: {  	s0 =	sld [smem:$0x3F7C];
	_ =	swait.ge [sflag:s4], $0x0  }
0x19: {  	s7 =	sld [smem:$0x3F7D]  }
0x1a: {  	s8 =	sadd.s32 $0xFFFFE003, lr  }
0x1b: {  	s9 =	sadd.s32 $0xFFFFFEF7, lr;
	s5 =	simm.s32 $0xFFFFFFFF;
	p2 =	slt.u32 s8, $0xFFFFF086  }
0x1c: {  	p1 =	slt.u32 s9, $0xF7A;
	s5 =	simm.s32 @!p2 $0x0  }
0x1d: {  	s5 =	simm.s32 @p1 $0x1;
	p0 =	seq.s32 s7, s2  }
0x1e: {  	s7 =	smul.u32 @!p0 $0xF7A, s2;
	p2 =	seq.s32 @!p0 s5, $0x0  }
0x1f: {  	s9 =	smul.u32 $0xF7A, s1;
	s8 =	simm.s32 @!p0 $0x1BF5;
	p2 =	por !p2, p0  }
0x20: {  	[sflag:s8] =	ssyncset.s32 @!p0 $0xFFFFF086;
	s6 =	sadd.s32 @!p0 s3, s7;
	s7 =	simm.s32 @!p0 $0x108  }
0x21: {  	s3 =	sadd.s32 s3, s9;
	s6 =	sadd.s32 @!p0 $0x88, s6;
	s7 =	simm.s32 @p2 $0x1082  }
0x22: {  	[simem:s7], [sflag:s8] =	dma.local @!p0 [hbm:s6], $0xF7A  }
0x23: {  	s9 =	sor.u32 $0xD0000000, s2;
	s6 =	simm.s32 $0x108;
	_ =	swait.ge @!p0 [sflag:s8], $0x0  }
0x24: {  	s3 =	sadd.s32 $0x88, s3;
	s6 =	simm.s32 @!p1 $0x1082;
	[sflag:s4] =	ssyncset.s32 $0xFFFFF086  }
0x25: {  	[simem:s6], [sflag:s4] =	dma.local [hbm:s3], $0xF7A  }
0x26: {  	[smem:$0x3F7D] =	sst s1;
	(tag) =	ssettag s2;
	_ =	strace s9  }
0x27: {  	s1 =	sld [smem:$0x3F8D]  }
0x28: {  	s2 =	sld [smem:$0x3F8E]  }
0x29: {  	s4 =	sld [smem:$0x3F90]  }
0x2a: {  	p0 =	seq.s32 s5, $0x0;
	s5 =	sld [smem:$0x3F91]  }
0x2b: {  	s6 =	sld [smem:$0x3F92]  }
0x2c: {  	s7 =	sld [smem:$0x3F93]  }
0x2d: {  	s3 =	simm.s32 $0x108;
	s8 =	sld [smem:$0x3F94]  }
0x2e: {  	s3 =	simm.s32 @!p0 $0x1082;
	s9 =	sld [smem:$0x3F95]  }
0x2f: {  	lr =	sadd.s32 s0, s3;
	s0 =	sld [smem:$0x3F8C]  }
0x30: {  	s3 =	sld [smem:$0x3F8F]  }
0x31: {  	[smem:$0x3F98] =	sst s10  }
0x32: {  	s10 =	sld [smem:$0x3F96];
	_ =	sdelay $0x3  }
0x33: {  	p0 =	seq.s32 s10, $0x1;
	s10 =	sld [smem:$0x3F98];
	_ =	sdelay $0x3  }
0x34: {  	[smem:$0x3F98] =	sst s10  }
0x35: {  	s10 =	sld [smem:$0x3F97];
	_ =	sdelay $0x3  }
0x36: {  	p1 =	seq.s32 s10, $0x1;
	s10 =	sld [smem:$0x3F98];
	_ =	sdelay $0x3  }
0x37: {  	[smem:$0x3F98] =	sst s10  }
0x38: {  	s10 =	sld [smem:$0x3F99]  }
0x39: {  	_ = 	snop;
	(pc) =	sbr.ind lr, $3  }
0x3a: {  	_ = 	snop  }
0x3b: {  	_ = 	snop  }
0x3c: {  	p2 =	seq.s32 s10, $0x1;
	s10 =	sld [smem:$0x3F98]  }
0x3d: {  	_ =	shalt  }
0x3e: {  	_ =	shalt  }
0x3f: {  	_ =	shalt  }
0x40: {  	_ =	shalt  }
0x41: {  	_ =	shalt  }
0x42: {  	_ =	shalt  }
0x43: {  	_ =	shalt  }
0x44: {  	_ =	shalt  }
0x45: {  	_ =	shalt  }
0x46: {  	_ =	shalt  }
0x47: {  	_ =	shalt  }
0x48: {  	_ =	shalt  }
0x49: {  	_ =	shalt  }
0x4a: {  	_ =	shalt  }
0x4b: {  	_ =	shalt  }
0x4c: {  	_ =	shalt  }
0x4d: {  	_ =	shalt  }
0x4e: {  	_ =	shalt  }
0x4f: {  	_ =	shalt  }
0x50: {  	_ =	shalt  }
0x51: {  	_ =	shalt  }
0x52: {  	_ =	shalt  }
0x53: {  	_ =	shalt  }
0x54: {  	_ =	shalt  }
0x55: {  	_ =	shalt  }
0x56: {  	_ =	shalt  }
0x57: {  	_ =	shalt  }
0x58: {  	_ =	shalt  }
0x59: {  	_ =	shalt  }
0x5a: {  	_ =	shalt  }
0x5b: {  	_ =	shalt  }
0x5c: {  	_ =	shalt  }
0x5d: {  	_ =	shalt  }
0x5e: {  	_ =	shalt  }
0x5f: {  	_ =	shalt  }
0x60: {  	_ =	shalt  }
0x61: {  	_ =	shalt  }
0x62: {  	_ =	shalt  }
0x63: {  	_ =	shalt  }
0x64: {  	_ =	shalt  }
0x65: {  	_ =	shalt  }
0x66: {  	_ =	shalt  }
0x67: {  	_ =	shalt  }
0x68: {  	_ =	shalt  }
0x69: {  	_ =	shalt  }
0x6a: {  	_ =	shalt  }
0x6b: {  	_ =	shalt  }
0x6c: {  	_ =	shalt  }
0x6d: {  	_ =	shalt  }
0x6e: {  	_ =	shalt  }
0x6f: {  	_ =	shalt  }
0x70: {  	_ =	shalt  }
0x71: {  	_ =	shalt  }
0x72: {  	_ =	shalt  }
0x73: {  	_ =	shalt  }
0x74: {  	_ =	shalt  }
0x75: {  	_ =	shalt  }
0x76: {  	_ =	shalt  }
0x77: {  	_ =	shalt  }
0x78: {  	_ =	shalt  }
0x79: {  	_ =	shalt  }
0x7a: {  	_ =	shalt  }
0x7b: {  	_ =	shalt  }
0x7c: {  	_ =	shalt  }
0x7d: {  	_ =	shalt  }
0x7e: {  	_ =	shalt  }
0x7f: {  	_ =	shalt  }
0x80: {  	_ =	shalt  }
0x81: {  	_ =	shalt  }
0x82: {  	_ =	shalt  }
0x83: {  	_ =	shalt  }
0x84: {  	_ =	shalt  }
0x85: {  	_ =	shalt  }
0x86: {  	_ =	shalt  }
0x87: {  	_ =	shalt  }
.Lfunc_end0:
.L_simem_size_0:
called_computation_lowered:
.L_overlay_start_0:
0x88: {  	s2 =	sld [smem:$0x3FD9]  }
0x89: {  	s3 =	sld [smem:$0x3FFE];
	_ =	sdelay $0x1  }
0x8a: {  	s1 =	srdreg.scid  }
0x8b: {  	s0 =	sand.u32 $0x1, s1  }
0x8c: {  	s14 =	sshll.u32 s0, $0xA;
	s2 =	sadd.s32 s3, s2  }
0x8d: {  	s2 =	sadd.s32 s2, s14  }
0x8e: {  	[smem:$0x3FA4] =	sst s2  }
0x8f: {  	_ = 	snop  }
0x90: {  	s2 =	sld [smem:$0x3FD0];
	_ =	sdelay $0x2  }
0x91: {  	s15 =	simm.s32 $0xA;
	s4 =	simm.s32 $0x10  }
0x92: {  	[smem:s4], [sflag:s15] =	dma.local [hbm:s2], $0x1  }
0x93: {  	_ =	swait.eq [sflag:s15], $0x1  }
0x94: {  	[sflag:s15] =	ssyncset.done $0x0  }
0x95: {  	s16 =	sld [smem:$0x10];
	[sflag:s15] =	ssyncadd.s32 $0xFFFFFFFF  }
0x96: {  	s17 =	sld [smem:$0x11];
	(tm) =	ssettm $0x1  }
0x97: {  	s18 =	sld [smem:$0x3FFB];
	_ =	sdelay $0x3  }
0x98: {  	_ =	strace s18  }
0x99: {  	s4 =	sld [smem:$0x3FFC];
	_ =	sdelay $0x3  }
0x9a: {  	_ =	strace s4  }
0x9b: {  	s4 =	sld [smem:$0x3FFD];
	_ =	sdelay $0x3  }
0x9c: {  	_ =	strace s4  }
0x9d: {  	_ =	strace $0x8FFFFFFF  }
0x9e: {  	s19 =	sld [smem:$0x3FDB];
	_ =	sdelay $0x1  }
0x9f: {  	s5 =	simm.s32 $_scs_section_size  }
0xa0: {  	s6 =	simm.s32 $_size__tile_overlayer_lowered;
	s7 =	simm.s32 $_tile_overlayer_lowered  }
0xa1: {  	s22 =	simm.s32 $0x1BFF;
	s21 =	sshll.u32 s7, $0x1;
	s4 =	sadd.s32 s5, s19  }
0xa2: {  	s8 =	simm.s32 $0x0;
	s20 =	sshll.u32 s6, $0x1;
	s6 =	sadd.s32 s21, s4  }
0xa3: {  	[timem:s8], [sflag:s22] =	dma.local [hbm:s6], s20  }
0xa4: {  	_ =	swait.ge [sflag:s22], s20  }
0xa5: {  	s5 =	ssub.s32 $0x0, s20;
	[sflag:s22] =	ssyncset.done $0x0  }
0xa6: {  	[sflag:s22] =	ssyncadd.s32 s5;
	_ =	sdelay $0x1  }
0xa7: {  	s23 =	simm.s32 $0x1B8B  }
0xa8: {  	_ =	swait.ge [sflag:s23], $0x1  }
0xa9: {  	[sflag:s23] =	ssyncset.done $0x0  }
0xaa: {  	s25 =	simm.s32 $0x1B8E;
	s24 =	sld [smem:$0x3FFE];
	[sflag:s23] =	ssyncadd.s32 $0xFFFFFFFF  }
0xab: {  	s26 =	simm.s32 $execute0_lowered;
	[smem:$0x3FD2] =	sst s25  }
0xac: {  	s6 =	sshll.u32 s26, $0x1;
	_ =	strace $0x80000046;
	[dreg:$0x1] =	wrdreg $0xFFFFFFFF  }
0xad: {  	s28 =	simm.s32 $_size_execute0_lowered;
	s4 =	sadd.s32 s4, s6;
	[dreg:$0x0] =	wrdreg $0x0  }
0xae: {  	s6 =	sshll.u32 s28, $0x1;
	[dreg:$0x2] =	wrdreg s4  }
0xaf: {  	[dreg:$0x3] =	wrdreg s6  }
0xb0: {  	[dreg:$0x4] =	wrdreg $0xC0  }
0xb1: {  	_ =	task [dreg:s8], $0x5FFFF  }
0xb2: {  	[dreg:$0x1] =	wrdreg $0xFFFFFFFF  }
0xb3: {  	[dreg:$0x0] =	wrdreg $0x60  }
0xb4: {  	[dreg:$0x2] =	wrdreg s24  }
0xb5: {  	[dreg:$0x3] =	wrdreg s17  }
0xb6: {  	[dreg:$0x4] =	wrdreg s16  }
0xb7: {  	[dreg:$0x5] =	wrdreg $0x28800  }
0xb8: {  	[dreg:$0x6] =	wrdreg $0x9  }
0xb9: {  	_ =	task.clear_ibuf [dreg:s8], $0x7FFFF;
	_ =	strace $0x90000046  }
0xba: {  	s29 =	simm.s32 $0x9;
	_ =	strace $0x80000048  }
0xbb: {  	_ =	swait.ge [sflag:s29], $0x1  }
0xbc: {  	[sflag:s29] =	ssyncadd.s32 $0xFFFFFFFF  }
0xbd: {  	_ =	strace $0x90000048  }
0xbe: {  	_ =	sfence  }
0xbf: {  	s30 =	sld [smem:$0x0];
	_ =	sdelay $0x2  }
0xc0: {  	s31 =	sshll.u32 s1, $0xD;
	s1 =	sshrl.u32 s1, $0x2  }
0xc1: {  	s3 =	sand.u32 $0x4000, s31;
	s1 =	sadd.s32 s1, s30  }
0xc2: {  	s0 =	sor.u32 s3, s0;
	s1 =	sshll.u32 s1, $0x11  }
0xc3: {  	s0 =	sor.u32 s1, s0  }
0xc4: {  	s0 =	sadd.s32 $0x8F2B, s0  }
0xc5: {  	[sflag:s0] =	ssyncadd.remote.s32 $0x1  }
0xc6: {  	_ =	sfence.sel $0xFFFF  }
0xc7: {  	[dreg:$0x0] =	wrdreg $0xFFFFFFFF;
	(pc) =	sbr.abs _section_cstart, $3  }
0xc8: {  	[dreg:$0x1] =	wrdreg $0xFFFFFFFF  }
0xc9: {  	_ =	task.clear_ibuf [dreg:s8], $0x2FFFF;
	_ =	strace $0x9FFFFFFF  }
0xca: {  	(tm) =	ssettm $0x7FFFFFFF  }
0xcb: {  	_ =	shalt  }
tec
execute0_lowered:
.L_overlay_start_1:
0x0: {  	(tag) =	ssettag $0x1  }
0x1: {  	s4 =	rddreg [dreg:$0x0]  }
0x2: {  	s5 =	rddreg [dreg:$0x1]  }
0x3: {  	s8 =	rddreg [dreg:$0x2]  }
0x4: {  	s0 =	srdreg.scid;
	s2 =	rddreg [dreg:$0x3];
	s3 =	simm.s32 $0x0  }
0x5: {  	s13 =	simm.s32 $0x80;
	s6 =	sand.u32 $0x1, s0;
	s0 =	stileid.u32  }
0x6: {  	s14 =	simm.s32 $0x0;
	[smem:$0x7FF] =	sst s3;
	s10 =	smul.u32 $0x280, s0  }
0x7: {  	s1 =	sshll.u32 s6, $0x4;
	s9 =	ssub.s32 $0x2, s6;
	s6 =	smul.u32 $0x2800, s6  }
0x8: {  	s30 =	sshll.u32 s0, $0x6;
	s7 =	sor.u32 s0, s1;
	s1 =	rddreg [dreg:$0x4]  }
0x9: {  	_ =	strace $0x80000047;
	s11 =	sshrl.u32 s9, $0x1;
	s7 =	smul.u32 $0x500, s7  }
0xa: {  	s9 =	ssub.s32 s9, s11;
	s29 =	sadd.s32 s10, s2;
	s12 =	sshrl.u32 s10, $0x3  }
0xb: {  	s6 =	sadd.s32 s10, s6;
	s11 =	simm.s32 $0x1;
	s5 =	sadd.s32 s5, s12  }
0xc: {  	s31 =	sshrl.u32 s6, $0x3;
	s6 =	sor.u32 $0x1C01, s30;
	s9 =	smax.u32 s9, $0x1  }
0xd: {  	s10 =	sshrl.u32 s29, $0x3;
	s12 =	simm.s32 $0x2800;
	s7 =	sadd.s32 s7, s4  }
0xe: {  	s4 =	sadd.s32 $0x19E00, s4;
	s8 =	sadd.s32 s8, s31;
	s7 =	sadd.s32 $0x5E00, s7  }
.LBB2_1:
0xf: {  	[spmem:s10], [sflag:s6] =	dma.local [hbm:s5], $0x50  }
0x10: {  	_ =	swait.ge [sflag:s11], $0x50  }
0x11: {  	[sflag:s11] =	ssyncset.done $0x0  }
0x12: {  	[sflag:s11] =	ssyncadd.s32 $0xFFFFFFB0  }
0x13: {  	[tilespmem:s12], [sflag:$0x1] =	stream.linear.gather [hbm4b:s4+s3], $0x80, $0x38;
	[tilespmem:$0x2B00] =	vst v63  }
0x14: {  	_ =	swait.ge [sflag:s11], $0x80  }
0x15: {  	[sflag:s11] =	ssyncset.done $0x0  }
0x16: {  	[sflag:s11] =	ssyncadd.s32 $0xFFFFFF80  }
0x17: {  	[tilespmem:s3], [sflag:$0x1] =	stream.linear.gather [hbm4b:s7+s3], $0x2800, $0x38;
	[tilespmem:$0x2B00] =	vst v63  }
0x18: {  	_ =	swait.ge [sflag:s11], $0x2800  }
0x19: {  	[sflag:s11] =	ssyncset.done $0x0  }
0x1a: {  	[sflag:s11] =	ssyncadd.s32 $0xFFFFD800  }
0x1b: {  	s15 =	simm.s32 $0x0;
	[bflag:$0x0] =	sbarrier.arrive $0xFFFF  }
0x1c: {  	[spmem:s2] =	stream.indirect.scatter.add.f32 [tilespmem:s12], [sflag:$0x1], $0x1, s15, s13, $0xb8;
	[tilespmem:$0x2B00] =	vst v63  }
0x1d: {  	_ =	swait.ge [sflag:s11], $0x80  }
0x1e: {  	s15 =	simm.s32 $0x200;
	[sflag:s11] =	ssyncset.done $0x0  }
.LBB2_2:
0x1f: {  	s16 =	sshra.s32 s15, $0x2;
	[sflag:s11] =	ssyncadd.s32 $0xFFFFFF80;
	p0 =	sne.s32 s15, $0x9E00  }
0x20: {  	[spmem:s2] =	stream.indirect.scatter.add.f32 [tilespmem:s12], [sflag:$0x1], $0x1, s16, s13, $0xb8;
	[tilespmem:$0x2B00] =	vst v63  }
.Ltmp0:
0x21: {  	_ = 	snop;
	(pc) =	sbr.rel @p0 .LBB2_2-.Ltmp0, $4  }
0x22: {  	_ = 	snop  }
0x23: {  	s15 =	sadd.s32 $0x200, s15  }
0x24: {  	_ =	swait.ge [sflag:s11], $0x80  }
0x25: {  	[sflag:s11] =	ssyncset.done $0x0  }
0x26: {  	s14 =	sadd.s32 $0x1, s14  }
0x27: {  	[sflag:s11] =	ssyncadd.s32 $0xFFFFFF80;
	p0 =	sne.s32 s14, s9  }
.Ltmp1:
0x28: {  	[bflag:$0x0] =	sbarrier.arrive $0xFFFF;
	(pc) =	sbr.rel @p0 .LBB2_1-.Ltmp1, $4  }
0x29: {  	[hbm:s8], [sflag:s6] =	dma.local [spmem:s10], $0x50  }
0x2a: {  	_ =	swait.ge [sflag:s11], $0x50  }
0x2b: {  	[sflag:s11] =	ssyncset.done $0x0  }
0x2c: {  	[sflag:s11] =	ssyncadd.s32 $0xFFFFFFB0  }
0x2d: {  	_ =	sfence.sel $0x180000  }
0x2e: {  	[bflag:$0x0] =	sbarrier.arrive $0xFFFF  }
0x2f: {  	p0 =	sne.s32 s0, $0x0;
	_ =	strace $0x90000047  }
0x30: {  	s0 =	sadd.s32 @!p0 $0x100000, s1;
	[bflag:$0x2] =	sbarrier.arrive $0xFFFF  }
0x31: {  	[sflag:s0] =	ssyncadd.tile.s32 @!p0 $0x1;
	_ =	shalt  }
.Lfunc_end2:
_tile_overlayer_lowered:
.L_overlay_start_2:
0x32: {  	(tag) =	ssettag $0x2  }
0x33: {  	s0 =	rddreg [dreg:$0x0];
	s2 =	stileid.u32  }
0x34: {  	s1 =	rddreg [dreg:$0x1];
	p0 =	sne.s32 s2, $0x0  }
0x35: {  	s3 =	rddreg [dreg:$0x2];
	[bflag:$0x3] =	sbarrier.arrive $0xFFFF;
	s2 =	simm.s32 @!p0 $0x1C01  }
0x36: {  	[timem:s3], [sflag:s2] =	dma.local @!p0 [hbm:s0], s1  }
0x37: {  	s0 =	simm.s32 @!p0 $0x1  }
0x38: {  	_ =	swait.ge @!p0 [sflag:s0], s1  }
0x39: {  	s1 =	ssub.s32 @!p0 $0x0, s1;
	[sflag:s0] =	ssyncset.done @!p0 $0x0  }
0x3a: {  	[sflag:s0] =	ssyncadd.s32 @!p0 s1  }
0x3b: {  	[bflag:$0x3] =	sbarrier.arrive $0xFFFF  }
0x3c: {  	_ =	shalt  }

// kernel: kernel.15.cloned.1.call-start
scs
__scs_entry_jumppad:
0x0: {  	(pc) =	sbr.rel $0x88, $3  }
0x1: {  	(tag) =	ssettag $0x0;
	lr =	simm.s32 $0x1  }
0x2: {  	[smem:$0x3F7D] =	sst lr;
	_ =	strace $0xD0000000  }
0x3: {  	_ = 	snop  }
0x4: {  	_ = 	snop  }
0x5: {  	_ = 	snop  }
0x6: {  	_ = 	snop  }
0x7: {  	_ = 	snop  }
__scs_overlays_trampoline_lowered:
0x8: {  	[smem:$0x3F8C] =	sst s0  }
0x9: {  	[smem:$0x3F8D] =	sst s1  }
0xa: {  	[smem:$0x3F8E] =	sst s2  }
0xb: {  	[smem:$0x3F8F] =	sst s3  }
0xc: {  	[smem:$0x3F90] =	sst s4  }
0xd: {  	[smem:$0x3F91] =	sst s5  }
0xe: {  	[smem:$0x3F92] =	sst s6  }
0xf: {  	[smem:$0x3F93] =	sst s7  }
0x10: {  	[smem:$0x3F94] =	sst s8  }
0x11: {  	[smem:$0x3F95] =	sst s9;
	s0 =	simm.s32 @!p0 $0x0  }
0x12: {  	s1 =	sld [smem:$0x3F7B];
	s0 =	simm.s32 @p0 $0x1  }
0x13: {  	[smem:$0x3F96] =	sst s0;
	s0 =	simm.s32 @!p1 $0x0  }
0x14: {  	s2 =	sld [smem:$0x3F7A];
	s0 =	simm.s32 @p1 $0x1  }
0x15: {  	[smem:$0x3F97] =	sst s0;
	s0 =	simm.s32 @!p2 $0x0  }
0x16: {  	s3 =	sld [smem:$0x3FDB];
	s0 =	simm.s32 @p2 $0x1  }
0x17: {  	s4 =	simm.s32 $0x1BF5;
	[smem:$0x3F99] =	sst s0  }
0x18: {  	s0 =	sld [smem:$0x3F7C];
	_ =	swait.ge [sflag:s4], $0x0  }
0x19: {  	s7 =	sld [smem:$0x3F7D]  }
0x1a: {  	s8 =	sadd.s32 $0xFFFFE003, lr  }
0x1b: {  	s9 =	sadd.s32 $0xFFFFFEF7, lr;
	s5 =	simm.s32 $0xFFFFFFFF;
	p2 =	slt.u32 s8, $0xFFFFF086  }
0x1c: {  	p1 =	slt.u32 s9, $0xF7A;
	s5 =	simm.s32 @!p2 $0x0  }
0x1d: {  	s5 =	simm.s32 @p1 $0x1;
	p0 =	seq.s32 s7, s2  }
0x1e: {  	s7 =	smul.u32 @!p0 $0xF7A, s2;
	p2 =	seq.s32 @!p0 s5, $0x0  }
0x1f: {  	s9 =	smul.u32 $0xF7A, s1;
	s8 =	simm.s32 @!p0 $0x1BF5;
	p2 =	por !p2, p0  }
0x20: {  	[sflag:s8] =	ssyncset.s32 @!p0 $0xFFFFF086;
	s6 =	sadd.s32 @!p0 s3, s7;
	s7 =	simm.s32 @!p0 $0x108  }
0x21: {  	s3 =	sadd.s32 s3, s9;
	s6 =	sadd.s32 @!p0 $0x88, s6;
	s7 =	simm.s32 @p2 $0x1082  }
0x22: {  	[simem:s7], [sflag:s8] =	dma.local @!p0 [hbm:s6], $0xF7A  }
0x23: {  	s9 =	sor.u32 $0xD0000000, s2;
	s6 =	simm.s32 $0x108;
	_ =	swait.ge @!p0 [sflag:s8], $0x0  }
0x24: {  	s3 =	sadd.s32 $0x88, s3;
	s6 =	simm.s32 @!p1 $0x1082;
	[sflag:s4] =	ssyncset.s32 $0xFFFFF086  }
0x25: {  	[simem:s6], [sflag:s4] =	dma.local [hbm:s3], $0xF7A  }
0x26: {  	[smem:$0x3F7D] =	sst s1;
	(tag) =	ssettag s2;
	_ =	strace s9  }
0x27: {  	s1 =	sld [smem:$0x3F8D]  }
0x28: {  	s2 =	sld [smem:$0x3F8E]  }
0x29: {  	s4 =	sld [smem:$0x3F90]  }
0x2a: {  	p0 =	seq.s32 s5, $0x0;
	s5 =	sld [smem:$0x3F91]  }
0x2b: {  	s6 =	sld [smem:$0x3F92]  }
0x2c: {  	s7 =	sld [smem:$0x3F93]  }
0x2d: {  	s3 =	simm.s32 $0x108;
	s8 =	sld [smem:$0x3F94]  }
0x2e: {  	s3 =	simm.s32 @!p0 $0x1082;
	s9 =	sld [smem:$0x3F95]  }
0x2f: {  	lr =	sadd.s32 s0, s3;
	s0 =	sld [smem:$0x3F8C]  }
0x30: {  	s3 =	sld [smem:$0x3F8F]  }
0x31: {  	[smem:$0x3F98] =	sst s10  }
0x32: {  	s10 =	sld [smem:$0x3F96];
	_ =	sdelay $0x3  }
0x33: {  	p0 =	seq.s32 s10, $0x1;
	s10 =	sld [smem:$0x3F98];
	_ =	sdelay $0x3  }
0x34: {  	[smem:$0x3F98] =	sst s10  }
0x35: {  	s10 =	sld [smem:$0x3F97];
	_ =	sdelay $0x3  }
0x36: {  	p1 =	seq.s32 s10, $0x1;
	s10 =	sld [smem:$0x3F98];
	_ =	sdelay $0x3  }
0x37: {  	[smem:$0x3F98] =	sst s10  }
0x38: {  	s10 =	sld [smem:$0x3F99]  }
0x39: {  	_ = 	snop;
	(pc) =	sbr.ind lr, $3  }
0x3a: {  	_ = 	snop  }
0x3b: {  	_ = 	snop  }
0x3c: {  	p2 =	seq.s32 s10, $0x1;
	s10 =	sld [smem:$0x3F98]  }
0x3d: {  	_ =	shalt  }
0x3e: {  	_ =	shalt  }
0x3f: {  	_ =	shalt  }
0x40: {  	_ =	shalt  }
0x41: {  	_ =	shalt  }
0x42: {  	_ =	shalt  }
0x43: {  	_ =	shalt  }
0x44: {  	_ =	shalt  }
0x45: {  	_ =	shalt  }
0x46: {  	_ =	shalt  }
0x47: {  	_ =	shalt  }
0x48: {  	_ =	shalt  }
0x49: {  	_ =	shalt  }
0x4a: {  	_ =	shalt  }
0x4b: {  	_ =	shalt  }
0x4c: {  	_ =	shalt  }
0x4d: {  	_ =	shalt  }
0x4e: {  	_ =	shalt  }
0x4f: {  	_ =	shalt  }
0x50: {  	_ =	shalt  }
0x51: {  	_ =	shalt  }
0x52: {  	_ =	shalt  }
0x53: {  	_ =	shalt  }
0x54: {  	_ =	shalt  }
0x55: {  	_ =	shalt  }
0x56: {  	_ =	shalt  }
0x57: {  	_ =	shalt  }
0x58: {  	_ =	shalt  }
0x59: {  	_ =	shalt  }
0x5a: {  	_ =	shalt  }
0x5b: {  	_ =	shalt  }
0x5c: {  	_ =	shalt  }
0x5d: {  	_ =	shalt  }
0x5e: {  	_ =	shalt  }
0x5f: {  	_ =	shalt  }
0x60: {  	_ =	shalt  }
0x61: {  	_ =	shalt  }
0x62: {  	_ =	shalt  }
0x63: {  	_ =	shalt  }
0x64: {  	_ =	shalt  }
0x65: {  	_ =	shalt  }
0x66: {  	_ =	shalt  }
0x67: {  	_ =	shalt  }
0x68: {  	_ =	shalt  }
0x69: {  	_ =	shalt  }
0x6a: {  	_ =	shalt  }
0x6b: {  	_ =	shalt  }
0x6c: {  	_ =	shalt  }
0x6d: {  	_ =	shalt  }
0x6e: {  	_ =	shalt  }
0x6f: {  	_ =	shalt  }
0x70: {  	_ =	shalt  }
0x71: {  	_ =	shalt  }
0x72: {  	_ =	shalt  }
0x73: {  	_ =	shalt  }
0x74: {  	_ =	shalt  }
0x75: {  	_ =	shalt  }
0x76: {  	_ =	shalt  }
0x77: {  	_ =	shalt  }
0x78: {  	_ =	shalt  }
0x79: {  	_ =	shalt  }
0x7a: {  	_ =	shalt  }
0x7b: {  	_ =	shalt  }
0x7c: {  	_ =	shalt  }
0x7d: {  	_ =	shalt  }
0x7e: {  	_ =	shalt  }
0x7f: {  	_ =	shalt  }
0x80: {  	_ =	shalt  }
0x81: {  	_ =	shalt  }
0x82: {  	_ =	shalt  }
0x83: {  	_ =	shalt  }
0x84: {  	_ =	shalt  }
0x85: {  	_ =	shalt  }
0x86: {  	_ =	shalt  }
0x87: {  	_ =	shalt  }
.Lfunc_end0:
.L_simem_size_0:
called_computation.1_lowered:
.L_overlay_start_0:
0x88: {  	s2 =	sld [smem:$0x3FD9]  }
0x89: {  	s3 =	sld [smem:$0x3FFE];
	_ =	sdelay $0x1  }
0x8a: {  	s1 =	srdreg.scid  }
0x8b: {  	s0 =	sand.u32 $0x1, s1  }
0x8c: {  	s16 =	sshll.u32 s0, $0xA;
	s2 =	sadd.s32 s3, s2  }
0x8d: {  	s2 =	sadd.s32 s2, s16  }
0x8e: {  	[smem:$0x3FA4] =	sst s2  }
0x8f: {  	_ = 	snop  }
0x90: {  	(tm) =	ssettm $0x1  }
0x91: {  	s17 =	sld [smem:$0x3FFB];
	_ =	sdelay $0x3  }
0x92: {  	_ =	strace s17  }
0x93: {  	s2 =	sld [smem:$0x3FFC];
	_ =	sdelay $0x3  }
0x94: {  	_ =	strace s2  }
0x95: {  	s2 =	sld [smem:$0x3FFD];
	_ =	sdelay $0x3  }
0x96: {  	_ =	strace s2  }
0x97: {  	_ =	strace $0x8FFFFFFF  }
0x98: {  	s18 =	sld [smem:$0x3FDB];
	_ =	sdelay $0x1  }
0x99: {  	s19 =	simm.s32 $_scs_section_size  }
0x9a: {  	s4 =	simm.s32 $_size__tile_overlayer_lowered;
	s5 =	simm.s32 $_tile_overlayer_lowered  }
0x9b: {  	s22 =	simm.s32 $0x1BFF;
	s21 =	sshll.u32 s5, $0x1;
	s2 =	sadd.s32 s19, s18  }
0x9c: {  	s6 =	simm.s32 $0x0;
	s20 =	sshll.u32 s4, $0x1;
	s4 =	sadd.s32 s21, s2  }
0x9d: {  	[timem:s6], [sflag:s22] =	dma.local [hbm:s4], s20  }
0x9e: {  	_ =	swait.ge [sflag:s22], s20  }
0x9f: {  	s3 =	ssub.s32 $0x0, s20;
	[sflag:s22] =	ssyncset.done $0x0  }
0xa0: {  	[sflag:s22] =	ssyncadd.s32 s3;
	_ =	sdelay $0x1  }
0xa1: {  	s23 =	simm.s32 $0x1B8B  }
0xa2: {  	_ =	swait.ge [sflag:s23], $0x1  }
0xa3: {  	[sflag:s23] =	ssyncset.done $0x0  }
0xa4: {  	s25 =	simm.s32 $0x1B8E;
	s24 =	sld [smem:$0x3FFE];
	[sflag:s23] =	ssyncadd.s32 $0xFFFFFFFF  }
0xa5: {  	s26 =	simm.s32 $execute0_lowered;
	[smem:$0x3FD2] =	sst s25  }
0xa6: {  	s4 =	sshll.u32 s26, $0x1;
	_ =	strace $0x80000049;
	[dreg:$0x1] =	wrdreg $0xFFFFFFFF  }
0xa7: {  	s28 =	simm.s32 $_size_execute0_lowered;
	s2 =	sadd.s32 s2, s4;
	[dreg:$0x0] =	wrdreg $0x0  }
0xa8: {  	s4 =	sshll.u32 s28, $0x1;
	[dreg:$0x2] =	wrdreg s2  }
0xa9: {  	[dreg:$0x3] =	wrdreg s4  }
0xaa: {  	[dreg:$0x4] =	wrdreg $0xC0  }
0xab: {  	_ =	task [dreg:s6], $0x5FFFF  }
0xac: {  	[dreg:$0x1] =	wrdreg $0xFFFFFFFF  }
0xad: {  	[dreg:$0x0] =	wrdreg $0x60  }
0xae: {  	[dreg:$0x2] =	wrdreg s24  }
0xaf: {  	[dreg:$0x3] =	wrdreg $0xA9000  }
0xb0: {  	[dreg:$0x4] =	wrdreg $0x9  }
0xb1: {  	_ =	task.clear_ibuf [dreg:s6], $0x5FFFF;
	_ =	strace $0x90000049  }
0xb2: {  	s29 =	simm.s32 $0x9;
	_ =	strace $0x8000004B  }
0xb3: {  	_ =	swait.ge [sflag:s29], $0x1  }
0xb4: {  	[sflag:s29] =	ssyncadd.s32 $0xFFFFFFFF  }
0xb5: {  	_ =	strace $0x9000004B  }
0xb6: {  	_ =	sfence  }
0xb7: {  	s30 =	sld [smem:$0x0];
	_ =	sdelay $0x2  }
0xb8: {  	s31 =	sshll.u32 s1, $0xD;
	s1 =	sshrl.u32 s1, $0x2  }
0xb9: {  	s3 =	sand.u32 $0x4000, s31;
	s1 =	sadd.s32 s1, s30  }
0xba: {  	s0 =	sor.u32 s3, s0;
	s1 =	sshll.u32 s1, $0x11  }
0xbb: {  	s0 =	sor.u32 s1, s0  }
0xbc: {  	s0 =	sadd.s32 $0x8F2B, s0  }
0xbd: {  	[sflag:s0] =	ssyncadd.remote.s32 $0x1  }
0xbe: {  	_ =	sfence.sel $0xFFFF  }
0xbf: {  	[dreg:$0x0] =	wrdreg $0xFFFFFFFF;
	(pc) =	sbr.abs _section_cstart, $3  }
0xc0: {  	[dreg:$0x1] =	wrdreg $0xFFFFFFFF  }
0xc1: {  	_ =	task.clear_ibuf [dreg:s6], $0x2FFFF;
	_ =	strace $0x9FFFFFFF  }
0xc2: {  	(tm) =	ssettm $0x7FFFFFFF  }
0xc3: {  	_ =	shalt  }
tec
execute0_lowered:
.L_overlay_start_1:
0x0: {  	(tag) =	ssettag $0x1  }
0x1: {  	s6 =	rddreg [dreg:$0x0]  }
0x2: {  	s0 =	srdreg.scid;
	s2 =	rddreg [dreg:$0x1];
	s3 =	simm.s32 $0x0  }
0x3: {  	s16 =	simm.s32 $0x80;
	s17 =	simm.s32 $0x2900;
	s18 =	simm.s32 $0x1  }
0x4: {  	s19 =	simm.s32 $0x4;
	s20 =	simm.s32 $0x6900;
	s21 =	simm.s32 $0x2  }
0x5: {  	s22 =	simm.s32 $0x3;
	s23 =	simm.s32 $0x2800;
	s24 =	simm.s32 $0x2880  }
0x6: {  	s25 =	simm.s32 $0x0;
	s5 =	sand.u32 $0x1, s0;
	s0 =	stileid.u32  }
0x7: {  	[smem:$0x7FF] =	sst s3;
	s4 =	sadd.s32 $0x19E00, s6;
	s7 =	smul.u32 $0x14000, s0  }
0x8: {  	s10 =	sadd.s32 $0xFE00, s6;
	s1 =	sshll.u32 s5, $0x4;
	s9 =	smul.u32 $0x140000, s5  }
0x9: {  	s12 =	ssub.s32 $0x2, s5;
	s28 =	sshll.u32 s0, $0x6;
	s29 =	smul.u32 $0x5000, s5  }
0xa: {  	s30 =	smul.u32 $0x500, s0;
	s1 =	sor.u32 s0, s1;
	s14 =	sshrl.u32 s12, $0x1  }
0xb: {  	s8 =	smul.u32 $0x500, s1;
	s1 =	rddreg [dreg:$0x2];
	_ =	strace $0x8000004A  }
0xc: {  	s9 =	sadd.s32 s7, s9;
	s13 =	sshrl.u32 s7, $0x3;
	s12 =	ssub.s32 s12, s14  }
0xd: {  	s26 =	sadd.s32 s7, s2;
	s31 =	sadd.s32 s29, s10;
	s14 =	simm.s32 $0x5  }
0xe: {  	s9 =	sshrl.u32 s9, $0x3;
	s13 =	sadd.s32 s13, s6;
	s11 =	sadd.s32 s8, s6  }
0xf: {  	s15 =	sadd.s32 s9, s6;
	s5 =	sadd.s32 $0x69E00, s13;
	s6 =	sor.u32 $0x1C05, s28  }
0x10: {  	s8 =	sadd.s32 s10, s8;
	s13 =	sadd.s32 s30, s31;
	s7 =	sadd.s32 $0x5E00, s11  }
0x11: {  	s9 =	sadd.s32 $0x10, s8;
	s10 =	sadd.s32 $0x91E00, s15;
	s11 =	smax.u32 s12, $0x1  }
0x12: {  	s12 =	sadd.s32 $0x30, s13;
	s13 =	sshrl.u32 s26, $0x3;
	s15 =	simm.s32 $0x100  }
.LBB2_1:
0x13: {  	[spmem:s13], [sflag:s6] =	dma.local [hbm:s5], $0x2800  }
0x14: {  	_ =	swait.ge [sflag:s14], $0x2800  }
0x15: {  	[sflag:s14] =	ssyncset.done $0x0  }
0x16: {  	[sflag:s14] =	ssyncadd.s32 $0xFFFFD800  }
0x17: {  	[tilespmem:s15], [sflag:$0x5] =	stream.linear.gather [hbm4b:s7+s3], $0x2800, $0x38;
	[tilespmem:$0x1E900] =	vst v63  }
0x18: {  	_ =	swait.ge [sflag:s14], $0x2800  }
0x19: {  	[sflag:s14] =	ssyncset.done $0x0  }
0x1a: {  	[sflag:s14] =	ssyncadd.s32 $0xFFFFD800  }
0x1b: {  	[bflag:$0x0] =	sbarrier.arrive $0xFFFF  }
0x1c: {  	[tilespmem:s3], [sflag:$0x5] =	stream.linear.gather [hbm4b:s8+s3], $0x80, $0x38;
	[tilespmem:$0x1E900] =	vst v63  }
0x1d: {  	_ =	swait.ge [sflag:s14], $0x80  }
0x1e: {  	[sflag:s14] =	ssyncset.done $0x0  }
0x1f: {  	[sflag:s14] =	ssyncadd.s32 $0xFFFFFF80  }
0x20: {  	[tilespmem:s16], [sflag:$0x4] =	stream.linear.gather [hbm4b:s9+s3], $0x80, $0x38;
	[tilespmem:$0x1E900] =	vst v63  }
0x21: {  	_ = 	snop  }
0x22: {  	[tilespmem:s17], [sflag:$0x1] =	stream.indirect.gather [hbm4b:s4+s16], $0x80, s3, s16, $0xb8;
	[tilespmem:$0x1E900] =	vst v63  }
0x23: {  	_ =	swait.ge [sflag:s18], $0x4000  }
0x24: {  	[sflag:s18] =	ssyncset.done $0x0  }
0x25: {  	[sflag:s18] =	ssyncadd.s32 $0xFFFFC000  }
0x26: {  	_ =	swait.ge [sflag:s19], $0x80  }
0x27: {  	[sflag:s19] =	ssyncset.done $0x0  }
0x28: {  	s26 =	sadd.s32 $0xFFFFFFF0, s12;
	[sflag:s19] =	ssyncadd.s32 $0xFFFFFF80  }
0x29: {  	[tilespmem:s3], [sflag:$0x3] =	stream.linear.gather [hbm4b:s26+s3], $0x80, $0x38;
	[tilespmem:$0x1E900] =	vst v63  }
0x2a: {  	_ = 	snop  }
0x2b: {  	[tilespmem:s20], [sflag:$0x2] =	stream.indirect.gather [hbm4b:s4+s16], $0x80, s16, s16, $0xb8;
	[tilespmem:$0x1E900] =	vst v63  }
0x2c: {  	s30 =	simm.s32 $0x100  }
0x2d: {  	[spmem:s2] =	stream.indirect.scatter.add.f32 [tilespmem:s17], [sflag:$0x5], $0x80, s30, s16, $0xb8;
	[tilespmem:$0x1E900] =	vst v63  }
0x2e: {  	_ =	swait.ge [sflag:s14], $0x4000  }
0x2f: {  	[sflag:s14] =	ssyncset.done $0x0  }
0x30: {  	[sflag:s14] =	ssyncadd.s32 $0xFFFFC000  }
0x31: {  	_ =	swait.ge [sflag:s21], $0x4000  }
0x32: {  	[sflag:s21] =	ssyncset.done $0x0  }
0x33: {  	[sflag:s21] =	ssyncadd.s32 $0xFFFFC000  }
0x34: {  	_ =	swait.ge [sflag:s22], $0x80  }
0x35: {  	[sflag:s22] =	ssyncset.done $0x0  }
0x36: {  	[sflag:s22] =	ssyncadd.s32 $0xFFFFFF80  }
0x37: {  	[tilespmem:s16], [sflag:$0x4] =	stream.linear.gather [hbm4b:s12+s3], $0x80, $0x38;
	[tilespmem:$0x1E900] =	vst v63  }
0x38: {  	_ = 	snop  }
0x39: {  	[tilespmem:s17], [sflag:$0x1] =	stream.indirect.gather [hbm4b:s4+s16], $0x80, s3, s16, $0xb8;
	[tilespmem:$0x1E900] =	vst v63  }
0x3a: {  	s31 =	simm.s32 $0x180  }
0x3b: {  	[spmem:s2] =	stream.indirect.scatter.add.f32 [tilespmem:s20], [sflag:$0x5], $0x80, s31, s16, $0xb8;
	[tilespmem:$0x1E900] =	vst v63  }
0x3c: {  	_ =	swait.ge [sflag:s14], $0x4000  }
0x3d: {  	s28 =	smov.u32 s12;
	s26 =	simm.s32 $0x400;
	[sflag:s14] =	ssyncset.done $0x0  }
.LBB2_2:
0x3e: {  	p0 =	sne.s32 s26, $0x9800;
	[sflag:s14] =	ssyncadd.s32 $0xFFFFC000;
	s28 =	sadd.s32 $0x20, s28  }
0x3f: {  	s29 =	smov.u32 s26;
	s26 =	sadd.s32 $0x400, s26  }
0x40: {  	_ =	swait.ge [sflag:s18], $0x4000  }
0x41: {  	[sflag:s18] =	ssyncset.done $0x0  }
0x42: {  	[sflag:s18] =	ssyncadd.s32 $0xFFFFC000  }
0x43: {  	_ =	swait.ge [sflag:s19], $0x80  }
0x44: {  	[sflag:s19] =	ssyncset.done $0x0  }
0x45: {  	s30 =	sadd.s32 $0xFFFFFFF0, s28;
	[sflag:s19] =	ssyncadd.s32 $0xFFFFFF80  }
0x46: {  	[tilespmem:s3], [sflag:$0x3] =	stream.linear.gather [hbm4b:s30+s3], $0x80, $0x38;
	[tilespmem:$0x1E900] =	vst v63  }
0x47: {  	s29 =	sshra.s32 s29, $0x2  }
0x48: {  	[tilespmem:s20], [sflag:$0x2] =	stream.indirect.gather [hbm4b:s4+s16], $0x80, s16, s16, $0xb8;
	[tilespmem:$0x1E900] =	vst v63  }
0x49: {  	s30 =	sadd.s32 $0x100, s29  }
0x4a: {  	[spmem:s2] =	stream.indirect.scatter.add.f32 [tilespmem:s17], [sflag:$0x5], $0x80, s30, s16, $0xb8;
	[tilespmem:$0x1E900] =	vst v63  }
0x4b: {  	_ =	swait.ge [sflag:s14], $0x4000  }
0x4c: {  	[sflag:s14] =	ssyncset.done $0x0  }
0x4d: {  	[sflag:s14] =	ssyncadd.s32 $0xFFFFC000  }
0x4e: {  	_ =	swait.ge [sflag:s21], $0x4000  }
0x4f: {  	[sflag:s21] =	ssyncset.done $0x0  }
0x50: {  	[sflag:s21] =	ssyncadd.s32 $0xFFFFC000  }
0x51: {  	_ =	swait.ge [sflag:s22], $0x80  }
0x52: {  	[sflag:s22] =	ssyncset.done $0x0  }
0x53: {  	[sflag:s22] =	ssyncadd.s32 $0xFFFFFF80  }
0x54: {  	[tilespmem:s16], [sflag:$0x4] =	stream.linear.gather [hbm4b:s28+s3], $0x80, $0x38;
	[tilespmem:$0x1E900] =	vst v63  }
0x55: {  	_ = 	snop  }
0x56: {  	[tilespmem:s17], [sflag:$0x1] =	stream.indirect.gather [hbm4b:s4+s16], $0x80, s3, s16, $0xb8;
	[tilespmem:$0x1E900] =	vst v63  }
.Ltmp0:
0x57: {  	_ = 	snop;
	(pc) =	sbr.rel @p0 .LBB2_2-.Ltmp0, $4  }
0x58: {  	s29 =	sadd.s32 $0x180, s29  }
0x59: {  	[spmem:s2] =	stream.indirect.scatter.add.f32 [tilespmem:s20], [sflag:$0x5], $0x80, s29, s16, $0xb8;
	[tilespmem:$0x1E900] =	vst v63  }
0x5a: {  	_ =	swait.ge [sflag:s14], $0x4000  }
0x5b: {  	[sflag:s14] =	ssyncset.done $0x0  }
0x5c: {  	[sflag:s14] =	ssyncadd.s32 $0xFFFFC000  }
0x5d: {  	_ =	swait.ge [sflag:s18], $0x4000  }
0x5e: {  	[sflag:s18] =	ssyncset.done $0x0  }
0x5f: {  	[sflag:s18] =	ssyncadd.s32 $0xFFFFC000  }
0x60: {  	_ =	swait.ge [sflag:s19], $0x80  }
0x61: {  	[sflag:s19] =	ssyncset.done $0x0  }
0x62: {  	[sflag:s19] =	ssyncadd.s32 $0xFFFFFF80  }
0x63: {  	[tilespmem:s20], [sflag:$0x2] =	stream.indirect.gather [hbm4b:s4+s16], $0x80, s16, s16, $0xb8;
	[tilespmem:$0x1E900] =	vst v63  }
0x64: {  	_ = 	snop  }
0x65: {  	[spmem:s2] =	stream.indirect.scatter.add.f32 [tilespmem:s17], [sflag:$0x5], $0x80, s23, s16, $0xb8;
	[tilespmem:$0x1E900] =	vst v63  }
0x66: {  	_ =	swait.ge [sflag:s14], $0x4000  }
0x67: {  	[sflag:s14] =	ssyncset.done $0x0  }
0x68: {  	[sflag:s14] =	ssyncadd.s32 $0xFFFFC000  }
0x69: {  	_ =	swait.ge [sflag:s21], $0x4000  }
0x6a: {  	[sflag:s21] =	ssyncset.done $0x0  }
0x6b: {  	[sflag:s21] =	ssyncadd.s32 $0xFFFFC000  }
0x6c: {  	[spmem:s2] =	stream.indirect.scatter.add.f32 [tilespmem:s20], [sflag:$0x5], $0x80, s24, s16, $0xb8;
	[tilespmem:$0x1E900] =	vst v63  }
0x6d: {  	_ =	swait.ge [sflag:s14], $0x4000  }
0x6e: {  	s25 =	sadd.s32 $0x1, s25;
	[sflag:s14] =	ssyncset.done $0x0  }
0x6f: {  	p0 =	sne.s32 s25, s11;
	[sflag:s14] =	ssyncadd.s32 $0xFFFFC000  }
.Ltmp1:
0x70: {  	[bflag:$0x0] =	sbarrier.arrive $0xFFFF;
	(pc) =	sbr.rel @p0 .LBB2_1-.Ltmp1, $4  }
0x71: {  	[hbm:s10], [sflag:s6] =	dma.local [spmem:s13], $0x2800  }
0x72: {  	_ =	swait.ge [sflag:s14], $0x2800  }
0x73: {  	[sflag:s14] =	ssyncset.done $0x0  }
0x74: {  	[sflag:s14] =	ssyncadd.s32 $0xFFFFD800  }
0x75: {  	_ =	sfence.sel $0x180000  }
0x76: {  	[bflag:$0x0] =	sbarrier.arrive $0xFFFF  }
0x77: {  	p0 =	sne.s32 s0, $0x0;
	_ =	strace $0x9000004A  }
0x78: {  	s0 =	sadd.s32 @!p0 $0x100000, s1;
	[bflag:$0x2] =	sbarrier.arrive $0xFFFF  }
0x79: {  	[sflag:s0] =	ssyncadd.tile.s32 @!p0 $0x1;
	_ =	shalt  }
.Lfunc_end2:
_tile_overlayer_lowered:
.L_overlay_start_2:
0x7a: {  	(tag) =	ssettag $0x2  }
0x7b: {  	s0 =	rddreg [dreg:$0x0];
	s2 =	stileid.u32  }
0x7c: {  	s1 =	rddreg [dreg:$0x1];
	p0 =	sne.s32 s2, $0x0  }
0x7d: {  	s3 =	rddreg [dreg:$0x2];
	[bflag:$0x3] =	sbarrier.arrive $0xFFFF;
	s2 =	simm.s32 @!p0 $0x1C05  }
0x7e: {  	[timem:s3], [sflag:s2] =	dma.local @!p0 [hbm:s0], s1  }
0x7f: {  	s0 =	simm.s32 @!p0 $0x5  }
0x80: {  	_ =	swait.ge @!p0 [sflag:s0], s1  }
0x81: {  	s1 =	ssub.s32 @!p0 $0x0, s1;
	[sflag:s0] =	ssyncset.done @!p0 $0x0  }
0x82: {  	[sflag:s0] =	ssyncadd.s32 @!p0 s1  }
0x83: {  	[bflag:$0x3] =	sbarrier.arrive $0xFFFF  }
0x84: {  	_ =	shalt  }

// kernel: kernel.18.cloned.1.call-start
scs
__scs_entry_jumppad:
0x0: {  	(pc) =	sbr.rel $0x88, $3  }
0x1: {  	(tag) =	ssettag $0x0;
	lr =	simm.s32 $0x1  }
0x2: {  	[smem:$0x3F7D] =	sst lr;
	_ =	strace $0xD0000000  }
0x3: {  	_ = 	snop  }
0x4: {  	_ = 	snop  }
0x5: {  	_ = 	snop  }
0x6: {  	_ = 	snop  }
0x7: {  	_ = 	snop  }
__scs_overlays_trampoline_lowered:
0x8: {  	[smem:$0x3F8C] =	sst s0  }
0x9: {  	[smem:$0x3F8D] =	sst s1  }
0xa: {  	[smem:$0x3F8E] =	sst s2  }
0xb: {  	[smem:$0x3F8F] =	sst s3  }
0xc: {  	[smem:$0x3F90] =	sst s4  }
0xd: {  	[smem:$0x3F91] =	sst s5  }
0xe: {  	[smem:$0x3F92] =	sst s6  }
0xf: {  	[smem:$0x3F93] =	sst s7  }
0x10: {  	[smem:$0x3F94] =	sst s8  }
0x11: {  	[smem:$0x3F95] =	sst s9;
	s0 =	simm.s32 @!p0 $0x0  }
0x12: {  	s1 =	sld [smem:$0x3F7B];
	s0 =	simm.s32 @p0 $0x1  }
0x13: {  	[smem:$0x3F96] =	sst s0;
	s0 =	simm.s32 @!p1 $0x0  }
0x14: {  	s2 =	sld [smem:$0x3F7A];
	s0 =	simm.s32 @p1 $0x1  }
0x15: {  	[smem:$0x3F97] =	sst s0;
	s0 =	simm.s32 @!p2 $0x0  }
0x16: {  	s3 =	sld [smem:$0x3FDB];
	s0 =	simm.s32 @p2 $0x1  }
0x17: {  	s4 =	simm.s32 $0x1BF5;
	[smem:$0x3F99] =	sst s0  }
0x18: {  	s0 =	sld [smem:$0x3F7C];
	_ =	swait.ge [sflag:s4], $0x0  }
0x19: {  	s7 =	sld [smem:$0x3F7D]  }
0x1a: {  	s8 =	sadd.s32 $0xFFFFE003, lr  }
0x1b: {  	s9 =	sadd.s32 $0xFFFFFEF7, lr;
	s5 =	simm.s32 $0xFFFFFFFF;
	p2 =	slt.u32 s8, $0xFFFFF086  }
0x1c: {  	p1 =	slt.u32 s9, $0xF7A;
	s5 =	simm.s32 @!p2 $0x0  }
0x1d: {  	s5 =	simm.s32 @p1 $0x1;
	p0 =	seq.s32 s7, s2  }
0x1e: {  	s7 =	smul.u32 @!p0 $0xF7A, s2;
	p2 =	seq.s32 @!p0 s5, $0x0  }
0x1f: {  	s9 =	smul.u32 $0xF7A, s1;
	s8 =	simm.s32 @!p0 $0x1BF5;
	p2 =	por !p2, p0  }
0x20: {  	[sflag:s8] =	ssyncset.s32 @!p0 $0xFFFFF086;
	s6 =	sadd.s32 @!p0 s3, s7;
	s7 =	simm.s32 @!p0 $0x108  }
0x21: {  	s3 =	sadd.s32 s3, s9;
	s6 =	sadd.s32 @!p0 $0x88, s6;
	s7 =	simm.s32 @p2 $0x1082  }
0x22: {  	[simem:s7], [sflag:s8] =	dma.local @!p0 [hbm:s6], $0xF7A  }
0x23: {  	s9 =	sor.u32 $0xD0000000, s2;
	s6 =	simm.s32 $0x108;
	_ =	swait.ge @!p0 [sflag:s8], $0x0  }
0x24: {  	s3 =	sadd.s32 $0x88, s3;
	s6 =	simm.s32 @!p1 $0x1082;
	[sflag:s4] =	ssyncset.s32 $0xFFFFF086  }
0x25: {  	[simem:s6], [sflag:s4] =	dma.local [hbm:s3], $0xF7A  }
0x26: {  	[smem:$0x3F7D] =	sst s1;
	(tag) =	ssettag s2;
	_ =	strace s9  }
0x27: {  	s1 =	sld [smem:$0x3F8D]  }
0x28: {  	s2 =	sld [smem:$0x3F8E]  }
0x29: {  	s4 =	sld [smem:$0x3F90]  }
0x2a: {  	p0 =	seq.s32 s5, $0x0;
	s5 =	sld [smem:$0x3F91]  }
0x2b: {  	s6 =	sld [smem:$0x3F92]  }
0x2c: {  	s7 =	sld [smem:$0x3F93]  }
0x2d: {  	s3 =	simm.s32 $0x108;
	s8 =	sld [smem:$0x3F94]  }
0x2e: {  	s3 =	simm.s32 @!p0 $0x1082;
	s9 =	sld [smem:$0x3F95]  }
0x2f: {  	lr =	sadd.s32 s0, s3;
	s0 =	sld [smem:$0x3F8C]  }
0x30: {  	s3 =	sld [smem:$0x3F8F]  }
0x31: {  	[smem:$0x3F98] =	sst s10  }
0x32: {  	s10 =	sld [smem:$0x3F96];
	_ =	sdelay $0x3  }
0x33: {  	p0 =	seq.s32 s10, $0x1;
	s10 =	sld [smem:$0x3F98];
	_ =	sdelay $0x3  }
0x34: {  	[smem:$0x3F98] =	sst s10  }
0x35: {  	s10 =	sld [smem:$0x3F97];
	_ =	sdelay $0x3  }
0x36: {  	p1 =	seq.s32 s10, $0x1;
	s10 =	sld [smem:$0x3F98];
	_ =	sdelay $0x3  }
0x37: {  	[smem:$0x3F98] =	sst s10  }
0x38: {  	s10 =	sld [smem:$0x3F99]  }
0x39: {  	_ = 	snop;
	(pc) =	sbr.ind lr, $3  }
0x3a: {  	_ = 	snop  }
0x3b: {  	_ = 	snop  }
0x3c: {  	p2 =	seq.s32 s10, $0x1;
	s10 =	sld [smem:$0x3F98]  }
0x3d: {  	_ =	shalt  }
0x3e: {  	_ =	shalt  }
0x3f: {  	_ =	shalt  }
0x40: {  	_ =	shalt  }
0x41: {  	_ =	shalt  }
0x42: {  	_ =	shalt  }
0x43: {  	_ =	shalt  }
0x44: {  	_ =	shalt  }
0x45: {  	_ =	shalt  }
0x46: {  	_ =	shalt  }
0x47: {  	_ =	shalt  }
0x48: {  	_ =	shalt  }
0x49: {  	_ =	shalt  }
0x4a: {  	_ =	shalt  }
0x4b: {  	_ =	shalt  }
0x4c: {  	_ =	shalt  }
0x4d: {  	_ =	shalt  }
0x4e: {  	_ =	shalt  }
0x4f: {  	_ =	shalt  }
0x50: {  	_ =	shalt  }
0x51: {  	_ =	shalt  }
0x52: {  	_ =	shalt  }
0x53: {  	_ =	shalt  }
0x54: {  	_ =	shalt  }
0x55: {  	_ =	shalt  }
0x56: {  	_ =	shalt  }
0x57: {  	_ =	shalt  }
0x58: {  	_ =	shalt  }
0x59: {  	_ =	shalt  }
0x5a: {  	_ =	shalt  }
0x5b: {  	_ =	shalt  }
0x5c: {  	_ =	shalt  }
0x5d: {  	_ =	shalt  }
0x5e: {  	_ =	shalt  }
0x5f: {  	_ =	shalt  }
0x60: {  	_ =	shalt  }
0x61: {  	_ =	shalt  }
0x62: {  	_ =	shalt  }
0x63: {  	_ =	shalt  }
0x64: {  	_ =	shalt  }
0x65: {  	_ =	shalt  }
0x66: {  	_ =	shalt  }
0x67: {  	_ =	shalt  }
0x68: {  	_ =	shalt  }
0x69: {  	_ =	shalt  }
0x6a: {  	_ =	shalt  }
0x6b: {  	_ =	shalt  }
0x6c: {  	_ =	shalt  }
0x6d: {  	_ =	shalt  }
0x6e: {  	_ =	shalt  }
0x6f: {  	_ =	shalt  }
0x70: {  	_ =	shalt  }
0x71: {  	_ =	shalt  }
0x72: {  	_ =	shalt  }
0x73: {  	_ =	shalt  }
0x74: {  	_ =	shalt  }
0x75: {  	_ =	shalt  }
0x76: {  	_ =	shalt  }
0x77: {  	_ =	shalt  }
0x78: {  	_ =	shalt  }
0x79: {  	_ =	shalt  }
0x7a: {  	_ =	shalt  }
0x7b: {  	_ =	shalt  }
0x7c: {  	_ =	shalt  }
0x7d: {  	_ =	shalt  }
0x7e: {  	_ =	shalt  }
0x7f: {  	_ =	shalt  }
0x80: {  	_ =	shalt  }
0x81: {  	_ =	shalt  }
0x82: {  	_ =	shalt  }
0x83: {  	_ =	shalt  }
0x84: {  	_ =	shalt  }
0x85: {  	_ =	shalt  }
0x86: {  	_ =	shalt  }
0x87: {  	_ =	shalt  }
.Lfunc_end0:
.L_simem_size_0:
called_computation.2_lowered:
.L_overlay_start_0:
0x88: {  	s2 =	sld [smem:$0x3FD9]  }
0x89: {  	s3 =	sld [smem:$0x3FFE];
	_ =	sdelay $0x1  }
0x8a: {  	s1 =	srdreg.scid  }
0x8b: {  	s0 =	sand.u32 $0x1, s1  }
0x8c: {  	s14 =	sshll.u32 s0, $0xA;
	s2 =	sadd.s32 s3, s2  }
0x8d: {  	s2 =	sadd.s32 s2, s14  }
0x8e: {  	[smem:$0x3FA4] =	sst s2  }
0x8f: {  	_ = 	snop  }
0x90: {  	s2 =	sld [smem:$0x3FD0];
	_ =	sdelay $0x2  }
0x91: {  	s15 =	simm.s32 $0xA;
	s4 =	simm.s32 $0x10  }
0x92: {  	[smem:s4], [sflag:s15] =	dma.local [hbm:s2], $0x1  }
0x93: {  	_ =	swait.eq [sflag:s15], $0x1  }
0x94: {  	[sflag:s15] =	ssyncset.done $0x0  }
0x95: {  	[sflag:s15] =	ssyncadd.s32 $0xFFFFFFFF  }
0x96: {  	s16 =	sld [smem:$0x11];
	(tm) =	ssettm $0x1  }
0x97: {  	s17 =	sld [smem:$0x3FFB];
	_ =	sdelay $0x3  }
0x98: {  	_ =	strace s17  }
0x99: {  	s3 =	sld [smem:$0x3FFC];
	_ =	sdelay $0x3  }
0x9a: {  	_ =	strace s3  }
0x9b: {  	s3 =	sld [smem:$0x3FFD];
	_ =	sdelay $0x3  }
0x9c: {  	_ =	strace s3  }
0x9d: {  	_ =	strace $0x8FFFFFFF  }
0x9e: {  	s18 =	sld [smem:$0x3FDB];
	_ =	sdelay $0x1  }
0x9f: {  	s19 =	simm.s32 $_scs_section_size  }
0xa0: {  	s5 =	simm.s32 $_size__tile_overlayer_lowered;
	s6 =	simm.s32 $_tile_overlayer_lowered  }
0xa1: {  	s22 =	simm.s32 $0x1BFF;
	s21 =	sshll.u32 s6, $0x1;
	s3 =	sadd.s32 s19, s18  }
0xa2: {  	s7 =	simm.s32 $0x0;
	s20 =	sshll.u32 s5, $0x1;
	s5 =	sadd.s32 s21, s3  }
0xa3: {  	[timem:s7], [sflag:s22] =	dma.local [hbm:s5], s20  }
0xa4: {  	_ =	swait.ge [sflag:s22], s20  }
0xa5: {  	s4 =	ssub.s32 $0x0, s20;
	[sflag:s22] =	ssyncset.done $0x0  }
0xa6: {  	[sflag:s22] =	ssyncadd.s32 s4;
	_ =	sdelay $0x1  }
0xa7: {  	s23 =	simm.s32 $0x1B8B  }
0xa8: {  	_ =	swait.ge [sflag:s23], $0x1  }
0xa9: {  	[sflag:s23] =	ssyncset.done $0x0  }
0xaa: {  	s25 =	simm.s32 $0x1B8E;
	s24 =	sld [smem:$0x3FFE];
	[sflag:s23] =	ssyncadd.s32 $0xFFFFFFFF  }
0xab: {  	s26 =	simm.s32 $execute0_lowered;
	[smem:$0x3FD2] =	sst s25  }
0xac: {  	s5 =	sshll.u32 s26, $0x1;
	_ =	strace $0x8000004C;
	[dreg:$0x1] =	wrdreg $0xFFFFFFFF  }
0xad: {  	s28 =	simm.s32 $_size_execute0_lowered;
	s3 =	sadd.s32 s3, s5;
	[dreg:$0x0] =	wrdreg $0x0  }
0xae: {  	s5 =	sshll.u32 s28, $0x1;
	[dreg:$0x2] =	wrdreg s3  }
0xaf: {  	[dreg:$0x3] =	wrdreg s5  }
0xb0: {  	[dreg:$0x4] =	wrdreg $0xC0  }
0xb1: {  	_ =	task [dreg:s7], $0x5FFFF  }
0xb2: {  	[dreg:$0x1] =	wrdreg $0xFFFFFFFF  }
0xb3: {  	[dreg:$0x0] =	wrdreg $0x60  }
0xb4: {  	[dreg:$0x2] =	wrdreg s16  }
0xb5: {  	[dreg:$0x3] =	wrdreg s24  }
0xb6: {  	[dreg:$0x4] =	wrdreg $0x69000  }
0xb7: {  	[dreg:$0x5] =	wrdreg $0x9  }
0xb8: {  	_ =	task.clear_ibuf [dreg:s7], $0x6FFFF;
	_ =	strace $0x9000004C  }
0xb9: {  	s29 =	simm.s32 $0x9;
	_ =	strace $0x8000004E  }
0xba: {  	_ =	swait.ge [sflag:s29], $0x1  }
0xbb: {  	[sflag:s29] =	ssyncadd.s32 $0xFFFFFFFF  }
0xbc: {  	_ =	strace $0x9000004E  }
0xbd: {  	_ =	sfence  }
0xbe: {  	s30 =	sld [smem:$0x0];
	_ =	sdelay $0x2  }
0xbf: {  	s31 =	sshll.u32 s1, $0xD;
	s1 =	sshrl.u32 s1, $0x2  }
0xc0: {  	s3 =	sand.u32 $0x4000, s31;
	s1 =	sadd.s32 s1, s30  }
0xc1: {  	s0 =	sor.u32 s3, s0;
	s1 =	sshll.u32 s1, $0x11  }
0xc2: {  	s0 =	sor.u32 s1, s0  }
0xc3: {  	s0 =	sadd.s32 $0x8F2B, s0  }
0xc4: {  	[sflag:s0] =	ssyncadd.remote.s32 $0x1  }
0xc5: {  	_ =	sfence.sel $0xFFFF  }
0xc6: {  	[dreg:$0x0] =	wrdreg $0xFFFFFFFF;
	(pc) =	sbr.abs _section_cstart, $3  }
0xc7: {  	[dreg:$0x1] =	wrdreg $0xFFFFFFFF  }
0xc8: {  	_ =	task.clear_ibuf [dreg:s7], $0x2FFFF;
	_ =	strace $0x9FFFFFFF  }
0xc9: {  	(tm) =	ssettm $0x7FFFFFFF  }
tec
execute0_lowered:
.L_overlay_start_1:
0x0: {  	(tag) =	ssettag $0x1  }
0x1: {  	s1 =	rddreg [dreg:$0x0]  }
0x2: {  	s6 =	rddreg [dreg:$0x1]  }
0x3: {  	s0 =	srdreg.scid;
	s3 =	rddreg [dreg:$0x2]  }
0x4: {  	s4 =	simm.s32 $0x0;
	s16 =	simm.s32 $0x80;
	s17 =	simm.s32 $0x2900  }
0x5: {  	s18 =	simm.s32 $0x1;
	s19 =	simm.s32 $0x4;
	s20 =	simm.s32 $0x4900  }
0x6: {  	s21 =	simm.s32 $0x2;
	s22 =	simm.s32 $0x3;
	s23 =	simm.s32 $0x2800  }
0x7: {  	s24 =	simm.s32 $0x2880;
	s5 =	sand.u32 $0x1, s0;
	s0 =	stileid.u32  }
0x8: {  	s25 =	simm.s32 $0x0;
	[smem:$0x7FF] =	sst s4;
	s7 =	smul.u32 $0xA000, s0  }
0x9: {  	s10 =	sadd.s32 $0xFE00, s6;
	s2 =	sshll.u32 s5, $0x4;
	s9 =	smul.u32 $0xA0000, s5  }
0xa: {  	s12 =	ssub.s32 $0x2, s5;
	s28 =	sshll.u32 s0, $0x6;
	s29 =	smul.u32 $0x5000, s5  }
0xb: {  	s30 =	smul.u32 $0x500, s0;
	s2 =	sor.u32 s0, s2;
	s14 =	sshrl.u32 s12, $0x1  }
0xc: {  	s8 =	smul.u32 $0x500, s2;
	s2 =	rddreg [dreg:$0x3];
	_ =	strace $0x8000004D  }
0xd: {  	s9 =	sadd.s32 s7, s9;
	s13 =	sshrl.u32 s7, $0x3;
	s12 =	ssub.s32 s12, s14  }
0xe: {  	s26 =	sadd.s32 s7, s3;
	s31 =	sadd.s32 s29, s10;
	s14 =	simm.s32 $0x5  }
0xf: {  	s9 =	sshrl.u32 s9, $0x3;
	s13 =	sadd.s32 s13, s6;
	s11 =	sadd.s32 s8, s6  }
0x10: {  	s15 =	sadd.s32 s9, s6;
	s5 =	sadd.s32 $0x69E00, s13;
	s6 =	sor.u32 $0x1C05, s28  }
0x11: {  	s8 =	sadd.s32 s10, s8;
	s13 =	sadd.s32 s30, s31;
	s7 =	sadd.s32 $0x5E00, s11  }
0x12: {  	s9 =	sadd.s32 $0x10, s8;
	s10 =	sadd.s32 $0x7DE00, s15;
	s11 =	smax.u32 s12, $0x1  }
0x13: {  	s12 =	sadd.s32 $0x30, s13;
	s13 =	sshrl.u32 s26, $0x3;
	s15 =	simm.s32 $0x100  }
.LBB2_1:
0x14: {  	[spmem:s13], [sflag:s6] =	dma.local [hbm:s5], $0x1400  }
0x15: {  	_ =	swait.ge [sflag:s14], $0x1400  }
0x16: {  	[sflag:s14] =	ssyncset.done $0x0  }
0x17: {  	[sflag:s14] =	ssyncadd.s32 $0xFFFFEC00  }
0x18: {  	[tilespmem:s15], [sflag:$0x5] =	stream.linear.gather [hbm4b:s7+s4], $0x2800, $0x38;
	[tilespmem:$0x10900] =	vst v63  }
0x19: {  	_ =	swait.ge [sflag:s14], $0x2800  }
0x1a: {  	[sflag:s14] =	ssyncset.done $0x0  }
0x1b: {  	[sflag:s14] =	ssyncadd.s32 $0xFFFFD800  }
0x1c: {  	[bflag:$0x0] =	sbarrier.arrive $0xFFFF  }
0x1d: {  	[tilespmem:s4], [sflag:$0x5] =	stream.linear.gather [hbm4b:s8+s4], $0x80, $0x38;
	[tilespmem:$0x10900] =	vst v63  }
0x1e: {  	_ =	swait.ge [sflag:s14], $0x80  }
0x1f: {  	[sflag:s14] =	ssyncset.done $0x0  }
0x20: {  	[sflag:s14] =	ssyncadd.s32 $0xFFFFFF80  }
0x21: {  	[tilespmem:s16], [sflag:$0x4] =	stream.linear.gather [hbm4b:s9+s4], $0x80, $0x38;
	[tilespmem:$0x10900] =	vst v63  }
0x22: {  	_ = 	snop  }
0x23: {  	[tilespmem:s17], [sflag:$0x1] =	stream.indirect.gather [hbm4b:s1+s16], $0x40, s4, s16, $0xb8;
	[tilespmem:$0x10900] =	vst v63  }
0x24: {  	_ =	swait.ge [sflag:s18], $0x2000  }
0x25: {  	[sflag:s18] =	ssyncset.done $0x0  }
0x26: {  	[sflag:s18] =	ssyncadd.s32 $0xFFFFE000  }
0x27: {  	_ =	swait.ge [sflag:s19], $0x80  }
0x28: {  	[sflag:s19] =	ssyncset.done $0x0  }
0x29: {  	s26 =	sadd.s32 $0xFFFFFFF0, s12;
	[sflag:s19] =	ssyncadd.s32 $0xFFFFFF80  }
0x2a: {  	[tilespmem:s4], [sflag:$0x3] =	stream.linear.gather [hbm4b:s26+s4], $0x80, $0x38;
	[tilespmem:$0x10900] =	vst v63  }
0x2b: {  	_ = 	snop  }
0x2c: {  	[tilespmem:s20], [sflag:$0x2] =	stream.indirect.gather [hbm4b:s1+s16], $0x40, s16, s16, $0xb8;
	[tilespmem:$0x10900] =	vst v63  }
0x2d: {  	s30 =	simm.s32 $0x100  }
0x2e: {  	[spmem:s3] =	stream.indirect.scatter.add.f32 [tilespmem:s17], [sflag:$0x5], $0x40, s30, s16, $0xb8;
	[tilespmem:$0x10900] =	vst v63  }
0x2f: {  	_ =	swait.ge [sflag:s14], $0x2000  }
0x30: {  	[sflag:s14] =	ssyncset.done $0x0  }
0x31: {  	[sflag:s14] =	ssyncadd.s32 $0xFFFFE000  }
0x32: {  	_ =	swait.ge [sflag:s21], $0x2000  }
0x33: {  	[sflag:s21] =	ssyncset.done $0x0  }
0x34: {  	[sflag:s21] =	ssyncadd.s32 $0xFFFFE000  }
0x35: {  	_ =	swait.ge [sflag:s22], $0x80  }
0x36: {  	[sflag:s22] =	ssyncset.done $0x0  }
0x37: {  	[sflag:s22] =	ssyncadd.s32 $0xFFFFFF80  }
0x38: {  	[tilespmem:s16], [sflag:$0x4] =	stream.linear.gather [hbm4b:s12+s4], $0x80, $0x38;
	[tilespmem:$0x10900] =	vst v63  }
0x39: {  	_ = 	snop  }
0x3a: {  	[tilespmem:s17], [sflag:$0x1] =	stream.indirect.gather [hbm4b:s1+s16], $0x40, s4, s16, $0xb8;
	[tilespmem:$0x10900] =	vst v63  }
0x3b: {  	s31 =	simm.s32 $0x180  }
0x3c: {  	[spmem:s3] =	stream.indirect.scatter.add.f32 [tilespmem:s20], [sflag:$0x5], $0x40, s31, s16, $0xb8;
	[tilespmem:$0x10900] =	vst v63  }
0x3d: {  	_ =	swait.ge [sflag:s14], $0x2000  }
0x3e: {  	s28 =	smov.u32 s12;
	s26 =	simm.s32 $0x400;
	[sflag:s14] =	ssyncset.done $0x0  }
.LBB2_2:
0x3f: {  	p0 =	sne.s32 s26, $0x9800;
	[sflag:s14] =	ssyncadd.s32 $0xFFFFE000;
	s28 =	sadd.s32 $0x20, s28  }
0x40: {  	s29 =	smov.u32 s26;
	s26 =	sadd.s32 $0x400, s26  }
0x41: {  	_ =	swait.ge [sflag:s18], $0x2000  }
0x42: {  	[sflag:s18] =	ssyncset.done $0x0  }
0x43: {  	[sflag:s18] =	ssyncadd.s32 $0xFFFFE000  }
0x44: {  	_ =	swait.ge [sflag:s19], $0x80  }
0x45: {  	[sflag:s19] =	ssyncset.done $0x0  }
0x46: {  	s30 =	sadd.s32 $0xFFFFFFF0, s28;
	[sflag:s19] =	ssyncadd.s32 $0xFFFFFF80  }
0x47: {  	[tilespmem:s4], [sflag:$0x3] =	stream.linear.gather [hbm4b:s30+s4], $0x80, $0x38;
	[tilespmem:$0x10900] =	vst v63  }
0x48: {  	s29 =	sshra.s32 s29, $0x2  }
0x49: {  	[tilespmem:s20], [sflag:$0x2] =	stream.indirect.gather [hbm4b:s1+s16], $0x40, s16, s16, $0xb8;
	[tilespmem:$0x10900] =	vst v63  }
0x4a: {  	s30 =	sadd.s32 $0x100, s29  }
0x4b: {  	[spmem:s3] =	stream.indirect.scatter.add.f32 [tilespmem:s17], [sflag:$0x5], $0x40, s30, s16, $0xb8;
	[tilespmem:$0x10900] =	vst v63  }
0x4c: {  	_ =	swait.ge [sflag:s14], $0x2000  }
0x4d: {  	[sflag:s14] =	ssyncset.done $0x0  }
0x4e: {  	[sflag:s14] =	ssyncadd.s32 $0xFFFFE000  }
0x4f: {  	_ =	swait.ge [sflag:s21], $0x2000  }
0x50: {  	[sflag:s21] =	ssyncset.done $0x0  }
0x51: {  	[sflag:s21] =	ssyncadd.s32 $0xFFFFE000  }
0x52: {  	_ =	swait.ge [sflag:s22], $0x80  }
0x53: {  	[sflag:s22] =	ssyncset.done $0x0  }
0x54: {  	[sflag:s22] =	ssyncadd.s32 $0xFFFFFF80  }
0x55: {  	[tilespmem:s16], [sflag:$0x4] =	stream.linear.gather [hbm4b:s28+s4], $0x80, $0x38;
	[tilespmem:$0x10900] =	vst v63  }
0x56: {  	_ = 	snop  }
0x57: {  	[tilespmem:s17], [sflag:$0x1] =	stream.indirect.gather [hbm4b:s1+s16], $0x40, s4, s16, $0xb8;
	[tilespmem:$0x10900] =	vst v63  }
.Ltmp0:
0x58: {  	_ = 	snop;
	(pc) =	sbr.rel @p0 .LBB2_2-.Ltmp0, $4  }
0x59: {  	s29 =	sadd.s32 $0x180, s29  }
0x5a: {  	[spmem:s3] =	stream.indirect.scatter.add.f32 [tilespmem:s20], [sflag:$0x5], $0x40, s29, s16, $0xb8;
	[tilespmem:$0x10900] =	vst v63  }
0x5b: {  	_ =	swait.ge [sflag:s14], $0x2000  }
0x5c: {  	[sflag:s14] =	ssyncset.done $0x0  }
0x5d: {  	[sflag:s14] =	ssyncadd.s32 $0xFFFFE000  }
0x5e: {  	_ =	swait.ge [sflag:s18], $0x2000  }
0x5f: {  	[sflag:s18] =	ssyncset.done $0x0  }
0x60: {  	[sflag:s18] =	ssyncadd.s32 $0xFFFFE000  }
0x61: {  	_ =	swait.ge [sflag:s19], $0x80  }
0x62: {  	[sflag:s19] =	ssyncset.done $0x0  }
0x63: {  	[sflag:s19] =	ssyncadd.s32 $0xFFFFFF80  }
0x64: {  	[tilespmem:s20], [sflag:$0x2] =	stream.indirect.gather [hbm4b:s1+s16], $0x40, s16, s16, $0xb8;
	[tilespmem:$0x10900] =	vst v63  }
0x65: {  	_ = 	snop  }
0x66: {  	[spmem:s3] =	stream.indirect.scatter.add.f32 [tilespmem:s17], [sflag:$0x5], $0x40, s23, s16, $0xb8;
	[tilespmem:$0x10900] =	vst v63  }
0x67: {  	_ =	swait.ge [sflag:s14], $0x2000  }
0x68: {  	[sflag:s14] =	ssyncset.done $0x0  }
0x69: {  	[sflag:s14] =	ssyncadd.s32 $0xFFFFE000  }
0x6a: {  	_ =	swait.ge [sflag:s21], $0x2000  }
0x6b: {  	[sflag:s21] =	ssyncset.done $0x0  }
0x6c: {  	[sflag:s21] =	ssyncadd.s32 $0xFFFFE000  }
0x6d: {  	[spmem:s3] =	stream.indirect.scatter.add.f32 [tilespmem:s20], [sflag:$0x5], $0x40, s24, s16, $0xb8;
	[tilespmem:$0x10900] =	vst v63  }
0x6e: {  	_ =	swait.ge [sflag:s14], $0x2000  }
0x6f: {  	s25 =	sadd.s32 $0x1, s25;
	[sflag:s14] =	ssyncset.done $0x0  }
0x70: {  	p0 =	sne.s32 s25, s11;
	[sflag:s14] =	ssyncadd.s32 $0xFFFFE000  }
.Ltmp1:
0x71: {  	[bflag:$0x0] =	sbarrier.arrive $0xFFFF;
	(pc) =	sbr.rel @p0 .LBB2_1-.Ltmp1, $4  }
0x72: {  	[hbm:s10], [sflag:s6] =	dma.local [spmem:s13], $0x1400  }
0x73: {  	_ =	swait.ge [sflag:s14], $0x1400  }
0x74: {  	[sflag:s14] =	ssyncset.done $0x0  }
0x75: {  	[sflag:s14] =	ssyncadd.s32 $0xFFFFEC00  }
0x76: {  	_ =	sfence.sel $0x180000  }
0x77: {  	[bflag:$0x0] =	sbarrier.arrive $0xFFFF  }
0x78: {  	p0 =	sne.s32 s0, $0x0;
	_ =	strace $0x9000004D  }
0x79: {  	s0 =	sadd.s32 @!p0 $0x100000, s2;
	[bflag:$0x2] =	sbarrier.arrive $0xFFFF  }
0x7a: {  	[sflag:s0] =	ssyncadd.tile.s32 @!p0 $0x1;
	_ =	shalt  }
.Lfunc_end2:
_tile_overlayer_lowered:
.L_overlay_start_2:
0x7b: {  	(tag) =	ssettag $0x2  }
0x7c: {  	s0 =	rddreg [dreg:$0x0];
	s2 =	stileid.u32  }
0x7d: {  	s1 =	rddreg [dreg:$0x1];
	p0 =	sne.s32 s2, $0x0  }
0x7e: {  	s3 =	rddreg [dreg:$0x2];
	[bflag:$0x3] =	sbarrier.arrive $0xFFFF;
	s2 =	simm.s32 @!p0 $0x1C05  }
0x7f: {  	[timem:s3], [sflag:s2] =	dma.local @!p0 [hbm:s0], s1  }
0x80: {  	s0 =	simm.s32 @!p0 $0x5  }
0x81: {  	_ =	swait.ge @!p0 [sflag:s0], s1  }
0x82: {  	s1 =	ssub.s32 @!p0 $0x0, s1;
	[sflag:s0] =	ssyncset.done @!p0 $0x0  }
0x83: {  	[sflag:s0] =	ssyncadd.s32 @!p0 s1  }
0x84: {  	[bflag:$0x3] =	sbarrier.arrive $0xFFFF  }
0x85: {  	_ =	shalt  }

// kernel: kernel.21.cloned.1.call-start
scs
__scs_entry_jumppad:
0x0: {  	(pc) =	sbr.rel $0x88, $3  }
0x1: {  	(tag) =	ssettag $0x0;
	lr =	simm.s32 $0x1  }
0x2: {  	[smem:$0x3F7D] =	sst lr;
	_ =	strace $0xD0000000  }
0x3: {  	_ = 	snop  }
0x4: {  	_ = 	snop  }
0x5: {  	_ = 	snop  }
0x6: {  	_ = 	snop  }
0x7: {  	_ = 	snop  }
__scs_overlays_trampoline_lowered:
0x8: {  	[smem:$0x3F8C] =	sst s0  }
0x9: {  	[smem:$0x3F8D] =	sst s1  }
0xa: {  	[smem:$0x3F8E] =	sst s2  }
0xb: {  	[smem:$0x3F8F] =	sst s3  }
0xc: {  	[smem:$0x3F90] =	sst s4  }
0xd: {  	[smem:$0x3F91] =	sst s5  }
0xe: {  	[smem:$0x3F92] =	sst s6  }
0xf: {  	[smem:$0x3F93] =	sst s7  }
0x10: {  	[smem:$0x3F94] =	sst s8  }
0x11: {  	[smem:$0x3F95] =	sst s9;
	s0 =	simm.s32 @!p0 $0x0  }
0x12: {  	s1 =	sld [smem:$0x3F7B];
	s0 =	simm.s32 @p0 $0x1  }
0x13: {  	[smem:$0x3F96] =	sst s0;
	s0 =	simm.s32 @!p1 $0x0  }
0x14: {  	s2 =	sld [smem:$0x3F7A];
	s0 =	simm.s32 @p1 $0x1  }
0x15: {  	[smem:$0x3F97] =	sst s0;
	s0 =	simm.s32 @!p2 $0x0  }
0x16: {  	s3 =	sld [smem:$0x3FDB];
	s0 =	simm.s32 @p2 $0x1  }
0x17: {  	s4 =	simm.s32 $0x1BF5;
	[smem:$0x3F99] =	sst s0  }
0x18: {  	s0 =	sld [smem:$0x3F7C];
	_ =	swait.ge [sflag:s4], $0x0  }
0x19: {  	s7 =	sld [smem:$0x3F7D]  }
0x1a: {  	s8 =	sadd.s32 $0xFFFFE003, lr  }
0x1b: {  	s9 =	sadd.s32 $0xFFFFFEF7, lr;
	s5 =	simm.s32 $0xFFFFFFFF;
	p2 =	slt.u32 s8, $0xFFFFF086  }
0x1c: {  	p1 =	slt.u32 s9, $0xF7A;
	s5 =	simm.s32 @!p2 $0x0  }
0x1d: {  	s5 =	simm.s32 @p1 $0x1;
	p0 =	seq.s32 s7, s2  }
0x1e: {  	s7 =	smul.u32 @!p0 $0xF7A, s2;
	p2 =	seq.s32 @!p0 s5, $0x0  }
0x1f: {  	s9 =	smul.u32 $0xF7A, s1;
	s8 =	simm.s32 @!p0 $0x1BF5;
	p2 =	por !p2, p0  }
0x20: {  	[sflag:s8] =	ssyncset.s32 @!p0 $0xFFFFF086;
	s6 =	sadd.s32 @!p0 s3, s7;
	s7 =	simm.s32 @!p0 $0x108  }
0x21: {  	s3 =	sadd.s32 s3, s9;
	s6 =	sadd.s32 @!p0 $0x88, s6;
	s7 =	simm.s32 @p2 $0x1082  }
0x22: {  	[simem:s7], [sflag:s8] =	dma.local @!p0 [hbm:s6], $0xF7A  }
0x23: {  	s9 =	sor.u32 $0xD0000000, s2;
	s6 =	simm.s32 $0x108;
	_ =	swait.ge @!p0 [sflag:s8], $0x0  }
0x24: {  	s3 =	sadd.s32 $0x88, s3;
	s6 =	simm.s32 @!p1 $0x1082;
	[sflag:s4] =	ssyncset.s32 $0xFFFFF086  }
0x25: {  	[simem:s6], [sflag:s4] =	dma.local [hbm:s3], $0xF7A  }
0x26: {  	[smem:$0x3F7D] =	sst s1;
	(tag) =	ssettag s2;
	_ =	strace s9  }
0x27: {  	s1 =	sld [smem:$0x3F8D]  }
0x28: {  	s2 =	sld [smem:$0x3F8E]  }
0x29: {  	s4 =	sld [smem:$0x3F90]  }
0x2a: {  	p0 =	seq.s32 s5, $0x0;
	s5 =	sld [smem:$0x3F91]  }
0x2b: {  	s6 =	sld [smem:$0x3F92]  }
0x2c: {  	s7 =	sld [smem:$0x3F93]  }
0x2d: {  	s3 =	simm.s32 $0x108;
	s8 =	sld [smem:$0x3F94]  }
0x2e: {  	s3 =	simm.s32 @!p0 $0x1082;
	s9 =	sld [smem:$0x3F95]  }
0x2f: {  	lr =	sadd.s32 s0, s3;
	s0 =	sld [smem:$0x3F8C]  }
0x30: {  	s3 =	sld [smem:$0x3F8F]  }
0x31: {  	[smem:$0x3F98] =	sst s10  }
0x32: {  	s10 =	sld [smem:$0x3F96];
	_ =	sdelay $0x3  }
0x33: {  	p0 =	seq.s32 s10, $0x1;
	s10 =	sld [smem:$0x3F98];
	_ =	sdelay $0x3  }
0x34: {  	[smem:$0x3F98] =	sst s10  }
0x35: {  	s10 =	sld [smem:$0x3F97];
	_ =	sdelay $0x3  }
0x36: {  	p1 =	seq.s32 s10, $0x1;
	s10 =	sld [smem:$0x3F98];
	_ =	sdelay $0x3  }
0x37: {  	[smem:$0x3F98] =	sst s10  }
0x38: {  	s10 =	sld [smem:$0x3F99]  }
0x39: {  	_ = 	snop;
	(pc) =	sbr.ind lr, $3  }
0x3a: {  	_ = 	snop  }
0x3b: {  	_ = 	snop  }
0x3c: {  	p2 =	seq.s32 s10, $0x1;
	s10 =	sld [smem:$0x3F98]  }
0x3d: {  	_ =	shalt  }
0x3e: {  	_ =	shalt  }
0x3f: {  	_ =	shalt  }
0x40: {  	_ =	shalt  }
0x41: {  	_ =	shalt  }
0x42: {  	_ =	shalt  }
0x43: {  	_ =	shalt  }
0x44: {  	_ =	shalt  }
0x45: {  	_ =	shalt  }
0x46: {  	_ =	shalt  }
0x47: {  	_ =	shalt  }
0x48: {  	_ =	shalt  }
0x49: {  	_ =	shalt  }
0x4a: {  	_ =	shalt  }
0x4b: {  	_ =	shalt  }
0x4c: {  	_ =	shalt  }
0x4d: {  	_ =	shalt  }
0x4e: {  	_ =	shalt  }
0x4f: {  	_ =	shalt  }
0x50: {  	_ =	shalt  }
0x51: {  	_ =	shalt  }
0x52: {  	_ =	shalt  }
0x53: {  	_ =	shalt  }
0x54: {  	_ =	shalt  }
0x55: {  	_ =	shalt  }
0x56: {  	_ =	shalt  }
0x57: {  	_ =	shalt  }
0x58: {  	_ =	shalt  }
0x59: {  	_ =	shalt  }
0x5a: {  	_ =	shalt  }
0x5b: {  	_ =	shalt  }
0x5c: {  	_ =	shalt  }
0x5d: {  	_ =	shalt  }
0x5e: {  	_ =	shalt  }
0x5f: {  	_ =	shalt  }
0x60: {  	_ =	shalt  }
0x61: {  	_ =	shalt  }
0x62: {  	_ =	shalt  }
0x63: {  	_ =	shalt  }
0x64: {  	_ =	shalt  }
0x65: {  	_ =	shalt  }
0x66: {  	_ =	shalt  }
0x67: {  	_ =	shalt  }
0x68: {  	_ =	shalt  }
0x69: {  	_ =	shalt  }
0x6a: {  	_ =	shalt  }
0x6b: {  	_ =	shalt  }
0x6c: {  	_ =	shalt  }
0x6d: {  	_ =	shalt  }
0x6e: {  	_ =	shalt  }
0x6f: {  	_ =	shalt  }
0x70: {  	_ =	shalt  }
0x71: {  	_ =	shalt  }
0x72: {  	_ =	shalt  }
0x73: {  	_ =	shalt  }
0x74: {  	_ =	shalt  }
0x75: {  	_ =	shalt  }
0x76: {  	_ =	shalt  }
0x77: {  	_ =	shalt  }
0x78: {  	_ =	shalt  }
0x79: {  	_ =	shalt  }
0x7a: {  	_ =	shalt  }
0x7b: {  	_ =	shalt  }
0x7c: {  	_ =	shalt  }
0x7d: {  	_ =	shalt  }
0x7e: {  	_ =	shalt  }
0x7f: {  	_ =	shalt  }
0x80: {  	_ =	shalt  }
0x81: {  	_ =	shalt  }
0x82: {  	_ =	shalt  }
0x83: {  	_ =	shalt  }
0x84: {  	_ =	shalt  }
0x85: {  	_ =	shalt  }
0x86: {  	_ =	shalt  }
0x87: {  	_ =	shalt  }
.Lfunc_end0:
.L_simem_size_0:
called_computation.3_lowered:
.L_overlay_start_0:
0x88: {  	s2 =	sld [smem:$0x3FD9]  }
0x89: {  	s3 =	sld [smem:$0x3FFE];
	_ =	sdelay $0x1  }
0x8a: {  	s1 =	srdreg.scid  }
0x8b: {  	s0 =	sand.u32 $0x1, s1  }
0x8c: {  	s14 =	sshll.u32 s0, $0xA;
	s2 =	sadd.s32 s3, s2  }
0x8d: {  	s2 =	sadd.s32 s2, s14  }
0x8e: {  	[smem:$0x3FA4] =	sst s2  }
0x8f: {  	_ = 	snop  }
0x90: {  	s2 =	sld [smem:$0x3FD0];
	_ =	sdelay $0x2  }
0x91: {  	s15 =	simm.s32 $0xA;
	s4 =	simm.s32 $0x10  }
0x92: {  	[smem:s4], [sflag:s15] =	dma.local [hbm:s2], $0x1  }
0x93: {  	_ =	swait.eq [sflag:s15], $0x1  }
0x94: {  	[sflag:s15] =	ssyncset.done $0x0  }
0x95: {  	[sflag:s15] =	ssyncadd.s32 $0xFFFFFFFF  }
0x96: {  	s16 =	sld [smem:$0x11];
	(tm) =	ssettm $0x1  }
0x97: {  	s17 =	sld [smem:$0x3FFB];
	_ =	sdelay $0x3  }
0x98: {  	_ =	strace s17  }
0x99: {  	s3 =	sld [smem:$0x3FFC];
	_ =	sdelay $0x3  }
0x9a: {  	_ =	strace s3  }
0x9b: {  	s3 =	sld [smem:$0x3FFD];
	_ =	sdelay $0x3  }
0x9c: {  	_ =	strace s3  }
0x9d: {  	_ =	strace $0x8FFFFFFF  }
0x9e: {  	s18 =	sld [smem:$0x3FDB];
	_ =	sdelay $0x1  }
0x9f: {  	s19 =	simm.s32 $_scs_section_size  }
0xa0: {  	s5 =	simm.s32 $_size__tile_overlayer_lowered;
	s6 =	simm.s32 $_tile_overlayer_lowered  }
0xa1: {  	s22 =	simm.s32 $0x1BFF;
	s21 =	sshll.u32 s6, $0x1;
	s3 =	sadd.s32 s19, s18  }
0xa2: {  	s7 =	simm.s32 $0x0;
	s20 =	sshll.u32 s5, $0x1;
	s5 =	sadd.s32 s21, s3  }
0xa3: {  	[timem:s7], [sflag:s22] =	dma.local [hbm:s5], s20  }
0xa4: {  	_ =	swait.ge [sflag:s22], s20  }
0xa5: {  	s4 =	ssub.s32 $0x0, s20;
	[sflag:s22] =	ssyncset.done $0x0  }
0xa6: {  	[sflag:s22] =	ssyncadd.s32 s4;
	_ =	sdelay $0x1  }
0xa7: {  	s23 =	simm.s32 $0x1B8B  }
0xa8: {  	_ =	swait.ge [sflag:s23], $0x1  }
0xa9: {  	[sflag:s23] =	ssyncset.done $0x0  }
0xaa: {  	s25 =	simm.s32 $0x1B8E;
	s24 =	sld [smem:$0x3FFE];
	[sflag:s23] =	ssyncadd.s32 $0xFFFFFFFF  }
0xab: {  	s26 =	simm.s32 $execute0_lowered;
	[smem:$0x3FD2] =	sst s25  }
0xac: {  	s5 =	sshll.u32 s26, $0x1;
	_ =	strace $0x8000004F;
	[dreg:$0x1] =	wrdreg $0xFFFFFFFF  }
0xad: {  	s28 =	simm.s32 $_size_execute0_lowered;
	s3 =	sadd.s32 s3, s5;
	[dreg:$0x0] =	wrdreg $0x0  }
0xae: {  	s5 =	sshll.u32 s28, $0x1;
	[dreg:$0x2] =	wrdreg s3  }
0xaf: {  	[dreg:$0x3] =	wrdreg s5  }
0xb0: {  	[dreg:$0x4] =	wrdreg $0xC0  }
0xb1: {  	_ =	task [dreg:s7], $0x5FFFF  }
0xb2: {  	[dreg:$0x1] =	wrdreg $0xFFFFFFFF  }
0xb3: {  	[dreg:$0x0] =	wrdreg $0x60  }
0xb4: {  	[dreg:$0x2] =	wrdreg s16  }
0xb5: {  	[dreg:$0x3] =	wrdreg s24  }
0xb6: {  	[dreg:$0x4] =	wrdreg $0x9  }
0xb7: {  	_ =	task.clear_ibuf [dreg:s7], $0x5FFFF;
	_ =	strace $0x9000004F  }
0xb8: {  	s29 =	simm.s32 $0x9;
	_ =	strace $0x80000051  }
0xb9: {  	_ =	swait.ge [sflag:s29], $0x1  }
0xba: {  	[sflag:s29] =	ssyncadd.s32 $0xFFFFFFFF  }
0xbb: {  	_ =	strace $0x90000051  }
0xbc: {  	_ =	sfence  }
0xbd: {  	s30 =	sld [smem:$0x0];
	_ =	sdelay $0x2  }
0xbe: {  	s31 =	sshll.u32 s1, $0xD;
	s1 =	sshrl.u32 s1, $0x2  }
0xbf: {  	s3 =	sand.u32 $0x4000, s31;
	s1 =	sadd.s32 s1, s30  }
0xc0: {  	s0 =	sor.u32 s3, s0;
	s1 =	sshll.u32 s1, $0x11  }
0xc1: {  	s0 =	sor.u32 s1, s0  }
0xc2: {  	s0 =	sadd.s32 $0x8F2B, s0  }
0xc3: {  	[sflag:s0] =	ssyncadd.remote.s32 $0x1  }
0xc4: {  	_ =	sfence.sel $0xFFFF  }
0xc5: {  	[dreg:$0x0] =	wrdreg $0xFFFFFFFF;
	(pc) =	sbr.abs _section_cstart, $3  }
0xc6: {  	[dreg:$0x1] =	wrdreg $0xFFFFFFFF  }
0xc7: {  	_ =	task.clear_ibuf [dreg:s7], $0x2FFFF;
	_ =	strace $0x9FFFFFFF  }
0xc8: {  	(tm) =	ssettm $0x7FFFFFFF  }
0xc9: {  	_ =	shalt  }
tec
execute0_lowered:
.L_overlay_start_1:
0x0: {  	(tag) =	ssettag $0x1  }
0x1: {  	s0 =	srdreg.scid;
	s2 =	rddreg [dreg:$0x0]  }
0x2: {  	s6 =	rddreg [dreg:$0x1];
	s1 =	stileid.u32  }
0x3: {  	s3 =	simm.s32 $0x0;
	s12 =	simm.s32 $0x5;
	s13 =	simm.s32 $0x2800  }
0x4: {  	s14 =	simm.s32 $0xD000;
	s15 =	simm.s32 $0x80;
	s16 =	simm.s32 $0x5000  }
0x5: {  	s17 =	simm.s32 $0x7000;
	s18 =	simm.s32 $0x1;
	s19 =	simm.s32 $0x9000  }
0x6: {  	s20 =	simm.s32 $0xB000;
	s21 =	simm.s32 $0x2;
	s4 =	sand.u32 $0x1, s0  }
0x7: {  	s22 =	simm.s32 $0x3;
	s23 =	simm.s32 $0x4;
	s5 =	sshll.u32 s4, $0x4  }
0x8: {  	s24 =	simm.s32 $0x0;
	s7 =	ssub.s32 $0x2, s4;
	s10 =	sor.u32 s1, s5  }
0x9: {  	s0 =	rddreg [dreg:$0x2];
	s8 =	sshrl.u32 s7, $0x1;
	s5 =	smul.u32 $0x500, s10  }
0xa: {  	[smem:$0x7FF] =	sst s3;
	s11 =	ssub.s32 s7, s8;
	s7 =	smul.u32 $0x2800, s10  }
0xb: {  	_ =	strace $0x80000050;
	s4 =	sadd.s32 $0x19E00, s6;
	s10 =	smul.u32 $0xA0000, s10  }
0xc: {  	s11 =	smax.u32 s11, $0x1;
	s9 =	sadd.s32 s5, s6;
	s5 =	sadd.s32 $0x2DE00, s6  }
0xd: {  	s6 =	sadd.s32 $0x2E000, s6;
	s8 =	sadd.s32 $0xFE00, s9;
	s9 =	sadd.s32 $0x5E00, s9  }
.LBB2_1:
0xe: {  	[tilespmem:s3], [sflag:$0x5] =	stream.linear.gather [hbm4b:s8+s3], $0x2800, $0x38;
	[tilespmem:$0xD010] =	vst v63  }
0xf: {  	_ =	swait.ge [sflag:s12], $0x2800  }
0x10: {  	[sflag:s12] =	ssyncset.done $0x0  }
0x11: {  	[sflag:s12] =	ssyncadd.s32 $0xFFFFD800  }
0x12: {  	[tilespmem:s13], [sflag:$0x5] =	stream.linear.gather [hbm4b:s9+s3], $0x2800, $0x38;
	[tilespmem:$0xD010] =	vst v63  }
0x13: {  	_ =	swait.ge [sflag:s12], $0x2800  }
0x14: {  	[sflag:s12] =	ssyncset.done $0x0  }
0x15: {  	[sflag:s12] =	ssyncadd.s32 $0xFFFFD800  }
0x16: {  	[tilespmem:s14], [sflag:$0x5] =	stream.linear.gather [hbm4b:s5+s3], $0x10, $0x38;
	[tilespmem:$0xD010] =	vst v63  }
0x17: {  	_ =	swait.ge [sflag:s12], $0x10  }
0x18: {  	[sflag:s12] =	ssyncset.done $0x0  }
0x19: {  	[sflag:s12] =	ssyncadd.s32 $0xFFFFFFF0  }
0x1a: {  	[tilespmem:s16], [sflag:$0x1] =	stream.indirect.gather [hbm4b:s2+s15], $0x40, s3, s15, $0xb8;
	[tilespmem:$0xD010] =	vst v63  }
0x1b: {  	s25 =	simm.s32 $0x0  }
0x1c: {  	[tilespmem:s17], [sflag:$0x1] =	stream.indirect.gather [hbm4b:s4+s15], $0x40, s13, s15, $0xb8;
	[tilespmem:$0xD010] =	vst v63  }
.LBB2_2:
0x1d: {  	_ =	swait.ge [sflag:s18], $0x2000  }
0x1e: {  	[sflag:s18] =	ssyncset.done $0x0  }
0x1f: {  	[sflag:s18] =	ssyncadd.s32 $0xFFFFE000  }
0x20: {  	_ =	swait.ge [sflag:s18], $0x2000  }
0x21: {  	p0 =	seq.s32 s25, $0x0;
	[sflag:s18] =	ssyncset.done $0x0  }
0x22: {  	s26 =	simm.s32 @!p0 $0x4;
	[sflag:s18] =	ssyncadd.s32 $0xFFFFE000  }
0x23: {  	_ =	swait.ge @!p0 [sflag:s26], $0x2000  }
0x24: {  	s28 =	sshll.u32 s25, $0x8;
	[sflag:s26] =	ssyncset.done @!p0 $0x0  }
0x25: {  	s30 =	sor.u32 $0x80, s28;
	[sflag:s26] =	ssyncadd.s32 @!p0 $0xFFFFE000  }
0x26: {  	[tilespmem:s19], [sflag:$0x2] =	stream.indirect.gather [hbm4b:s2+s15], $0x40, s30, s15, $0xb8;
	[tilespmem:$0xD010] =	vst v63  }
0x27: {  	s31 =	sadd.s32 $0x2800, s30  }
0x28: {  	[tilespmem:s20], [sflag:$0x2] =	stream.indirect.gather [hbm4b:s4+s15], $0x40, s31, s15, $0xb8;
	[tilespmem:$0xD010] =	vst v63  }
0x29: {  	s29 =	simm.s32 $0x0;
	v0 =	vld [tilespmem:$0xD000]  }
0x2a: {  	v2 =	vld [tilespmem:s29+$0x7000]  }
0x2b: {  	v3 =	vld [tilespmem:s29+$0x7010]  }
0x2c: {  	v4 =	vld [tilespmem:s29+$0x7020]  }
0x2d: {  	v1 =	vld [tilespmem:s29+$0x7030]  }
0x2e: {  	v5 =	vld [tilespmem:s29+$0x5000]  }
0x2f: {  	v6 =	vld [tilespmem:s29+$0x5010]  }
0x30: {  	s26 =	sadd.s32 s7, s30;
	s30 =	simm.s32 $0x100;
	v7 =	vld [tilespmem:s29+$0x5020]  }
.LBB2_3:
0x31: {  	p0 =	sne.s32 s30, $0x7F00;
	v8 =	vld [tilespmem:s29+$0x5030];
	_ =	sdelay $0x1  }
0x32: {  	v5 =	vadd.f32 v2, v5  }
0x33: {  	s31 =	sshra.s32 s30, $0x2;
	v6 =	vadd.f32 v3, v6  }
0x34: {  	v2 =	vld [tilespmem:s31+$0x7000];
	v9 =	vmul.f32 v5, v0;
	v7 =	vadd.f32 v4, v7  }
0x35: {  	vm0 =	vge.f32 v5, $0.0e+00;
	v3 =	vld [tilespmem:s31+$0x7010];
	v10 =	vmul.f32 v6, v0;
	v8 =	vadd.f32 v1, v8  }
.Ltmp0:
0x36: {  	v4 =	vld [tilespmem:s31+$0x7020];
	v5 =	vsel vm0, v5, v9;
	vm0 =	vge.f32 v6, $0.0e+00;
	v9 =	vmul.f32 v7, v0;
	(pc) =	sbr.rel @p0 .LBB2_3-.Ltmp0, $4  }
0x37: {  	v1 =	vld [tilespmem:s31+$0x7030];
	[tilespmem:s29+$0x5000] =	vst v5;
	v6 =	vsel vm0, v6, v10;
	vm0 =	vge.f32 v7, $0.0e+00;
	v10 =	vmul.f32 v8, v0  }
0x38: {  	v5 =	vld [tilespmem:s31+$0x5000];
	[tilespmem:s29+$0x5010] =	vst v6;
	v7 =	vsel vm0, v7, v9;
	vm0 =	vge.f32 v8, $0.0e+00  }
0x39: {  	v6 =	vld [tilespmem:s31+$0x5010];
	[tilespmem:s29+$0x5020] =	vst v7;
	v8 =	vsel vm0, v8, v10  }
0x3a: {  	s30 =	sadd.s32 $0x100, s30;
	v7 =	vld [tilespmem:s31+$0x5020];
	[tilespmem:s29+$0x5030] =	vst v8;
	s29 =	smov.u32 s31  }
0x3b: {  	v8 =	vld [tilespmem:s29+$0x5030];
	_ =	sdelay $0x1  }
0x3c: {  	v2 =	vadd.f32 v2, v5  }
0x3d: {  	v3 =	vadd.f32 v3, v6  }
0x3e: {  	v5 =	vmul.f32 v2, v0;
	v4 =	vadd.f32 v4, v7  }
0x3f: {  	vm0 =	vge.f32 v2, $0.0e+00;
	v6 =	vmul.f32 v3, v0;
	v1 =	vadd.f32 v1, v8  }
0x40: {  	vm13 =	vge.f32 v3, $0.0e+00;
	v2 =	vsel vm0, v2, v5;
	v5 =	vmul.f32 v4, v0  }
0x41: {  	s30 =	sshll.u32 s25, $0xE;
	vm14 =	vge.f32 v4, $0.0e+00;
	[tilespmem:s29+$0x5000] =	vst v2;
	v2 =	vsel vm13, v3, v6;
	v0 =	vmul.f32 v1, v0  }
0x42: {  	s30 =	sadd.s32 s10, s30;
	vm15 =	vge.f32 v1, $0.0e+00;
	[tilespmem:s29+$0x5010] =	vst v2;
	v2 =	vsel vm14, v4, v5  }
0x43: {  	s30 =	sshrl.u32 s30, $0x3;
	[tilespmem:s29+$0x5020] =	vst v2;
	v0 =	vsel vm15, v1, v0  }
0x44: {  	[tilespmem:s29+$0x5030] =	vst v0;
	s29 =	sadd.s32 s6, s30  }
0x45: {  	[hbm4b:s29+s3] =	stream.linear.scatter [tilespmem:s16], [sflag:$0x3], $0x2000, $0x38;
	[tilespmem:$0xD010] =	vst v63  }
0x46: {  	_ =	swait.ge [sflag:s21], $0x2000  }
0x47: {  	[sflag:s21] =	ssyncset.done $0x0  }
0x48: {  	[sflag:s21] =	ssyncadd.s32 $0xFFFFE000  }
0x49: {  	_ =	swait.ge [sflag:s21], $0x2000  }
0x4a: {  	p0 =	seq.s32 s25, $0x27;
	[sflag:s21] =	ssyncset.done $0x0  }
0x4b: {  	s29 =	simm.s32 @!p0 $0x3;
	[sflag:s21] =	ssyncadd.s32 $0xFFFFE000  }
0x4c: {  	_ =	swait.ge @!p0 [sflag:s29], $0x2000  }
0x4d: {  	s31 =	simm.s32 @!p0 $0x5000;
	[sflag:s29] =	ssyncset.done @!p0 $0x0  }
0x4e: {  	s30 =	simm.s32 @!p0 $0x80;
	[sflag:s29] =	ssyncadd.s32 @!p0 $0xFFFFE000;
	s29 =	sadd.s32 @!p0 $0x100, s28  }
0x4f: {  	[tilespmem:s31], [sflag:$0x1] =	stream.indirect.gather @!p0 [hbm4b:s2+s30], $0x40, s29, s30, $0xb8;
	[tilespmem:$0xD010] =	vst v63  }
0x50: {  	s28 =	sadd.s32 @!p0 $0x2900, s28;
	s29 =	simm.s32 @!p0 $0x7000  }
0x51: {  	[tilespmem:s29], [sflag:$0x1] =	stream.indirect.gather @!p0 [hbm4b:s4+s30], $0x40, s28, s30, $0xb8;
	[tilespmem:$0xD010] =	vst v63  }
0x52: {  	s28 =	simm.s32 $0x0;
	v0 =	vld [tilespmem:$0xD000]  }
0x53: {  	v2 =	vld [tilespmem:s28+$0xB000]  }
0x54: {  	v3 =	vld [tilespmem:s28+$0xB010]  }
0x55: {  	v4 =	vld [tilespmem:s28+$0xB020]  }
0x56: {  	v1 =	vld [tilespmem:s28+$0xB030]  }
0x57: {  	v5 =	vld [tilespmem:s28+$0x9000]  }
0x58: {  	v7 =	vld [tilespmem:s28+$0x9010]  }
0x59: {  	s29 =	simm.s32 $0x100;
	v6 =	vld [tilespmem:s28+$0x9020]  }
.LBB2_5:
0x5a: {  	p0 =	sne.s32 s29, $0x7F00;
	v8 =	vld [tilespmem:s28+$0x9030];
	_ =	sdelay $0x1  }
0x5b: {  	v5 =	vadd.f32 v2, v5  }
0x5c: {  	s30 =	sshra.s32 s29, $0x2;
	v7 =	vadd.f32 v3, v7  }
0x5d: {  	v2 =	vld [tilespmem:s30+$0xB000];
	v9 =	vmul.f32 v5, v0;
	v6 =	vadd.f32 v4, v6  }
0x5e: {  	vm0 =	vge.f32 v5, $0.0e+00;
	v3 =	vld [tilespmem:s30+$0xB010];
	v10 =	vmul.f32 v7, v0;
	v8 =	vadd.f32 v1, v8  }
.Ltmp1:
0x5f: {  	v4 =	vld [tilespmem:s30+$0xB020];
	v5 =	vsel vm0, v5, v9;
	vm0 =	vge.f32 v7, $0.0e+00;
	v9 =	vmul.f32 v6, v0;
	(pc) =	sbr.rel @p0 .LBB2_5-.Ltmp1, $4  }
0x60: {  	v1 =	vld [tilespmem:s30+$0xB030];
	[tilespmem:s28+$0x9000] =	vst v5;
	v7 =	vsel vm0, v7, v10;
	vm0 =	vge.f32 v6, $0.0e+00;
	v10 =	vmul.f32 v8, v0  }
0x61: {  	v5 =	vld [tilespmem:s30+$0x9000];
	[tilespmem:s28+$0x9010] =	vst v7;
	v6 =	vsel vm0, v6, v9;
	vm0 =	vge.f32 v8, $0.0e+00  }
0x62: {  	v7 =	vld [tilespmem:s30+$0x9010];
	[tilespmem:s28+$0x9020] =	vst v6;
	v8 =	vsel vm0, v8, v10  }
0x63: {  	s29 =	sadd.s32 $0x100, s29;
	v6 =	vld [tilespmem:s30+$0x9020];
	[tilespmem:s28+$0x9030] =	vst v8;
	s28 =	smov.u32 s30  }
0x64: {  	v8 =	vld [tilespmem:s28+$0x9030];
	_ =	sdelay $0x1  }
0x65: {  	v2 =	vadd.f32 v2, v5  }
0x66: {  	v3 =	vadd.f32 v3, v7  }
0x67: {  	v5 =	vmul.f32 v2, v0;
	v4 =	vadd.f32 v4, v6  }
0x68: {  	s25 =	sadd.s32 $0x1, s25;
	vm0 =	vge.f32 v2, $0.0e+00;
	v59 =	vmul.f32 v3, v0;
	v1 =	vadd.f32 v1, v8  }
0x69: {  	p0 =	sne.s32 s25, $0x28;
	vm13 =	vge.f32 v3, $0.0e+00;
	v2 =	vsel vm0, v2, v5;
	v60 =	vmul.f32 v4, v0  }
.Ltmp2:
0x6a: {  	vm14 =	vge.f32 v4, $0.0e+00;
	[tilespmem:s28+$0x9000] =	vst v2;
	v61 =	vsel vm13, v3, v59;
	v62 =	vmul.f32 v1, v0;
	(pc) =	sbr.rel @p0 .LBB2_2-.Ltmp2, $4  }
0x6b: {  	s26 =	sshll.u32 s26, $0x3;
	vm15 =	vge.f32 v1, $0.0e+00;
	[tilespmem:s28+$0x9010] =	vst v61;
	v63 =	vsel vm14, v4, v60  }
0x6c: {  	s26 =	sand.u32 $0x1FFFFC00, s26;
	[tilespmem:s28+$0x9020] =	vst v63;
	v0 =	vsel vm15, v1, v62  }
0x6d: {  	s26 =	sadd.s32 s6, s26;
	[tilespmem:s28+$0x9030] =	vst v0  }
0x6e: {  	[hbm4b:s26+s3] =	stream.linear.scatter [tilespmem:s19], [sflag:$0x4], $0x2000, $0x38;
	[tilespmem:$0xD010] =	vst v63  }
0x6f: {  	s24 =	sadd.s32 $0x1, s24  }
0x70: {  	_ =	swait.ge [sflag:s22], $0x2000;
	p0 =	sne.s32 s24, s11  }
.Ltmp3:
0x71: {  	[sflag:s22] =	ssyncset.done $0x0;
	(pc) =	sbr.rel @p0 .LBB2_1-.Ltmp3, $4  }
0x72: {  	[sflag:s22] =	ssyncadd.s32 $0xFFFFE000  }
0x73: {  	_ =	swait.ge [sflag:s23], $0x2000  }
0x74: {  	[sflag:s23] =	ssyncset.done $0x0  }
0x75: {  	[sflag:s23] =	ssyncadd.s32 $0xFFFFE000  }
0x76: {  	_ =	sfence.sel $0x180000  }
0x77: {  	[bflag:$0x0] =	sbarrier.arrive $0xFFFF  }
0x78: {  	p0 =	sne.s32 s1, $0x0;
	_ =	strace $0x90000050  }
0x79: {  	s0 =	sadd.s32 @!p0 $0x100000, s0;
	[bflag:$0x2] =	sbarrier.arrive $0xFFFF  }
0x7a: {  	[sflag:s0] =	ssyncadd.tile.s32 @!p0 $0x1;
	_ =	shalt  }
.Lfunc_end2:
_tile_overlayer_lowered:
.L_overlay_start_2:
0x7b: {  	(tag) =	ssettag $0x2  }
0x7c: {  	s0 =	rddreg [dreg:$0x0];
	s2 =	stileid.u32  }
0x7d: {  	s1 =	rddreg [dreg:$0x1];
	p0 =	sne.s32 s2, $0x0  }
0x7e: {  	s3 =	rddreg [dreg:$0x2];
	[bflag:$0x3] =	sbarrier.arrive $0xFFFF;
	s2 =	simm.s32 @!p0 $0x1C05  }
0x7f: {  	[timem:s3], [sflag:s2] =	dma.local @!p0 [hbm:s0], s1  }
0x80: {  	s0 =	simm.s32 @!p0 $0x5  }
0x81: {  	_ =	swait.ge @!p0 [sflag:s0], s1  }
0x82: {  	s1 =	ssub.s32 @!p0 $0x0, s1;
	[sflag:s0] =	ssyncset.done @!p0 $0x0  }
0x83: {  	[sflag:s0] =	ssyncadd.s32 @!p0 s1  }
0x84: {  	[bflag:$0x3] =	sbarrier.arrive $0xFFFF  }
0x85: {  	_ =	shalt  }

</sc_bundles>
